<compile_context>
chip_gen: v7x
topology: tpu7x:2x2x1
jax: 0.10.2.dev20260603
libtpu: 0.0.44.dev20260713+nightly
codegen_flags: <defaults>
</compile_context>

<pallas_src>
import jax
import jax.numpy as jnp
from jax import lax
from jax.experimental import pallas as pl
from jax.experimental.pallas import tpu as pltpu
from jax.experimental.pallas import tpu_sc as plsc

_N = 20480
_PRE = 6000
_CAP = 6144 + 20480
_TRASH = 6144
_THR = 0.3
_K = 300
_NEG = float("-inf")
_LANES = 128
_SUB = 8
_NW = 32
_CHK = 128
_PER = _N // 16
_VEC = 16



def _thresh_body(scores_ref, dest_ref):
    R = scores_ref.shape[0]
    scores = scores_ref[:]
    sbits = lax.bitcast_convert_type(scores, jnp.int32)
    row = lax.broadcasted_iota(jnp.int32, (R, _LANES), 0)
    col = lax.broadcasted_iota(jnp.int32, (R, _LANES), 1)
    flat = row * _LANES + col

    def bs_val(_, lh):
        lo, hi = lh
        mid = lo + (hi - lo) // 2
        below = jnp.sum((sbits > mid).astype(jnp.int32)) < _PRE
        return (jnp.where(below, lo, mid + 1), jnp.where(below, mid, hi))

    tbits, _ = lax.fori_loop(0, 31, bs_val,
                             (jnp.int32(0), jnp.int32(0x3F800000)))
    gt = sbits > tbits
    eq = sbits == tbits
    need = _PRE - jnp.sum(gt.astype(jnp.int32))

    def bs_idx(_, lh):
        lo, hi = lh
        mid = lo + (hi - lo) // 2
        ok = jnp.sum((eq & (flat < mid)).astype(jnp.int32)) >= need
        return (jnp.where(ok, lo, mid + 1), jnp.where(ok, mid, hi))

    cut, _ = lax.fori_loop(0, 16, bs_idx,
                           (jnp.int32(0), jnp.int32(R * _LANES)))
    elig = gt | (eq & (flat < cut))

    eli = jnp.where(elig, 1, 0).astype(jnp.int32)
    x = eli
    for k in (1, 2, 4, 8, 16, 32, 64):
        x = x + jnp.where(col >= k, pltpu.roll(x, k, 1), 0)
    rowtot = jnp.max(x, axis=1, keepdims=True)
    s = rowtot
    for k in (1, 2, 4, 8, 16, 32, 64, 128):
        s = s + jnp.where(row[:, 0:1] >= k, pltpu.roll(s, k, 0), 0)
    dest = (s - rowtot) + (x - eli)
    dest_ref[:] = jnp.where(elig, dest, _TRASH + flat)



def _sc_compact_body(p0, p1, p2, p3, p4, p5, p6, dest_hbm,
                     o0, o1, o2, o3, o4, o5, o6,
                     v0, v1, v2, v3, v4, v5, v6,
                     i0, i1, i2, i3, i4, i5, i6, i7, i8, i9,
                     s0, s1, s2, s3, s4, s5, s6, sem):
    cid = lax.axis_index("c")
    sid = lax.axis_index("s")
    active = cid == 0
    base = sid * _PER
    planes = (p0, p1, p2, p3, p4, p5, p6)
    outs = (o0, o1, o2, o3, o4, o5, o6)
    vals = (v0, v1, v2, v3, v4, v5, v6)
    shared = (s0, s1, s2, s3, s4, s5, s6)
    idxs = (i0, i1, i2, i3, i4, i5, i6, i7, i8, i9)
    nch = _PER // _CHK
    slc = _TRASH // 16

    @pl.when(active)
    def _():
        loads = [pltpu.async_copy(dest_hbm.at[pl.ds(base + j * _CHK, _CHK)],
                                  idxs[j], sem) for j in range(nch)]
        loads += [pltpu.async_copy(planes[k].at[pl.ds(base, _PER)], vals[k],
                                   sem) for k in range(7)]
        for h in loads:
            h.wait()
        stores = [pltpu.async_copy(vals[k].at[pl.ds(j * _CHK, _CHK)],
                                   shared[k].at[idxs[j]], sem)
                  for k in range(7) for j in range(nch)]
        for h in stores:
            h.wait()

    plsc.subcore_barrier()

    @pl.when(active)
    def _():
        outc = [pltpu.async_copy(shared[k].at[pl.ds(sid * slc, slc)],
                                 outs[k].at[pl.ds(sid * slc, slc)], sem)
                for k in range(7)]
        for h in outc:
            h.wait()


def _sc_compact(planes, dest):
    mesh = plsc.VectorSubcoreMesh(core_axis_name="c", subcore_axis_name="s")
    f = pl.kernel(
        _sc_compact_body,
        mesh=mesh,
        out_type=[jax.ShapeDtypeStruct((_TRASH,), jnp.float32)] * 7,
        scratch_types=[pltpu.VMEM((_PER,), jnp.float32)] * 7
        + [pltpu.VMEM((_CHK,), jnp.int32)] * (_PER // _CHK)
        + [pltpu.VMEM_SHARED((_CAP,), jnp.float32)] * 7
        + [pltpu.SemaphoreType.DMA],
    )
    return f(*[planes[k] for k in range(7)], dest)



def _nms_body(scores_ref, c0r, c1r, c2r, c3r, c4r, c5r,
              out_ref, ws_ref, vols_ref):
    R = scores_ref.shape[0]
    NCH = R // _SUB
    big = jnp.int32(2 ** 30)
    crefs = (c0r, c1r, c2r, c3r, c4r, c5r)
    rowf = lax.broadcasted_iota(jnp.int32, (R, _LANES), 0)
    colf = lax.broadcasted_iota(jnp.int32, (R, _LANES), 1)
    flatf = rowf * _LANES + colf
    ws_ref[:] = jnp.where(flatf < _PRE, scores_ref[:], _NEG)
    vols_ref[:] = ((c3r[:] - c0r[:]) * (c4r[:] - c1r[:]) * (c5r[:] - c2r[:]))

    ii = (lax.broadcasted_iota(jnp.int32, (_SUB, _LANES), 0) * _LANES
          + lax.broadcasted_iota(jnp.int32, (_SUB, _LANES), 1))
    lane = lax.broadcasted_iota(jnp.int32, (1, _LANES), 1)

    def comb_ordered(acc, v, i):
        if acc is None:
            return (v, i)
        av, ai = acc
        return (jnp.maximum(av, v), jnp.where(av >= v, ai, i))

    def comb_lex(a, b):
        av, ai = a
        bv, bi = b
        c = (av > bv) | ((av == bv) & (ai < bi))
        return (jnp.where(c, av, bv), jnp.where(c, ai, bi))

    accs = [None, None]
    for c in range(NCH):
        w = ws_ref[pl.ds(c * _SUB, _SUB), :]
        accs[c & 1] = comb_ordered(accs[c & 1], w, ii + c * _SUB * _LANES)
    v0, i0 = comb_lex(accs[0], accs[1])
    m0 = jnp.max(v0)
    idx0 = jnp.min(jnp.where(v0 == m0, i0, big))

    def body(i, carry):
        v8, i8 = carry
        m = jnp.max(v8)
        empty = m == _NEG
        sel = jnp.min(jnp.where(v8 == m, i8, big))
        sel = jnp.where(empty, idx0, sel)
        sc = jnp.where(empty, m0, m)
        rrow = lax.shift_right_logical(sel, 7)
        lsel = lax.bitwise_and(sel, 127)
        lmask = lane == lsel

        def pick(k):
            rowv = crefs[k][pl.ds(rrow, 1), :]
            return jnp.max(jnp.where(lmask, rowv, _NEG),
                           axis=1, keepdims=True)

        y1 = pick(0)
        x1 = pick(1)
        z1 = pick(2)
        y2 = pick(3)
        x2 = pick(4)
        z2 = pick(5)
        vol1 = (y2 - y1) * (x2 - x1) * (z2 - z1)

        accs = [None, None]
        for c in range(NCH):
            sl = pl.ds(c * _SUB, _SUB)
            w = ws_ref[sl, :]
            b0 = c0r[sl, :]
            b1 = c1r[sl, :]
            b2 = c2r[sl, :]
            b3 = c3r[sl, :]
            b4 = c4r[sl, :]
            b5 = c5r[sl, :]
            vv = vols_ref[sl, :]
            inter = (jnp.maximum(jnp.minimum(y2, b3) - jnp.maximum(y1, b0), 0.0)
                     * jnp.maximum(jnp.minimum(x2, b4) - jnp.maximum(x1, b1), 0.0)
                     * jnp.maximum(jnp.minimum(z2, b5) - jnp.maximum(z1, b2), 0.0))
            iou = inter / ((vol1 + vv - inter) + 1e-8)
            neww = jnp.where(iou > _THR, _NEG, w)
            ws_ref[sl, :] = neww
            accs[c & 1] = comb_ordered(accs[c & 1], neww,
                                       ii + c * _SUB * _LANES)

        v = jnp.full((1, _LANES), 0.0, jnp.float32)
        for j, val in enumerate((y1, x1, z1, y2, x2, z2, sc)):
            v = jnp.where(lane == j, val, v)
        out_ref[pl.ds(i, 1), :] = v
        return comb_lex(accs[0], accs[1])

    lax.fori_loop(0, _K, body, (v0, i0))


@jax.jit
def kernel(boxes, scores):
    n = scores.shape[0]
    pad = _N - n
    scores_p = jnp.concatenate(
        [scores, jnp.full((pad,), _NEG, jnp.float32)])
    boxes_p = jnp.concatenate([boxes, jnp.zeros((pad, 6), jnp.float32)],
                              axis=0)
    dest_plane = pl.pallas_call(
        _thresh_body,
        out_shape=jax.ShapeDtypeStruct((_N // _LANES, _LANES), jnp.int32),
    )(scores_p.reshape(_N // _LANES, _LANES))

    planes = list(boxes_p.T) + [scores_p]
    comp = _sc_compact(planes, dest_plane.reshape(_N))
    shaped = [comp[k].reshape(_TRASH // _LANES, _LANES) for k in range(7)]

    out = pl.pallas_call(
        _nms_body,
        out_shape=jax.ShapeDtypeStruct((304, _LANES), jnp.float32),
        scratch_shapes=[
            pltpu.VMEM((_TRASH // _LANES, _LANES), jnp.float32),
            pltpu.VMEM((_TRASH // _LANES, _LANES), jnp.float32),
        ],
    )(shaped[6], *shaped[:6])
    return out[:_K, :7]

# --- scband reference (transcript-rebuilt; emitter-appended) ---
"""Pipeline reference for scband-lung-net-5239860101276 (READ-ONLY COPY).

The authoritative reference and input builder live on the scoring server;
editing this copy changes nothing except your own understanding.
"""

import jax, jax.numpy as jnp
import numpy as np

PRE_NMS_LIMIT = 6000
NMS_THRESHOLD = 0.3
MAX_OUTPUT_NUM = 300


def setup_inputs(seed: int = 0) -> dict:
    key = jax.random.key(seed)
    k1, k2, k3 = jax.random.split(key, 3)
    corner = jax.random.uniform(k1, (20000, 3), minval=0.0, maxval=96.0)
    size = jax.random.uniform(k2, (20000, 3), minval=4.0, maxval=36.0)
    boxes = jnp.concatenate([corner, corner + size], axis=1).astype(jnp.float32)
    scores = jax.random.uniform(k3, (20000,), dtype=jnp.float32)
    return {"boxes": boxes, "scores": scores}


def _iou3d(box, boxes):
    # box: [6] (y1,x1,z1,y2,x2,z2); boxes: [N,6]
    y1 = jnp.maximum(box[0], boxes[:, 0])
    x1 = jnp.maximum(box[1], boxes[:, 1])
    z1 = jnp.maximum(box[2], boxes[:, 2])
    y2 = jnp.minimum(box[3], boxes[:, 3])
    x2 = jnp.minimum(box[4], boxes[:, 4])
    z2 = jnp.minimum(box[5], boxes[:, 5])
    inter = jnp.clip(y2 - y1, 0.0) * jnp.clip(x2 - x1, 0.0) * jnp.clip(z2 - z1, 0.0)
    vol1 = (box[3] - box[0]) * (box[4] - box[1]) * (box[5] - box[2])
    vols = (boxes[:, 3] - boxes[:, 0]) * (boxes[:, 4] - boxes[:, 1]) * (boxes[:, 5] - boxes[:, 2])
    union = vol1 + vols - inter
    return inter / (union + 1e-8)


def _proposal_nms(boxes, scores):
    # Proposal layer core: score top-k pre-filter then greedy 3D NMS.
    topk_scores, topk_idx = jax.lax.top_k(scores, PRE_NMS_LIMIT)
    boxes_k = jnp.take(boxes, topk_idx, axis=0)

    def body(i, state):
        keep, suppressed = state
        masked = jnp.where(suppressed, -jnp.inf, topk_scores)
        idx = jnp.argmax(masked)
        keep = keep.at[i].set(idx.astype(jnp.int32))
        cur = boxes_k[idx]
        ious = _iou3d(cur, boxes_k)
        suppressed = suppressed | (ious > NMS_THRESHOLD)
        suppressed = suppressed.at[idx].set(True)
        return (keep, suppressed)

    keep0 = jnp.zeros((MAX_OUTPUT_NUM,), dtype=jnp.int32)
    sup0 = jnp.zeros((PRE_NMS_LIMIT,), dtype=bool)
    keep, _ = jax.lax.fori_loop(0, MAX_OUTPUT_NUM, body, (keep0, sup0))

    kept_boxes = jnp.take(boxes_k, keep, axis=0)
    kept_scores = jnp.take(topk_scores, keep)
    return jnp.concatenate([kept_boxes, kept_scores[:, None]], axis=1)


def reference(boxes, scores):
    return _proposal_nms(boxes, scores)

if __name__ == "__main__":
    import jax
    _d = setup_inputs()
    print(jax.jit(kernel)(*tuple(_d.values())))

</pallas_src>

<mosaic_0001>
#map = affine_map<(d0, d1) -> (0)>
module attributes {stable_mosaic.version = 14 : i64} {
  func.func @_sc_compact_body(%arg0: i32, %arg1: i32, %arg2: memref<20480xf32, #tpu.memory_space<hbm>>, %arg3: memref<20480xf32, #tpu.memory_space<hbm>>, %arg4: memref<20480xf32, #tpu.memory_space<hbm>>, %arg5: memref<20480xf32, #tpu.memory_space<hbm>>, %arg6: memref<20480xf32, #tpu.memory_space<hbm>>, %arg7: memref<20480xf32, #tpu.memory_space<hbm>>, %arg8: memref<20480xf32, #tpu.memory_space<hbm>>, %arg9: memref<20480xi32, #tpu.memory_space<hbm>>, %arg10: memref<6144xf32, #tpu.memory_space<hbm>>, %arg11: memref<6144xf32, #tpu.memory_space<hbm>>, %arg12: memref<6144xf32, #tpu.memory_space<hbm>>, %arg13: memref<6144xf32, #tpu.memory_space<hbm>>, %arg14: memref<6144xf32, #tpu.memory_space<hbm>>, %arg15: memref<6144xf32, #tpu.memory_space<hbm>>, %arg16: memref<6144xf32, #tpu.memory_space<hbm>>, %arg17: memref<1280xf32, #tpu.memory_space<vmem>>, %arg18: memref<1280xf32, #tpu.memory_space<vmem>>, %arg19: memref<1280xf32, #tpu.memory_space<vmem>>, %arg20: memref<1280xf32, #tpu.memory_space<vmem>>, %arg21: memref<1280xf32, #tpu.memory_space<vmem>>, %arg22: memref<1280xf32, #tpu.memory_space<vmem>>, %arg23: memref<1280xf32, #tpu.memory_space<vmem>>, %arg24: memref<128xi32, #tpu.memory_space<vmem>>, %arg25: memref<128xi32, #tpu.memory_space<vmem>>, %arg26: memref<128xi32, #tpu.memory_space<vmem>>, %arg27: memref<128xi32, #tpu.memory_space<vmem>>, %arg28: memref<128xi32, #tpu.memory_space<vmem>>, %arg29: memref<128xi32, #tpu.memory_space<vmem>>, %arg30: memref<128xi32, #tpu.memory_space<vmem>>, %arg31: memref<128xi32, #tpu.memory_space<vmem>>, %arg32: memref<128xi32, #tpu.memory_space<vmem>>, %arg33: memref<128xi32, #tpu.memory_space<vmem>>, %arg34: memref<26624xf32, #tpu.memory_space<vmem_shared>>, %arg35: memref<26624xf32, #tpu.memory_space<vmem_shared>>, %arg36: memref<26624xf32, #tpu.memory_space<vmem_shared>>, %arg37: memref<26624xf32, #tpu.memory_space<vmem_shared>>, %arg38: memref<26624xf32, #tpu.memory_space<vmem_shared>>, %arg39: memref<26624xf32, #tpu.memory_space<vmem_shared>>, %arg40: memref<26624xf32, #tpu.memory_space<vmem_shared>>, %arg41: memref<!tpu.dma_semaphore, #tpu.memory_space<semaphore_mem>>) attributes {dimension_semantics = [#tpu.dimension_semantics<core_parallel>, #tpu.dimension_semantics<subcore_parallel>], iteration_bounds = array<i64: 2, 16>, scalar_prefetch = 0 : i64, scratch_operands = 25 : i64, tpu.core_type = #tpu.core_type<sc_vector_subcore>, window_params = [{transform_indices = #map}, {transform_indices = #map}, {transform_indices = #map}, {transform_indices = #map}, {transform_indices = #map}, {transform_indices = #map}, {transform_indices = #map}, {transform_indices = #map}, {transform_indices = #map}, {transform_indices = #map}, {transform_indices = #map}, {transform_indices = #map}, {transform_indices = #map}, {transform_indices = #map}, {transform_indices = #map}]} {
    %eq3A = arith.constant 0 : i32
    %eq3A_0 = arith.cmpi eq, %arg0, %eq3A : i32
    %mul3A = arith.constant 1280 : i32
    %mul3A_1 = arith.muli %arg1, %mul3A : i32
    %convert_element_type3A = arith.extui %eq3A_0 : i1 to i32
    %cond3A = arith.constant 0 : i32
    %cond3A_2 = arith.cmpi ne, %convert_element_type3A, %cond3A : i32
    scf.if %cond3A_2 {
      %add3A = arith.constant 0 : i32
      %add3A_6 = arith.addi %mul3A_1, %add3A : i32
      %dma_start3A = tpu.memref_slice %arg9[%add3A_6] : memref<20480xi32, #tpu.memory_space<hbm>> -> memref<128xi32, #tpu.memory_space<hbm>>
      %dma_start3A_7 = tpu.memref_slice %arg9[%add3A_6] : memref<20480xi32, #tpu.memory_space<hbm>> -> memref<128xi32, #tpu.memory_space<hbm>>
      tpu.enqueue_dma source(%dma_start3A_7 : memref<128xi32, #tpu.memory_space<hbm>>) target(%arg24 : memref<128xi32, #tpu.memory_space<vmem>>) target_semaphore(%arg41 : memref<!tpu.dma_semaphore, #tpu.memory_space<semaphore_mem>>)
      %add3A_8 = arith.constant 128 : i32
      %add3A_9 = arith.addi %mul3A_1, %add3A_8 : i32
      %dma_start3A_10 = tpu.memref_slice %arg9[%add3A_9] : memref<20480xi32, #tpu.memory_space<hbm>> -> memref<128xi32, #tpu.memory_space<hbm>>
      %dma_start3A_11 = tpu.memref_slice %arg9[%add3A_9] : memref<20480xi32, #tpu.memory_space<hbm>> -> memref<128xi32, #tpu.memory_space<hbm>>
      tpu.enqueue_dma source(%dma_start3A_11 : memref<128xi32, #tpu.memory_space<hbm>>) target(%arg25 : memref<128xi32, #tpu.memory_space<vmem>>) target_semaphore(%arg41 : memref<!tpu.dma_semaphore, #tpu.memory_space<semaphore_mem>>)
      %add3A_12 = arith.constant 256 : i32
      %add3A_13 = arith.addi %mul3A_1, %add3A_12 : i32
      %dma_start3A_14 = tpu.memref_slice %arg9[%add3A_13] : memref<20480xi32, #tpu.memory_space<hbm>> -> memref<128xi32, #tpu.memory_space<hbm>>
      %dma_start3A_15 = tpu.memref_slice %arg9[%add3A_13] : memref<20480xi32, #tpu.memory_space<hbm>> -> memref<128xi32, #tpu.memory_space<hbm>>
      tpu.enqueue_dma source(%dma_start3A_15 : memref<128xi32, #tpu.memory_space<hbm>>) target(%arg26 : memref<128xi32, #tpu.memory_space<vmem>>) target_semaphore(%arg41 : memref<!tpu.dma_semaphore, #tpu.memory_space<semaphore_mem>>)
      %add3A_16 = arith.constant 384 : i32
      %add3A_17 = arith.addi %mul3A_1, %add3A_16 : i32
      %dma_start3A_18 = tpu.memref_slice %arg9[%add3A_17] : memref<20480xi32, #tpu.memory_space<hbm>> -> memref<128xi32, #tpu.memory_space<hbm>>
      %dma_start3A_19 = tpu.memref_slice %arg9[%add3A_17] : memref<20480xi32, #tpu.memory_space<hbm>> -> memref<128xi32, #tpu.memory_space<hbm>>
      tpu.enqueue_dma source(%dma_start3A_19 : memref<128xi32, #tpu.memory_space<hbm>>) target(%arg27 : memref<128xi32, #tpu.memory_space<vmem>>) target_semaphore(%arg41 : memref<!tpu.dma_semaphore, #tpu.memory_space<semaphore_mem>>)
      %add3A_20 = arith.constant 512 : i32
      %add3A_21 = arith.addi %mul3A_1, %add3A_20 : i32
      %dma_start3A_22 = tpu.memref_slice %arg9[%add3A_21] : memref<20480xi32, #tpu.memory_space<hbm>> -> memref<128xi32, #tpu.memory_space<hbm>>
      %dma_start3A_23 = tpu.memref_slice %arg9[%add3A_21] : memref<20480xi32, #tpu.memory_space<hbm>> -> memref<128xi32, #tpu.memory_space<hbm>>
      tpu.enqueue_dma source(%dma_start3A_23 : memref<128xi32, #tpu.memory_space<hbm>>) target(%arg28 : memref<128xi32, #tpu.memory_space<vmem>>) target_semaphore(%arg41 : memref<!tpu.dma_semaphore, #tpu.memory_space<semaphore_mem>>)
      %add3A_24 = arith.constant 640 : i32
      %add3A_25 = arith.addi %mul3A_1, %add3A_24 : i32
      %dma_start3A_26 = tpu.memref_slice %arg9[%add3A_25] : memref<20480xi32, #tpu.memory_space<hbm>> -> memref<128xi32, #tpu.memory_space<hbm>>
      %dma_start3A_27 = tpu.memref_slice %arg9[%add3A_25] : memref<20480xi32, #tpu.memory_space<hbm>> -> memref<128xi32, #tpu.memory_space<hbm>>
      tpu.enqueue_dma source(%dma_start3A_27 : memref<128xi32, #tpu.memory_space<hbm>>) target(%arg29 : memref<128xi32, #tpu.memory_space<vmem>>) target_semaphore(%arg41 : memref<!tpu.dma_semaphore, #tpu.memory_space<semaphore_mem>>)
      %add3A_28 = arith.constant 768 : i32
      %add3A_29 = arith.addi %mul3A_1, %add3A_28 : i32
      %dma_start3A_30 = tpu.memref_slice %arg9[%add3A_29] : memref<20480xi32, #tpu.memory_space<hbm>> -> memref<128xi32, #tpu.memory_space<hbm>>
      %dma_start3A_31 = tpu.memref_slice %arg9[%add3A_29] : memref<20480xi32, #tpu.memory_space<hbm>> -> memref<128xi32, #tpu.memory_space<hbm>>
      tpu.enqueue_dma source(%dma_start3A_31 : memref<128xi32, #tpu.memory_space<hbm>>) target(%arg30 : memref<128xi32, #tpu.memory_space<vmem>>) target_semaphore(%arg41 : memref<!tpu.dma_semaphore, #tpu.memory_space<semaphore_mem>>)
      %add3A_32 = arith.constant 896 : i32
      %add3A_33 = arith.addi %mul3A_1, %add3A_32 : i32
      %dma_start3A_34 = tpu.memref_slice %arg9[%add3A_33] : memref<20480xi32, #tpu.memory_space<hbm>> -> memref<128xi32, #tpu.memory_space<hbm>>
      %dma_start3A_35 = tpu.memref_slice %arg9[%add3A_33] : memref<20480xi32, #tpu.memory_space<hbm>> -> memref<128xi32, #tpu.memory_space<hbm>>
      tpu.enqueue_dma source(%dma_start3A_35 : memref<128xi32, #tpu.memory_space<hbm>>) target(%arg31 : memref<128xi32, #tpu.memory_space<vmem>>) target_semaphore(%arg41 : memref<!tpu.dma_semaphore, #tpu.memory_space<semaphore_mem>>)
      %add3A_36 = arith.constant 1024 : i32
      %add3A_37 = arith.addi %mul3A_1, %add3A_36 : i32
      %dma_start3A_38 = tpu.memref_slice %arg9[%add3A_37] : memref<20480xi32, #tpu.memory_space<hbm>> -> memref<128xi32, #tpu.memory_space<hbm>>
      %dma_start3A_39 = tpu.memref_slice %arg9[%add3A_37] : memref<20480xi32, #tpu.memory_space<hbm>> -> memref<128xi32, #tpu.memory_space<hbm>>
      tpu.enqueue_dma source(%dma_start3A_39 : memref<128xi32, #tpu.memory_space<hbm>>) target(%arg32 : memref<128xi32, #tpu.memory_space<vmem>>) target_semaphore(%arg41 : memref<!tpu.dma_semaphore, #tpu.memory_space<semaphore_mem>>)
      %add3A_40 = arith.constant 1152 : i32
      %add3A_41 = arith.addi %mul3A_1, %add3A_40 : i32
      %dma_start3A_42 = tpu.memref_slice %arg9[%add3A_41] : memref<20480xi32, #tpu.memory_space<hbm>> -> memref<128xi32, #tpu.memory_space<hbm>>
      %dma_start3A_43 = tpu.memref_slice %arg9[%add3A_41] : memref<20480xi32, #tpu.memory_space<hbm>> -> memref<128xi32, #tpu.memory_space<hbm>>
      tpu.enqueue_dma source(%dma_start3A_43 : memref<128xi32, #tpu.memory_space<hbm>>) target(%arg33 : memref<128xi32, #tpu.memory_space<vmem>>) target_semaphore(%arg41 : memref<!tpu.dma_semaphore, #tpu.memory_space<semaphore_mem>>)
      %dma_start3A_44 = tpu.memref_slice %arg2[%mul3A_1] : memref<20480xf32, #tpu.memory_space<hbm>> -> memref<1280xf32, #tpu.memory_space<hbm>>
      %dma_start3A_45 = tpu.memref_slice %arg2[%mul3A_1] : memref<20480xf32, #tpu.memory_space<hbm>> -> memref<1280xf32, #tpu.memory_space<hbm>>
      tpu.enqueue_dma source(%dma_start3A_45 : memref<1280xf32, #tpu.memory_space<hbm>>) target(%arg17 : memref<1280xf32, #tpu.memory_space<vmem>>) target_semaphore(%arg41 : memref<!tpu.dma_semaphore, #tpu.memory_space<semaphore_mem>>)
      %dma_start3A_46 = tpu.memref_slice %arg3[%mul3A_1] : memref<20480xf32, #tpu.memory_space<hbm>> -> memref<1280xf32, #tpu.memory_space<hbm>>
      %dma_start3A_47 = tpu.memref_slice %arg3[%mul3A_1] : memref<20480xf32, #tpu.memory_space<hbm>> -> memref<1280xf32, #tpu.memory_space<hbm>>
      tpu.enqueue_dma source(%dma_start3A_47 : memref<1280xf32, #tpu.memory_space<hbm>>) target(%arg18 : memref<1280xf32, #tpu.memory_space<vmem>>) target_semaphore(%arg41 : memref<!tpu.dma_semaphore, #tpu.memory_space<semaphore_mem>>)
      %dma_start3A_48 = tpu.memref_slice %arg4[%mul3A_1] : memref<20480xf32, #tpu.memory_space<hbm>> -> memref<1280xf32, #tpu.memory_space<hbm>>
      %dma_start3A_49 = tpu.memref_slice %arg4[%mul3A_1] : memref<20480xf32, #tpu.memory_space<hbm>> -> memref<1280xf32, #tpu.memory_space<hbm>>
      tpu.enqueue_dma source(%dma_start3A_49 : memref<1280xf32, #tpu.memory_space<hbm>>) target(%arg19 : memref<1280xf32, #tpu.memory_space<vmem>>) target_semaphore(%arg41 : memref<!tpu.dma_semaphore, #tpu.memory_space<semaphore_mem>>)
      %dma_start3A_50 = tpu.memref_slice %arg5[%mul3A_1] : memref<20480xf32, #tpu.memory_space<hbm>> -> memref<1280xf32, #tpu.memory_space<hbm>>
      %dma_start3A_51 = tpu.memref_slice %arg5[%mul3A_1] : memref<20480xf32, #tpu.memory_space<hbm>> -> memref<1280xf32, #tpu.memory_space<hbm>>
      tpu.enqueue_dma source(%dma_start3A_51 : memref<1280xf32, #tpu.memory_space<hbm>>) target(%arg20 : memref<1280xf32, #tpu.memory_space<vmem>>) target_semaphore(%arg41 : memref<!tpu.dma_semaphore, #tpu.memory_space<semaphore_mem>>)
      %dma_start3A_52 = tpu.memref_slice %arg6[%mul3A_1] : memref<20480xf32, #tpu.memory_space<hbm>> -> memref<1280xf32, #tpu.memory_space<hbm>>
      %dma_start3A_53 = tpu.memref_slice %arg6[%mul3A_1] : memref<20480xf32, #tpu.memory_space<hbm>> -> memref<1280xf32, #tpu.memory_space<hbm>>
      tpu.enqueue_dma source(%dma_start3A_53 : memref<1280xf32, #tpu.memory_space<hbm>>) target(%arg21 : memref<1280xf32, #tpu.memory_space<vmem>>) target_semaphore(%arg41 : memref<!tpu.dma_semaphore, #tpu.memory_space<semaphore_mem>>)
      %dma_start3A_54 = tpu.memref_slice %arg7[%mul3A_1] : memref<20480xf32, #tpu.memory_space<hbm>> -> memref<1280xf32, #tpu.memory_space<hbm>>
      %dma_start3A_55 = tpu.memref_slice %arg7[%mul3A_1] : memref<20480xf32, #tpu.memory_space<hbm>> -> memref<1280xf32, #tpu.memory_space<hbm>>
      tpu.enqueue_dma source(%dma_start3A_55 : memref<1280xf32, #tpu.memory_space<hbm>>) target(%arg22 : memref<1280xf32, #tpu.memory_space<vmem>>) target_semaphore(%arg41 : memref<!tpu.dma_semaphore, #tpu.memory_space<semaphore_mem>>)
      %dma_start3A_56 = tpu.memref_slice %arg8[%mul3A_1] : memref<20480xf32, #tpu.memory_space<hbm>> -> memref<1280xf32, #tpu.memory_space<hbm>>
      %dma_start3A_57 = tpu.memref_slice %arg8[%mul3A_1] : memref<20480xf32, #tpu.memory_space<hbm>> -> memref<1280xf32, #tpu.memory_space<hbm>>
      tpu.enqueue_dma source(%dma_start3A_57 : memref<1280xf32, #tpu.memory_space<hbm>>) target(%arg23 : memref<1280xf32, #tpu.memory_space<vmem>>) target_semaphore(%arg41 : memref<!tpu.dma_semaphore, #tpu.memory_space<semaphore_mem>>)
      %dma_wait3A = tpu.memref_slice %arg9[%add3A_6] : memref<20480xi32, #tpu.memory_space<hbm>> -> memref<128xi32, #tpu.memory_space<hbm>>
      %dma_wait3A_58 = tpu.memref_slice %arg9[%add3A_6] : memref<20480xi32, #tpu.memory_space<hbm>> -> memref<128xi32, #tpu.memory_space<hbm>>
      tpu.wait_dma2 semaphore(%arg41 : memref<!tpu.dma_semaphore, #tpu.memory_space<semaphore_mem>>) src(%dma_wait3A_58 : memref<128xi32, #tpu.memory_space<hbm>>) dst(%arg24 : memref<128xi32, #tpu.memory_space<vmem>>)
      %dma_wait3A_59 = tpu.memref_slice %arg9[%add3A_9] : memref<20480xi32, #tpu.memory_space<hbm>> -> memref<128xi32, #tpu.memory_space<hbm>>
      %dma_wait3A_60 = tpu.memref_slice %arg9[%add3A_9] : memref<20480xi32, #tpu.memory_space<hbm>> -> memref<128xi32, #tpu.memory_space<hbm>>
      tpu.wait_dma2 semaphore(%arg41 : memref<!tpu.dma_semaphore, #tpu.memory_space<semaphore_mem>>) src(%dma_wait3A_60 : memref<128xi32, #tpu.memory_space<hbm>>) dst(%arg25 : memref<128xi32, #tpu.memory_space<vmem>>)
      %dma_wait3A_61 = tpu.memref_slice %arg9[%add3A_13] : memref<20480xi32, #tpu.memory_space<hbm>> -> memref<128xi32, #tpu.memory_space<hbm>>
      %dma_wait3A_62 = tpu.memref_slice %arg9[%add3A_13] : memref<20480xi32, #tpu.memory_space<hbm>> -> memref<128xi32, #tpu.memory_space<hbm>>
      tpu.wait_dma2 semaphore(%arg41 : memref<!tpu.dma_semaphore, #tpu.memory_space<semaphore_mem>>) src(%dma_wait3A_62 : memref<128xi32, #tpu.memory_space<hbm>>) dst(%arg26 : memref<128xi32, #tpu.memory_space<vmem>>)
      %dma_wait3A_63 = tpu.memref_slice %arg9[%add3A_17] : memref<20480xi32, #tpu.memory_space<hbm>> -> memref<128xi32, #tpu.memory_space<hbm>>
      %dma_wait3A_64 = tpu.memref_slice %arg9[%add3A_17] : memref<20480xi32, #tpu.memory_space<hbm>> -> memref<128xi32, #tpu.memory_space<hbm>>
      tpu.wait_dma2 semaphore(%arg41 : memref<!tpu.dma_semaphore, #tpu.memory_space<semaphore_mem>>) src(%dma_wait3A_64 : memref<128xi32, #tpu.memory_space<hbm>>) dst(%arg27 : memref<128xi32, #tpu.memory_space<vmem>>)
      %dma_wait3A_65 = tpu.memref_slice %arg9[%add3A_21] : memref<20480xi32, #tpu.memory_space<hbm>> -> memref<128xi32, #tpu.memory_space<hbm>>
      %dma_wait3A_66 = tpu.memref_slice %arg9[%add3A_21] : memref<20480xi32, #tpu.memory_space<hbm>> -> memref<128xi32, #tpu.memory_space<hbm>>
      tpu.wait_dma2 semaphore(%arg41 : memref<!tpu.dma_semaphore, #tpu.memory_space<semaphore_mem>>) src(%dma_wait3A_66 : memref<128xi32, #tpu.memory_space<hbm>>) dst(%arg28 : memref<128xi32, #tpu.memory_space<vmem>>)
      %dma_wait3A_67 = tpu.memref_slice %arg9[%add3A_25] : memref<20480xi32, #tpu.memory_space<hbm>> -> memref<128xi32, #tpu.memory_space<hbm>>
      %dma_wait3A_68 = tpu.memref_slice %arg9[%add3A_25] : memref<20480xi32, #tpu.memory_space<hbm>> -> memref<128xi32, #tpu.memory_space<hbm>>
      tpu.wait_dma2 semaphore(%arg41 : memref<!tpu.dma_semaphore, #tpu.memory_space<semaphore_mem>>) src(%dma_wait3A_68 : memref<128xi32, #tpu.memory_space<hbm>>) dst(%arg29 : memref<128xi32, #tpu.memory_space<vmem>>)
      %dma_wait3A_69 = tpu.memref_slice %arg9[%add3A_29] : memref<20480xi32, #tpu.memory_space<hbm>> -> memref<128xi32, #tpu.memory_space<hbm>>
      %dma_wait3A_70 = tpu.memref_slice %arg9[%add3A_29] : memref<20480xi32, #tpu.memory_space<hbm>> -> memref<128xi32, #tpu.memory_space<hbm>>
      tpu.wait_dma2 semaphore(%arg41 : memref<!tpu.dma_semaphore, #tpu.memory_space<semaphore_mem>>) src(%dma_wait3A_70 : memref<128xi32, #tpu.memory_space<hbm>>) dst(%arg30 : memref<128xi32, #tpu.memory_space<vmem>>)
      %dma_wait3A_71 = tpu.memref_slice %arg9[%add3A_33] : memref<20480xi32, #tpu.memory_space<hbm>> -> memref<128xi32, #tpu.memory_space<hbm>>
      %dma_wait3A_72 = tpu.memref_slice %arg9[%add3A_33] : memref<20480xi32, #tpu.memory_space<hbm>> -> memref<128xi32, #tpu.memory_space<hbm>>
      tpu.wait_dma2 semaphore(%arg41 : memref<!tpu.dma_semaphore, #tpu.memory_space<semaphore_mem>>) src(%dma_wait3A_72 : memref<128xi32, #tpu.memory_space<hbm>>) dst(%arg31 : memref<128xi32, #tpu.memory_space<vmem>>)
      %dma_wait3A_73 = tpu.memref_slice %arg9[%add3A_37] : memref<20480xi32, #tpu.memory_space<hbm>> -> memref<128xi32, #tpu.memory_space<hbm>>
      %dma_wait3A_74 = tpu.memref_slice %arg9[%add3A_37] : memref<20480xi32, #tpu.memory_space<hbm>> -> memref<128xi32, #tpu.memory_space<hbm>>
      tpu.wait_dma2 semaphore(%arg41 : memref<!tpu.dma_semaphore, #tpu.memory_space<semaphore_mem>>) src(%dma_wait3A_74 : memref<128xi32, #tpu.memory_space<hbm>>) dst(%arg32 : memref<128xi32, #tpu.memory_space<vmem>>)
      %dma_wait3A_75 = tpu.memref_slice %arg9[%add3A_41] : memref<20480xi32, #tpu.memory_space<hbm>> -> memref<128xi32, #tpu.memory_space<hbm>>
      %dma_wait3A_76 = tpu.memref_slice %arg9[%add3A_41] : memref<20480xi32, #tpu.memory_space<hbm>> -> memref<128xi32, #tpu.memory_space<hbm>>
      tpu.wait_dma2 semaphore(%arg41 : memref<!tpu.dma_semaphore, #tpu.memory_space<semaphore_mem>>) src(%dma_wait3A_76 : memref<128xi32, #tpu.memory_space<hbm>>) dst(%arg33 : memref<128xi32, #tpu.memory_space<vmem>>)
      %dma_wait3A_77 = tpu.memref_slice %arg2[%mul3A_1] : memref<20480xf32, #tpu.memory_space<hbm>> -> memref<1280xf32, #tpu.memory_space<hbm>>
      %dma_wait3A_78 = tpu.memref_slice %arg2[%mul3A_1] : memref<20480xf32, #tpu.memory_space<hbm>> -> memref<1280xf32, #tpu.memory_space<hbm>>
      tpu.wait_dma2 semaphore(%arg41 : memref<!tpu.dma_semaphore, #tpu.memory_space<semaphore_mem>>) src(%dma_wait3A_78 : memref<1280xf32, #tpu.memory_space<hbm>>) dst(%arg17 : memref<1280xf32, #tpu.memory_space<vmem>>)
      %dma_wait3A_79 = tpu.memref_slice %arg3[%mul3A_1] : memref<20480xf32, #tpu.memory_space<hbm>> -> memref<1280xf32, #tpu.memory_space<hbm>>
      %dma_wait3A_80 = tpu.memref_slice %arg3[%mul3A_1] : memref<20480xf32, #tpu.memory_space<hbm>> -> memref<1280xf32, #tpu.memory_space<hbm>>
      tpu.wait_dma2 semaphore(%arg41 : memref<!tpu.dma_semaphore, #tpu.memory_space<semaphore_mem>>) src(%dma_wait3A_80 : memref<1280xf32, #tpu.memory_space<hbm>>) dst(%arg18 : memref<1280xf32, #tpu.memory_space<vmem>>)
      %dma_wait3A_81 = tpu.memref_slice %arg4[%mul3A_1] : memref<20480xf32, #tpu.memory_space<hbm>> -> memref<1280xf32, #tpu.memory_space<hbm>>
      %dma_wait3A_82 = tpu.memref_slice %arg4[%mul3A_1] : memref<20480xf32, #tpu.memory_space<hbm>> -> memref<1280xf32, #tpu.memory_space<hbm>>
      tpu.wait_dma2 semaphore(%arg41 : memref<!tpu.dma_semaphore, #tpu.memory_space<semaphore_mem>>) src(%dma_wait3A_82 : memref<1280xf32, #tpu.memory_space<hbm>>) dst(%arg19 : memref<1280xf32, #tpu.memory_space<vmem>>)
      %dma_wait3A_83 = tpu.memref_slice %arg5[%mul3A_1] : memref<20480xf32, #tpu.memory_space<hbm>> -> memref<1280xf32, #tpu.memory_space<hbm>>
      %dma_wait3A_84 = tpu.memref_slice %arg5[%mul3A_1] : memref<20480xf32, #tpu.memory_space<hbm>> -> memref<1280xf32, #tpu.memory_space<hbm>>
      tpu.wait_dma2 semaphore(%arg41 : memref<!tpu.dma_semaphore, #tpu.memory_space<semaphore_mem>>) src(%dma_wait3A_84 : memref<1280xf32, #tpu.memory_space<hbm>>) dst(%arg20 : memref<1280xf32, #tpu.memory_space<vmem>>)
      %dma_wait3A_85 = tpu.memref_slice %arg6[%mul3A_1] : memref<20480xf32, #tpu.memory_space<hbm>> -> memref<1280xf32, #tpu.memory_space<hbm>>
      %dma_wait3A_86 = tpu.memref_slice %arg6[%mul3A_1] : memref<20480xf32, #tpu.memory_space<hbm>> -> memref<1280xf32, #tpu.memory_space<hbm>>
      tpu.wait_dma2 semaphore(%arg41 : memref<!tpu.dma_semaphore, #tpu.memory_space<semaphore_mem>>) src(%dma_wait3A_86 : memref<1280xf32, #tpu.memory_space<hbm>>) dst(%arg21 : memref<1280xf32, #tpu.memory_space<vmem>>)
      %dma_wait3A_87 = tpu.memref_slice %arg7[%mul3A_1] : memref<20480xf32, #tpu.memory_space<hbm>> -> memref<1280xf32, #tpu.memory_space<hbm>>
      %dma_wait3A_88 = tpu.memref_slice %arg7[%mul3A_1] : memref<20480xf32, #tpu.memory_space<hbm>> -> memref<1280xf32, #tpu.memory_space<hbm>>
      tpu.wait_dma2 semaphore(%arg41 : memref<!tpu.dma_semaphore, #tpu.memory_space<semaphore_mem>>) src(%dma_wait3A_88 : memref<1280xf32, #tpu.memory_space<hbm>>) dst(%arg22 : memref<1280xf32, #tpu.memory_space<vmem>>)
      %dma_wait3A_89 = tpu.memref_slice %arg8[%mul3A_1] : memref<20480xf32, #tpu.memory_space<hbm>> -> memref<1280xf32, #tpu.memory_space<hbm>>
      %dma_wait3A_90 = tpu.memref_slice %arg8[%mul3A_1] : memref<20480xf32, #tpu.memory_space<hbm>> -> memref<1280xf32, #tpu.memory_space<hbm>>
      tpu.wait_dma2 semaphore(%arg41 : memref<!tpu.dma_semaphore, #tpu.memory_space<semaphore_mem>>) src(%dma_wait3A_90 : memref<1280xf32, #tpu.memory_space<hbm>>) dst(%arg23 : memref<1280xf32, #tpu.memory_space<vmem>>)
      %dma_start3A_91 = arith.constant 0 : i32
      %dma_start3A_92 = tpu.memref_slice %arg17[%dma_start3A_91] : memref<1280xf32, #tpu.memory_space<vmem>> -> memref<128xf32, #tpu.memory_space<vmem>>
      %dma_start3A_93 = arith.constant 0 : i32
      %dma_start3A_94 = tpu.memref_slice %arg34[%dma_start3A_93] : memref<26624xf32, #tpu.memory_space<vmem_shared>> -> memref<26624xf32, #tpu.memory_space<vmem_shared>>
      tpu.enqueue_indirect_dma source(%dma_start3A_92 : memref<128xf32, #tpu.memory_space<vmem>>) target(%dma_start3A_94 : memref<26624xf32, #tpu.memory_space<vmem_shared>>) offsets(%arg24 : memref<128xi32, #tpu.memory_space<vmem>>) semaphore(%arg41 : memref<!tpu.dma_semaphore, #tpu.memory_space<semaphore_mem>>)
      %dma_start3A_95 = arith.constant 128 : i32
      %dma_start3A_96 = tpu.memref_slice %arg17[%dma_start3A_95] : memref<1280xf32, #tpu.memory_space<vmem>> -> memref<128xf32, #tpu.memory_space<vmem>>
      %dma_start3A_97 = arith.constant 0 : i32
      %dma_start3A_98 = tpu.memref_slice %arg34[%dma_start3A_97] : memref<26624xf32, #tpu.memory_space<vmem_shared>> -> memref<26624xf32, #tpu.memory_space<vmem_shared>>
      tpu.enqueue_indirect_dma source(%dma_start3A_96 : memref<128xf32, #tpu.memory_space<vmem>>) target(%dma_start3A_98 : memref<26624xf32, #tpu.memory_space<vmem_shared>>) offsets(%arg25 : memref<128xi32, #tpu.memory_space<vmem>>) semaphore(%arg41 : memref<!tpu.dma_semaphore, #tpu.memory_space<semaphore_mem>>)
      %dma_start3A_99 = arith.constant 256 : i32
      %dma_start3A_100 = tpu.memref_slice %arg17[%dma_start3A_99] : memref<1280xf32, #tpu.memory_space<vmem>> -> memref<128xf32, #tpu.memory_space<vmem>>
      %dma_start3A_101 = arith.constant 0 : i32
      %dma_start3A_102 = tpu.memref_slice %arg34[%dma_start3A_101] : memref<26624xf32, #tpu.memory_space<vmem_shared>> -> memref<26624xf32, #tpu.memory_space<vmem_shared>>
      tpu.enqueue_indirect_dma source(%dma_start3A_100 : memref<128xf32, #tpu.memory_space<vmem>>) target(%dma_start3A_102 : memref<26624xf32, #tpu.memory_space<vmem_shared>>) offsets(%arg26 : memref<128xi32, #tpu.memory_space<vmem>>) semaphore(%arg41 : memref<!tpu.dma_semaphore, #tpu.memory_space<semaphore_mem>>)
      %dma_start3A_103 = arith.constant 384 : i32
      %dma_start3A_104 = tpu.memref_slice %arg17[%dma_start3A_103] : memref<1280xf32, #tpu.memory_space<vmem>> -> memref<128xf32, #tpu.memory_space<vmem>>
      %dma_start3A_105 = arith.constant 0 : i32
      %dma_start3A_106 = tpu.memref_slice %arg34[%dma_start3A_105] : memref<26624xf32, #tpu.memory_space<vmem_shared>> -> memref<26624xf32, #tpu.memory_space<vmem_shared>>
      tpu.enqueue_indirect_dma source(%dma_start3A_104 : memref<128xf32, #tpu.memory_space<vmem>>) target(%dma_start3A_106 : memref<26624xf32, #tpu.memory_space<vmem_shared>>) offsets(%arg27 : memref<128xi32, #tpu.memory_space<vmem>>) semaphore(%arg41 : memref<!tpu.dma_semaphore, #tpu.memory_space<semaphore_mem>>)
      %dma_start3A_107 = arith.constant 512 : i32
      %dma_start3A_108 = tpu.memref_slice %arg17[%dma_start3A_107] : memref<1280xf32, #tpu.memory_space<vmem>> -> memref<128xf32, #tpu.memory_space<vmem>>
      %dma_start3A_109 = arith.constant 0 : i32
      %dma_start3A_110 = tpu.memref_slice %arg34[%dma_start3A_109] : memref<26624xf32, #tpu.memory_space<vmem_shared>> -> memref<26624xf32, #tpu.memory_space<vmem_shared>>
      tpu.enqueue_indirect_dma source(%dma_start3A_108 : memref<128xf32, #tpu.memory_space<vmem>>) target(%dma_start3A_110 : memref<26624xf32, #tpu.memory_space<vmem_shared>>) offsets(%arg28 : memref<128xi32, #tpu.memory_space<vmem>>) semaphore(%arg41 : memref<!tpu.dma_semaphore, #tpu.memory_space<semaphore_mem>>)
      %dma_start3A_111 = arith.constant 640 : i32
      %dma_start3A_112 = tpu.memref_slice %arg17[%dma_start3A_111] : memref<1280xf32, #tpu.memory_space<vmem>> -> memref<128xf32, #tpu.memory_space<vmem>>
      %dma_start3A_113 = arith.constant 0 : i32
      %dma_start3A_114 = tpu.memref_slice %arg34[%dma_start3A_113] : memref<26624xf32, #tpu.memory_space<vmem_shared>> -> memref<26624xf32, #tpu.memory_space<vmem_shared>>
      tpu.enqueue_indirect_dma source(%dma_start3A_112 : memref<128xf32, #tpu.memory_space<vmem>>) target(%dma_start3A_114 : memref<26624xf32, #tpu.memory_space<vmem_shared>>) offsets(%arg29 : memref<128xi32, #tpu.memory_space<vmem>>) semaphore(%arg41 : memref<!tpu.dma_semaphore, #tpu.memory_space<semaphore_mem>>)
      %dma_start3A_115 = arith.constant 768 : i32
      %dma_start3A_116 = tpu.memref_slice %arg17[%dma_start3A_115] : memref<1280xf32, #tpu.memory_space<vmem>> -> memref<128xf32, #tpu.memory_space<vmem>>
      %dma_start3A_117 = arith.constant 0 : i32
      %dma_start3A_118 = tpu.memref_slice %arg34[%dma_start3A_117] : memref<26624xf32, #tpu.memory_space<vmem_shared>> -> memref<26624xf32, #tpu.memory_space<vmem_shared>>
      tpu.enqueue_indirect_dma source(%dma_start3A_116 : memref<128xf32, #tpu.memory_space<vmem>>) target(%dma_start3A_118 : memref<26624xf32, #tpu.memory_space<vmem_shared>>) offsets(%arg30 : memref<128xi32, #tpu.memory_space<vmem>>) semaphore(%arg41 : memref<!tpu.dma_semaphore, #tpu.memory_space<semaphore_mem>>)
      %dma_start3A_119 = arith.constant 896 : i32
      %dma_start3A_120 = tpu.memref_slice %arg17[%dma_start3A_119] : memref<1280xf32, #tpu.memory_space<vmem>> -> memref<128xf32, #tpu.memory_space<vmem>>
      %dma_start3A_121 = arith.constant 0 : i32
      %dma_start3A_122 = tpu.memref_slice %arg34[%dma_start3A_121] : memref<26624xf32, #tpu.memory_space<vmem_shared>> -> memref<26624xf32, #tpu.memory_space<vmem_shared>>
      tpu.enqueue_indirect_dma source(%dma_start3A_120 : memref<128xf32, #tpu.memory_space<vmem>>) target(%dma_start3A_122 : memref<26624xf32, #tpu.memory_space<vmem_shared>>) offsets(%arg31 : memref<128xi32, #tpu.memory_space<vmem>>) semaphore(%arg41 : memref<!tpu.dma_semaphore, #tpu.memory_space<semaphore_mem>>)
      %dma_start3A_123 = arith.constant 1024 : i32
      %dma_start3A_124 = tpu.memref_slice %arg17[%dma_start3A_123] : memref<1280xf32, #tpu.memory_space<vmem>> -> memref<128xf32, #tpu.memory_space<vmem>>
      %dma_start3A_125 = arith.constant 0 : i32
      %dma_start3A_126 = tpu.memref_slice %arg34[%dma_start3A_125] : memref<26624xf32, #tpu.memory_space<vmem_shared>> -> memref<26624xf32, #tpu.memory_space<vmem_shared>>
      tpu.enqueue_indirect_dma source(%dma_start3A_124 : memref<128xf32, #tpu.memory_space<vmem>>) target(%dma_start3A_126 : memref<26624xf32, #tpu.memory_space<vmem_shared>>) offsets(%arg32 : memref<128xi32, #tpu.memory_space<vmem>>) semaphore(%arg41 : memref<!tpu.dma_semaphore, #tpu.memory_space<semaphore_mem>>)
      %dma_start3A_127 = arith.constant 1152 : i32
      %dma_start3A_128 = tpu.memref_slice %arg17[%dma_start3A_127] : memref<1280xf32, #tpu.memory_space<vmem>> -> memref<128xf32, #tpu.memory_space<vmem>>
      %dma_start3A_129 = arith.constant 0 : i32
      %dma_start3A_130 = tpu.memref_slice %arg34[%dma_start3A_129] : memref<26624xf32, #tpu.memory_space<vmem_shared>> -> memref<26624xf32, #tpu.memory_space<vmem_shared>>
      tpu.enqueue_indirect_dma source(%dma_start3A_128 : memref<128xf32, #tpu.memory_space<vmem>>) target(%dma_start3A_130 : memref<26624xf32, #tpu.memory_space<vmem_shared>>) offsets(%arg33 : memref<128xi32, #tpu.memory_space<vmem>>) semaphore(%arg41 : memref<!tpu.dma_semaphore, #tpu.memory_space<semaphore_mem>>)
      %dma_start3A_131 = arith.constant 0 : i32
      %dma_start3A_132 = tpu.memref_slice %arg18[%dma_start3A_131] : memref<1280xf32, #tpu.memory_space<vmem>> -> memref<128xf32, #tpu.memory_space<vmem>>
      %dma_start3A_133 = arith.constant 0 : i32
      %dma_start3A_134 = tpu.memref_slice %arg35[%dma_start3A_133] : memref<26624xf32, #tpu.memory_space<vmem_shared>> -> memref<26624xf32, #tpu.memory_space<vmem_shared>>
      tpu.enqueue_indirect_dma source(%dma_start3A_132 : memref<128xf32, #tpu.memory_space<vmem>>) target(%dma_start3A_134 : memref<26624xf32, #tpu.memory_space<vmem_shared>>) offsets(%arg24 : memref<128xi32, #tpu.memory_space<vmem>>) semaphore(%arg41 : memref<!tpu.dma_semaphore, #tpu.memory_space<semaphore_mem>>)
      %dma_start3A_135 = arith.constant 128 : i32
      %dma_start3A_136 = tpu.memref_slice %arg18[%dma_start3A_135] : memref<1280xf32, #tpu.memory_space<vmem>> -> memref<128xf32, #tpu.memory_space<vmem>>
      %dma_start3A_137 = arith.constant 0 : i32
      %dma_start3A_138 = tpu.memref_slice %arg35[%dma_start3A_137] : memref<26624xf32, #tpu.memory_space<vmem_shared>> -> memref<26624xf32, #tpu.memory_space<vmem_shared>>
      tpu.enqueue_indirect_dma source(%dma_start3A_136 : memref<128xf32, #tpu.memory_space<vmem>>) target(%dma_start3A_138 : memref<26624xf32, #tpu.memory_space<vmem_shared>>) offsets(%arg25 : memref<128xi32, #tpu.memory_space<vmem>>) semaphore(%arg41 : memref<!tpu.dma_semaphore, #tpu.memory_space<semaphore_mem>>)
      %dma_start3A_139 = arith.constant 256 : i32
      %dma_start3A_140 = tpu.memref_slice %arg18[%dma_start3A_139] : memref<1280xf32, #tpu.memory_space<vmem>> -> memref<128xf32, #tpu.memory_space<vmem>>
      %dma_start3A_141 = arith.constant 0 : i32
      %dma_start3A_142 = tpu.memref_slice %arg35[%dma_start3A_141] : memref<26624xf32, #tpu.memory_space<vmem_shared>> -> memref<26624xf32, #tpu.memory_space<vmem_shared>>
      tpu.enqueue_indirect_dma source(%dma_start3A_140 : memref<128xf32, #tpu.memory_space<vmem>>) target(%dma_start3A_142 : memref<26624xf32, #tpu.memory_space<vmem_shared>>) offsets(%arg26 : memref<128xi32, #tpu.memory_space<vmem>>) semaphore(%arg41 : memref<!tpu.dma_semaphore, #tpu.memory_space<semaphore_mem>>)
      %dma_start3A_143 = arith.constant 384 : i32
      %dma_start3A_144 = tpu.memref_slice %arg18[%dma_start3A_143] : memref<1280xf32, #tpu.memory_space<vmem>> -> memref<128xf32, #tpu.memory_space<vmem>>
      %dma_start3A_145 = arith.constant 0 : i32
      %dma_start3A_146 = tpu.memref_slice %arg35[%dma_start3A_145] : memref<26624xf32, #tpu.memory_space<vmem_shared>> -> memref<26624xf32, #tpu.memory_space<vmem_shared>>
      tpu.enqueue_indirect_dma source(%dma_start3A_144 : memref<128xf32, #tpu.memory_space<vmem>>) target(%dma_start3A_146 : memref<26624xf32, #tpu.memory_space<vmem_shared>>) offsets(%arg27 : memref<128xi32, #tpu.memory_space<vmem>>) semaphore(%arg41 : memref<!tpu.dma_semaphore, #tpu.memory_space<semaphore_mem>>)
      %dma_start3A_147 = arith.constant 512 : i32
      %dma_start3A_148 = tpu.memref_slice %arg18[%dma_start3A_147] : memref<1280xf32, #tpu.memory_space<vmem>> -> memref<128xf32, #tpu.memory_space<vmem>>
      %dma_start3A_149 = arith.constant 0 : i32
      %dma_start3A_150 = tpu.memref_slice %arg35[%dma_start3A_149] : memref<26624xf32, #tpu.memory_space<vmem_shared>> -> memref<26624xf32, #tpu.memory_space<vmem_shared>>
      tpu.enqueue_indirect_dma source(%dma_start3A_148 : memref<128xf32, #tpu.memory_space<vmem>>) target(%dma_start3A_150 : memref<26624xf32, #tpu.memory_space<vmem_shared>>) offsets(%arg28 : memref<128xi32, #tpu.memory_space<vmem>>) semaphore(%arg41 : memref<!tpu.dma_semaphore, #tpu.memory_space<semaphore_mem>>)
      %dma_start3A_151 = arith.constant 640 : i32
      %dma_start3A_152 = tpu.memref_slice %arg18[%dma_start3A_151] : memref<1280xf32, #tpu.memory_space<vmem>> -> memref<128xf32, #tpu.memory_space<vmem>>
      %dma_start3A_153 = arith.constant 0 : i32
      %dma_start3A_154 = tpu.memref_slice %arg35[%dma_start3A_153] : memref<26624xf32, #tpu.memory_space<vmem_shared>> -> memref<26624xf32, #tpu.memory_space<vmem_shared>>
      tpu.enqueue_indirect_dma source(%dma_start3A_152 : memref<128xf32, #tpu.memory_space<vmem>>) target(%dma_start3A_154 : memref<26624xf32, #tpu.memory_space<vmem_shared>>) offsets(%arg29 : memref<128xi32, #tpu.memory_space<vmem>>) semaphore(%arg41 : memref<!tpu.dma_semaphore, #tpu.memory_space<semaphore_mem>>)
      %dma_start3A_155 = arith.constant 768 : i32
      %dma_start3A_156 = tpu.memref_slice %arg18[%dma_start3A_155] : memref<1280xf32, #tpu.memory_space<vmem>> -> memref<128xf32, #tpu.memory_space<vmem>>
      %dma_start3A_157 = arith.constant 0 : i32
      %dma_start3A_158 = tpu.memref_slice %arg35[%dma_start3A_157] : memref<26624xf32, #tpu.memory_space<vmem_shared>> -> memref<26624xf32, #tpu.memory_space<vmem_shared>>
      tpu.enqueue_indirect_dma source(%dma_start3A_156 : memref<128xf32, #tpu.memory_space<vmem>>) target(%dma_start3A_158 : memref<26624xf32, #tpu.memory_space<vmem_shared>>) offsets(%arg30 : memref<128xi32, #tpu.memory_space<vmem>>) semaphore(%arg41 : memref<!tpu.dma_semaphore, #tpu.memory_space<semaphore_mem>>)
      %dma_start3A_159 = arith.constant 896 : i32
      %dma_start3A_160 = tpu.memref_slice %arg18[%dma_start3A_159] : memref<1280xf32, #tpu.memory_space<vmem>> -> memref<128xf32, #tpu.memory_space<vmem>>
      %dma_start3A_161 = arith.constant 0 : i32
      %dma_start3A_162 = tpu.memref_slice %arg35[%dma_start3A_161] : memref<26624xf32, #tpu.memory_space<vmem_shared>> -> memref<26624xf32, #tpu.memory_space<vmem_shared>>
      tpu.enqueue_indirect_dma source(%dma_start3A_160 : memref<128xf32, #tpu.memory_space<vmem>>) target(%dma_start3A_162 : memref<26624xf32, #tpu.memory_space<vmem_shared>>) offsets(%arg31 : memref<128xi32, #tpu.memory_space<vmem>>) semaphore(%arg41 : memref<!tpu.dma_semaphore, #tpu.memory_space<semaphore_mem>>)
      %dma_start3A_163 = arith.constant 1024 : i32
      %dma_start3A_164 = tpu.memref_slice %arg18[%dma_start3A_163] : memref<1280xf32, #tpu.memory_space<vmem>> -> memref<128xf32, #tpu.memory_space<vmem>>
      %dma_start3A_165 = arith.constant 0 : i32
      %dma_start3A_166 = tpu.memref_slice %arg35[%dma_start3A_165] : memref<26624xf32, #tpu.memory_space<vmem_shared>> -> memref<26624xf32, #tpu.memory_space<vmem_shared>>
      tpu.enqueue_indirect_dma source(%dma_start3A_164 : memref<128xf32, #tpu.memory_space<vmem>>) target(%dma_start3A_166 : memref<26624xf32, #tpu.memory_space<vmem_shared>>) offsets(%arg32 : memref<128xi32, #tpu.memory_space<vmem>>) semaphore(%arg41 : memref<!tpu.dma_semaphore, #tpu.memory_space<semaphore_mem>>)
      %dma_start3A_167 = arith.constant 1152 : i32
      %dma_start3A_168 = tpu.memref_slice %arg18[%dma_start3A_167] : memref<1280xf32, #tpu.memory_space<vmem>> -> memref<128xf32, #tpu.memory_space<vmem>>
      %dma_start3A_169 = arith.constant 0 : i32
      %dma_start3A_170 = tpu.memref_slice %arg35[%dma_start3A_169] : memref<26624xf32, #tpu.memory_space<vmem_shared>> -> memref<26624xf32, #tpu.memory_space<vmem_shared>>
      tpu.enqueue_indirect_dma source(%dma_start3A_168 : memref<128xf32, #tpu.memory_space<vmem>>) target(%dma_start3A_170 : memref<26624xf32, #tpu.memory_space<vmem_shared>>) offsets(%arg33 : memref<128xi32, #tpu.memory_space<vmem>>) semaphore(%arg41 : memref<!tpu.dma_semaphore, #tpu.memory_space<semaphore_mem>>)
      %dma_start3A_171 = arith.constant 0 : i32
      %dma_start3A_172 = tpu.memref_slice %arg19[%dma_start3A_171] : memref<1280xf32, #tpu.memory_space<vmem>> -> memref<128xf32, #tpu.memory_space<vmem>>
      %dma_start3A_173 = arith.constant 0 : i32
      %dma_start3A_174 = tpu.memref_slice %arg36[%dma_start3A_173] : memref<26624xf32, #tpu.memory_space<vmem_shared>> -> memref<26624xf32, #tpu.memory_space<vmem_shared>>
      tpu.enqueue_indirect_dma source(%dma_start3A_172 : memref<128xf32, #tpu.memory_space<vmem>>) target(%dma_start3A_174 : memref<26624xf32, #tpu.memory_space<vmem_shared>>) offsets(%arg24 : memref<128xi32, #tpu.memory_space<vmem>>) semaphore(%arg41 : memref<!tpu.dma_semaphore, #tpu.memory_space<semaphore_mem>>)
      %dma_start3A_175 = arith.constant 128 : i32
      %dma_start3A_176 = tpu.memref_slice %arg19[%dma_start3A_175] : memref<1280xf32, #tpu.memory_space<vmem>> -> memref<128xf32, #tpu.memory_space<vmem>>
      %dma_start3A_177 = arith.constant 0 : i32
      %dma_start3A_178 = tpu.memref_slice %arg36[%dma_start3A_177] : memref<26624xf32, #tpu.memory_space<vmem_shared>> -> memref<26624xf32, #tpu.memory_space<vmem_shared>>
      tpu.enqueue_indirect_dma source(%dma_start3A_176 : memref<128xf32, #tpu.memory_space<vmem>>) target(%dma_start3A_178 : memref<26624xf32, #tpu.memory_space<vmem_shared>>) offsets(%arg25 : memref<128xi32, #tpu.memory_space<vmem>>) semaphore(%arg41 : memref<!tpu.dma_semaphore, #tpu.memory_space<semaphore_mem>>)
      %dma_start3A_179 = arith.constant 256 : i32
      %dma_start3A_180 = tpu.memref_slice %arg19[%dma_start3A_179] : memref<1280xf32, #tpu.memory_space<vmem>> -> memref<128xf32, #tpu.memory_space<vmem>>
      %dma_start3A_181 = arith.constant 0 : i32
      %dma_start3A_182 = tpu.memref_slice %arg36[%dma_start3A_181] : memref<26624xf32, #tpu.memory_space<vmem_shared>> -> memref<26624xf32, #tpu.memory_space<vmem_shared>>
      tpu.enqueue_indirect_dma source(%dma_start3A_180 : memref<128xf32, #tpu.memory_space<vmem>>) target(%dma_start3A_182 : memref<26624xf32, #tpu.memory_space<vmem_shared>>) offsets(%arg26 : memref<128xi32, #tpu.memory_space<vmem>>) semaphore(%arg41 : memref<!tpu.dma_semaphore, #tpu.memory_space<semaphore_mem>>)
      %dma_start3A_183 = arith.constant 384 : i32
      %dma_start3A_184 = tpu.memref_slice %arg19[%dma_start3A_183] : memref<1280xf32, #tpu.memory_space<vmem>> -> memref<128xf32, #tpu.memory_space<vmem>>
      %dma_start3A_185 = arith.constant 0 : i32
      %dma_start3A_186 = tpu.memref_slice %arg36[%dma_start3A_185] : memref<26624xf32, #tpu.memory_space<vmem_shared>> -> memref<26624xf32, #tpu.memory_space<vmem_shared>>
      tpu.enqueue_indirect_dma source(%dma_start3A_184 : memref<128xf32, #tpu.memory_space<vmem>>) target(%dma_start3A_186 : memref<26624xf32, #tpu.memory_space<vmem_shared>>) offsets(%arg27 : memref<128xi32, #tpu.memory_space<vmem>>) semaphore(%arg41 : memref<!tpu.dma_semaphore, #tpu.memory_space<semaphore_mem>>)
      %dma_start3A_187 = arith.constant 512 : i32
      %dma_start3A_188 = tpu.memref_slice %arg19[%dma_start3A_187] : memref<1280xf32, #tpu.memory_space<vmem>> -> memref<128xf32, #tpu.memory_space<vmem>>
      %dma_start3A_189 = arith.constant 0 : i32
      %dma_start3A_190 = tpu.memref_slice %arg36[%dma_start3A_189] : memref<26624xf32, #tpu.memory_space<vmem_shared>> -> memref<26624xf32, #tpu.memory_space<vmem_shared>>
      tpu.enqueue_indirect_dma source(%dma_start3A_188 : memref<128xf32, #tpu.memory_space<vmem>>) target(%dma_start3A_190 : memref<26624xf32, #tpu.memory_space<vmem_shared>>) offsets(%arg28 : memref<128xi32, #tpu.memory_space<vmem>>) semaphore(%arg41 : memref<!tpu.dma_semaphore, #tpu.memory_space<semaphore_mem>>)
      %dma_start3A_191 = arith.constant 640 : i32
      %dma_start3A_192 = tpu.memref_slice %arg19[%dma_start3A_191] : memref<1280xf32, #tpu.memory_space<vmem>> -> memref<128xf32, #tpu.memory_space<vmem>>
      %dma_start3A_193 = arith.constant 0 : i32
      %dma_start3A_194 = tpu.memref_slice %arg36[%dma_start3A_193] : memref<26624xf32, #tpu.memory_space<vmem_shared>> -> memref<26624xf32, #tpu.memory_space<vmem_shared>>
      tpu.enqueue_indirect_dma source(%dma_start3A_192 : memref<128xf32, #tpu.memory_space<vmem>>) target(%dma_start3A_194 : memref<26624xf32, #tpu.memory_space<vmem_shared>>) offsets(%arg29 : memref<128xi32, #tpu.memory_space<vmem>>) semaphore(%arg41 : memref<!tpu.dma_semaphore, #tpu.memory_space<semaphore_mem>>)
      %dma_start3A_195 = arith.constant 768 : i32
      %dma_start3A_196 = tpu.memref_slice %arg19[%dma_start3A_195] : memref<1280xf32, #tpu.memory_space<vmem>> -> memref<128xf32, #tpu.memory_space<vmem>>
      %dma_start3A_197 = arith.constant 0 : i32
      %dma_start3A_198 = tpu.memref_slice %arg36[%dma_start3A_197] : memref<26624xf32, #tpu.memory_space<vmem_shared>> -> memref<26624xf32, #tpu.memory_space<vmem_shared>>
      tpu.enqueue_indirect_dma source(%dma_start3A_196 : memref<128xf32, #tpu.memory_space<vmem>>) target(%dma_start3A_198 : memref<26624xf32, #tpu.memory_space<vmem_shared>>) offsets(%arg30 : memref<128xi32, #tpu.memory_space<vmem>>) semaphore(%arg41 : memref<!tpu.dma_semaphore, #tpu.memory_space<semaphore_mem>>)
      %dma_start3A_199 = arith.constant 896 : i32
      %dma_start3A_200 = tpu.memref_slice %arg19[%dma_start3A_199] : memref<1280xf32, #tpu.memory_space<vmem>> -> memref<128xf32, #tpu.memory_space<vmem>>
      %dma_start3A_201 = arith.constant 0 : i32
      %dma_start3A_202 = tpu.memref_slice %arg36[%dma_start3A_201] : memref<26624xf32, #tpu.memory_space<vmem_shared>> -> memref<26624xf32, #tpu.memory_space<vmem_shared>>
      tpu.enqueue_indirect_dma source(%dma_start3A_200 : memref<128xf32, #tpu.memory_space<vmem>>) target(%dma_start3A_202 : memref<26624xf32, #tpu.memory_space<vmem_shared>>) offsets(%arg31 : memref<128xi32, #tpu.memory_space<vmem>>) semaphore(%arg41 : memref<!tpu.dma_semaphore, #tpu.memory_space<semaphore_mem>>)
      %dma_start3A_203 = arith.constant 1024 : i32
      %dma_start3A_204 = tpu.memref_slice %arg19[%dma_start3A_203] : memref<1280xf32, #tpu.memory_space<vmem>> -> memref<128xf32, #tpu.memory_space<vmem>>
      %dma_start3A_205 = arith.constant 0 : i32
      %dma_start3A_206 = tpu.memref_slice %arg36[%dma_start3A_205] : memref<26624xf32, #tpu.memory_space<vmem_shared>> -> memref<26624xf32, #tpu.memory_space<vmem_shared>>
      tpu.enqueue_indirect_dma source(%dma_start3A_204 : memref<128xf32, #tpu.memory_space<vmem>>) target(%dma_start3A_206 : memref<26624xf32, #tpu.memory_space<vmem_shared>>) offsets(%arg32 : memref<128xi32, #tpu.memory_space<vmem>>) semaphore(%arg41 : memref<!tpu.dma_semaphore, #tpu.memory_space<semaphore_mem>>)
      %dma_start3A_207 = arith.constant 1152 : i32
      %dma_start3A_208 = tpu.memref_slice %arg19[%dma_start3A_207] : memref<1280xf32, #tpu.memory_space<vmem>> -> memref<128xf32, #tpu.memory_space<vmem>>
      %dma_start3A_209 = arith.constant 0 : i32
      %dma_start3A_210 = tpu.memref_slice %arg36[%dma_start3A_209] : memref<26624xf32, #tpu.memory_space<vmem_shared>> -> memref<26624xf32, #tpu.memory_space<vmem_shared>>
      tpu.enqueue_indirect_dma source(%dma_start3A_208 : memref<128xf32, #tpu.memory_space<vmem>>) target(%dma_start3A_210 : memref<26624xf32, #tpu.memory_space<vmem_shared>>) offsets(%arg33 : memref<128xi32, #tpu.memory_space<vmem>>) semaphore(%arg41 : memref<!tpu.dma_semaphore, #tpu.memory_space<semaphore_mem>>)
      %dma_start3A_211 = arith.constant 0 : i32
      %dma_start3A_212 = tpu.memref_slice %arg20[%dma_start3A_211] : memref<1280xf32, #tpu.memory_space<vmem>> -> memref<128xf32, #tpu.memory_space<vmem>>
      %dma_start3A_213 = arith.constant 0 : i32
      %dma_start3A_214 = tpu.memref_slice %arg37[%dma_start3A_213] : memref<26624xf32, #tpu.memory_space<vmem_shared>> -> memref<26624xf32, #tpu.memory_space<vmem_shared>>
      tpu.enqueue_indirect_dma source(%dma_start3A_212 : memref<128xf32, #tpu.memory_space<vmem>>) target(%dma_start3A_214 : memref<26624xf32, #tpu.memory_space<vmem_shared>>) offsets(%arg24 : memref<128xi32, #tpu.memory_space<vmem>>) semaphore(%arg41 : memref<!tpu.dma_semaphore, #tpu.memory_space<semaphore_mem>>)
      %dma_start3A_215 = arith.constant 128 : i32
      %dma_start3A_216 = tpu.memref_slice %arg20[%dma_start3A_215] : memref<1280xf32, #tpu.memory_space<vmem>> -> memref<128xf32, #tpu.memory_space<vmem>>
      %dma_start3A_217 = arith.constant 0 : i32
      %dma_start3A_218 = tpu.memref_slice %arg37[%dma_start3A_217] : memref<26624xf32, #tpu.memory_space<vmem_shared>> -> memref<26624xf32, #tpu.memory_space<vmem_shared>>
      tpu.enqueue_indirect_dma source(%dma_start3A_216 : memref<128xf32, #tpu.memory_space<vmem>>) target(%dma_start3A_218 : memref<26624xf32, #tpu.memory_space<vmem_shared>>) offsets(%arg25 : memref<128xi32, #tpu.memory_space<vmem>>) semaphore(%arg41 : memref<!tpu.dma_semaphore, #tpu.memory_space<semaphore_mem>>)
      %dma_start3A_219 = arith.constant 256 : i32
      %dma_start3A_220 = tpu.memref_slice %arg20[%dma_start3A_219] : memref<1280xf32, #tpu.memory_space<vmem>> -> memref<128xf32, #tpu.memory_space<vmem>>
      %dma_start3A_221 = arith.constant 0 : i32
      %dma_start3A_222 = tpu.memref_slice %arg37[%dma_start3A_221] : memref<26624xf32, #tpu.memory_space<vmem_shared>> -> memref<26624xf32, #tpu.memory_space<vmem_shared>>
      tpu.enqueue_indirect_dma source(%dma_start3A_220 : memref<128xf32, #tpu.memory_space<vmem>>) target(%dma_start3A_222 : memref<26624xf32, #tpu.memory_space<vmem_shared>>) offsets(%arg26 : memref<128xi32, #tpu.memory_space<vmem>>) semaphore(%arg41 : memref<!tpu.dma_semaphore, #tpu.memory_space<semaphore_mem>>)
      %dma_start3A_223 = arith.constant 384 : i32
      %dma_start3A_224 = tpu.memref_slice %arg20[%dma_start3A_223] : memref<1280xf32, #tpu.memory_space<vmem>> -> memref<128xf32, #tpu.memory_space<vmem>>
      %dma_start3A_225 = arith.constant 0 : i32
      %dma_start3A_226 = tpu.memref_slice %arg37[%dma_start3A_225] : memref<26624xf32, #tpu.memory_space<vmem_shared>> -> memref<26624xf32, #tpu.memory_space<vmem_shared>>
      tpu.enqueue_indirect_dma source(%dma_start3A_224 : memref<128xf32, #tpu.memory_space<vmem>>) target(%dma_start3A_226 : memref<26624xf32, #tpu.memory_space<vmem_shared>>) offsets(%arg27 : memref<128xi32, #tpu.memory_space<vmem>>) semaphore(%arg41 : memref<!tpu.dma_semaphore, #tpu.memory_space<semaphore_mem>>)
      %dma_start3A_227 = arith.constant 512 : i32
      %dma_start3A_228 = tpu.memref_slice %arg20[%dma_start3A_227] : memref<1280xf32, #tpu.memory_space<vmem>> -> memref<128xf32, #tpu.memory_space<vmem>>
      %dma_start3A_229 = arith.constant 0 : i32
      %dma_start3A_230 = tpu.memref_slice %arg37[%dma_start3A_229] : memref<26624xf32, #tpu.memory_space<vmem_shared>> -> memref<26624xf32, #tpu.memory_space<vmem_shared>>
      tpu.enqueue_indirect_dma source(%dma_start3A_228 : memref<128xf32, #tpu.memory_space<vmem>>) target(%dma_start3A_230 : memref<26624xf32, #tpu.memory_space<vmem_shared>>) offsets(%arg28 : memref<128xi32, #tpu.memory_space<vmem>>) semaphore(%arg41 : memref<!tpu.dma_semaphore, #tpu.memory_space<semaphore_mem>>)
      %dma_start3A_231 = arith.constant 640 : i32
      %dma_start3A_232 = tpu.memref_slice %arg20[%dma_start3A_231] : memref<1280xf32, #tpu.memory_space<vmem>> -> memref<128xf32, #tpu.memory_space<vmem>>
      %dma_start3A_233 = arith.constant 0 : i32
      %dma_start3A_234 = tpu.memref_slice %arg37[%dma_start3A_233] : memref<26624xf32, #tpu.memory_space<vmem_shared>> -> memref<26624xf32, #tpu.memory_space<vmem_shared>>
      tpu.enqueue_indirect_dma source(%dma_start3A_232 : memref<128xf32, #tpu.memory_space<vmem>>) target(%dma_start3A_234 : memref<26624xf32, #tpu.memory_space<vmem_shared>>) offsets(%arg29 : memref<128xi32, #tpu.memory_space<vmem>>) semaphore(%arg41 : memref<!tpu.dma_semaphore, #tpu.memory_space<semaphore_mem>>)
      %dma_start3A_235 = arith.constant 768 : i32
      %dma_start3A_236 = tpu.memref_slice %arg20[%dma_start3A_235] : memref<1280xf32, #tpu.memory_space<vmem>> -> memref<128xf32, #tpu.memory_space<vmem>>
      %dma_start3A_237 = arith.constant 0 : i32
      %dma_start3A_238 = tpu.memref_slice %arg37[%dma_start3A_237] : memref<26624xf32, #tpu.memory_space<vmem_shared>> -> memref<26624xf32, #tpu.memory_space<vmem_shared>>
      tpu.enqueue_indirect_dma source(%dma_start3A_236 : memref<128xf32, #tpu.memory_space<vmem>>) target(%dma_start3A_238 : memref<26624xf32, #tpu.memory_space<vmem_shared>>) offsets(%arg30 : memref<128xi32, #tpu.memory_space<vmem>>) semaphore(%arg41 : memref<!tpu.dma_semaphore, #tpu.memory_space<semaphore_mem>>)
      %dma_start3A_239 = arith.constant 896 : i32
      %dma_start3A_240 = tpu.memref_slice %arg20[%dma_start3A_239] : memref<1280xf32, #tpu.memory_space<vmem>> -> memref<128xf32, #tpu.memory_space<vmem>>
      %dma_start3A_241 = arith.constant 0 : i32
      %dma_start3A_242 = tpu.memref_slice %arg37[%dma_start3A_241] : memref<26624xf32, #tpu.memory_space<vmem_shared>> -> memref<26624xf32, #tpu.memory_space<vmem_shared>>
      tpu.enqueue_indirect_dma source(%dma_start3A_240 : memref<128xf32, #tpu.memory_space<vmem>>) target(%dma_start3A_242 : memref<26624xf32, #tpu.memory_space<vmem_shared>>) offsets(%arg31 : memref<128xi32, #tpu.memory_space<vmem>>) semaphore(%arg41 : memref<!tpu.dma_semaphore, #tpu.memory_space<semaphore_mem>>)
      %dma_start3A_243 = arith.constant 1024 : i32
      %dma_start3A_244 = tpu.memref_slice %arg20[%dma_start3A_243] : memref<1280xf32, #tpu.memory_space<vmem>> -> memref<128xf32, #tpu.memory_space<vmem>>
      %dma_start3A_245 = arith.constant 0 : i32
      %dma_start3A_246 = tpu.memref_slice %arg37[%dma_start3A_245] : memref<26624xf32, #tpu.memory_space<vmem_shared>> -> memref<26624xf32, #tpu.memory_space<vmem_shared>>
      tpu.enqueue_indirect_dma source(%dma_start3A_244 : memref<128xf32, #tpu.memory_space<vmem>>) target(%dma_start3A_246 : memref<26624xf32, #tpu.memory_space<vmem_shared>>) offsets(%arg32 : memref<128xi32, #tpu.memory_space<vmem>>) semaphore(%arg41 : memref<!tpu.dma_semaphore, #tpu.memory_space<semaphore_mem>>)
      %dma_start3A_247 = arith.constant 1152 : i32
      %dma_start3A_248 = tpu.memref_slice %arg20[%dma_start3A_247] : memref<1280xf32, #tpu.memory_space<vmem>> -> memref<128xf32, #tpu.memory_space<vmem>>
      %dma_start3A_249 = arith.constant 0 : i32
      %dma_start3A_250 = tpu.memref_slice %arg37[%dma_start3A_249] : memref<26624xf32, #tpu.memory_space<vmem_shared>> -> memref<26624xf32, #tpu.memory_space<vmem_shared>>
      tpu.enqueue_indirect_dma source(%dma_start3A_248 : memref<128xf32, #tpu.memory_space<vmem>>) target(%dma_start3A_250 : memref<26624xf32, #tpu.memory_space<vmem_shared>>) offsets(%arg33 : memref<128xi32, #tpu.memory_space<vmem>>) semaphore(%arg41 : memref<!tpu.dma_semaphore, #tpu.memory_space<semaphore_mem>>)
      %dma_start3A_251 = arith.constant 0 : i32
      %dma_start3A_252 = tpu.memref_slice %arg21[%dma_start3A_251] : memref<1280xf32, #tpu.memory_space<vmem>> -> memref<128xf32, #tpu.memory_space<vmem>>
      %dma_start3A_253 = arith.constant 0 : i32
      %dma_start3A_254 = tpu.memref_slice %arg38[%dma_start3A_253] : memref<26624xf32, #tpu.memory_space<vmem_shared>> -> memref<26624xf32, #tpu.memory_space<vmem_shared>>
      tpu.enqueue_indirect_dma source(%dma_start3A_252 : memref<128xf32, #tpu.memory_space<vmem>>) target(%dma_start3A_254 : memref<26624xf32, #tpu.memory_space<vmem_shared>>) offsets(%arg24 : memref<128xi32, #tpu.memory_space<vmem>>) semaphore(%arg41 : memref<!tpu.dma_semaphore, #tpu.memory_space<semaphore_mem>>)
      %dma_start3A_255 = arith.constant 128 : i32
      %dma_start3A_256 = tpu.memref_slice %arg21[%dma_start3A_255] : memref<1280xf32, #tpu.memory_space<vmem>> -> memref<128xf32, #tpu.memory_space<vmem>>
      %dma_start3A_257 = arith.constant 0 : i32
      %dma_start3A_258 = tpu.memref_slice %arg38[%dma_start3A_257] : memref<26624xf32, #tpu.memory_space<vmem_shared>> -> memref<26624xf32, #tpu.memory_space<vmem_shared>>
      tpu.enqueue_indirect_dma source(%dma_start3A_256 : memref<128xf32, #tpu.memory_space<vmem>>) target(%dma_start3A_258 : memref<26624xf32, #tpu.memory_space<vmem_shared>>) offsets(%arg25 : memref<128xi32, #tpu.memory_space<vmem>>) semaphore(%arg41 : memref<!tpu.dma_semaphore, #tpu.memory_space<semaphore_mem>>)
      %dma_start3A_259 = arith.constant 256 : i32
      %dma_start3A_260 = tpu.memref_slice %arg21[%dma_start3A_259] : memref<1280xf32, #tpu.memory_space<vmem>> -> memref<128xf32, #tpu.memory_space<vmem>>
      %dma_start3A_261 = arith.constant 0 : i32
      %dma_start3A_262 = tpu.memref_slice %arg38[%dma_start3A_261] : memref<26624xf32, #tpu.memory_space<vmem_shared>> -> memref<26624xf32, #tpu.memory_space<vmem_shared>>
      tpu.enqueue_indirect_dma source(%dma_start3A_260 : memref<128xf32, #tpu.memory_space<vmem>>) target(%dma_start3A_262 : memref<26624xf32, #tpu.memory_space<vmem_shared>>) offsets(%arg26 : memref<128xi32, #tpu.memory_space<vmem>>) semaphore(%arg41 : memref<!tpu.dma_semaphore, #tpu.memory_space<semaphore_mem>>)
      %dma_start3A_263 = arith.constant 384 : i32
      %dma_start3A_264 = tpu.memref_slice %arg21[%dma_start3A_263] : memref<1280xf32, #tpu.memory_space<vmem>> -> memref<128xf32, #tpu.memory_space<vmem>>
      %dma_start3A_265 = arith.constant 0 : i32
      %dma_start3A_266 = tpu.memref_slice %arg38[%dma_start3A_265] : memref<26624xf32, #tpu.memory_space<vmem_shared>> -> memref<26624xf32, #tpu.memory_space<vmem_shared>>
      tpu.enqueue_indirect_dma source(%dma_start3A_264 : memref<128xf32, #tpu.memory_space<vmem>>) target(%dma_start3A_266 : memref<26624xf32, #tpu.memory_space<vmem_shared>>) offsets(%arg27 : memref<128xi32, #tpu.memory_space<vmem>>) semaphore(%arg41 : memref<!tpu.dma_semaphore, #tpu.memory_space<semaphore_mem>>)
      %dma_start3A_267 = arith.constant 512 : i32
      %dma_start3A_268 = tpu.memref_slice %arg21[%dma_start3A_267] : memref<1280xf32, #tpu.memory_space<vmem>> -> memref<128xf32, #tpu.memory_space<vmem>>
      %dma_start3A_269 = arith.constant 0 : i32
      %dma_start3A_270 = tpu.memref_slice %arg38[%dma_start3A_269] : memref<26624xf32, #tpu.memory_space<vmem_shared>> -> memref<26624xf32, #tpu.memory_space<vmem_shared>>
      tpu.enqueue_indirect_dma source(%dma_start3A_268 : memref<128xf32, #tpu.memory_space<vmem>>) target(%dma_start3A_270 : memref<26624xf32, #tpu.memory_space<vmem_shared>>) offsets(%arg28 : memref<128xi32, #tpu.memory_space<vmem>>) semaphore(%arg41 : memref<!tpu.dma_semaphore, #tpu.memory_space<semaphore_mem>>)
      %dma_start3A_271 = arith.constant 640 : i32
      %dma_start3A_272 = tpu.memref_slice %arg21[%dma_start3A_271] : memref<1280xf32, #tpu.memory_space<vmem>> -> memref<128xf32, #tpu.memory_space<vmem>>
      %dma_start3A_273 = arith.constant 0 : i32
      %dma_start3A_274 = tpu.memref_slice %arg38[%dma_start3A_273] : memref<26624xf32, #tpu.memory_space<vmem_shared>> -> memref<26624xf32, #tpu.memory_space<vmem_shared>>
      tpu.enqueue_indirect_dma source(%dma_start3A_272 : memref<128xf32, #tpu.memory_space<vmem>>) target(%dma_start3A_274 : memref<26624xf32, #tpu.memory_space<vmem_shared>>) offsets(%arg29 : memref<128xi32, #tpu.memory_space<vmem>>) semaphore(%arg41 : memref<!tpu.dma_semaphore, #tpu.memory_space<semaphore_mem>>)
      %dma_start3A_275 = arith.constant 768 : i32
      %dma_start3A_276 = tpu.memref_slice %arg21[%dma_start3A_275] : memref<1280xf32, #tpu.memory_space<vmem>> -> memref<128xf32, #tpu.memory_space<vmem>>
      %dma_start3A_277 = arith.constant 0 : i32
      %dma_start3A_278 = tpu.memref_slice %arg38[%dma_start3A_277] : memref<26624xf32, #tpu.memory_space<vmem_shared>> -> memref<26624xf32, #tpu.memory_space<vmem_shared>>
      tpu.enqueue_indirect_dma source(%dma_start3A_276 : memref<128xf32, #tpu.memory_space<vmem>>) target(%dma_start3A_278 : memref<26624xf32, #tpu.memory_space<vmem_shared>>) offsets(%arg30 : memref<128xi32, #tpu.memory_space<vmem>>) semaphore(%arg41 : memref<!tpu.dma_semaphore, #tpu.memory_space<semaphore_mem>>)
      %dma_start3A_279 = arith.constant 896 : i32
      %dma_start3A_280 = tpu.memref_slice %arg21[%dma_start3A_279] : memref<1280xf32, #tpu.memory_space<vmem>> -> memref<128xf32, #tpu.memory_space<vmem>>
      %dma_start3A_281 = arith.constant 0 : i32
      %dma_start3A_282 = tpu.memref_slice %arg38[%dma_start3A_281] : memref<26624xf32, #tpu.memory_space<vmem_shared>> -> memref<26624xf32, #tpu.memory_space<vmem_shared>>
      tpu.enqueue_indirect_dma source(%dma_start3A_280 : memref<128xf32, #tpu.memory_space<vmem>>) target(%dma_start3A_282 : memref<26624xf32, #tpu.memory_space<vmem_shared>>) offsets(%arg31 : memref<128xi32, #tpu.memory_space<vmem>>) semaphore(%arg41 : memref<!tpu.dma_semaphore, #tpu.memory_space<semaphore_mem>>)
      %dma_start3A_283 = arith.constant 1024 : i32
      %dma_start3A_284 = tpu.memref_slice %arg21[%dma_start3A_283] : memref<1280xf32, #tpu.memory_space<vmem>> -> memref<128xf32, #tpu.memory_space<vmem>>
      %dma_start3A_285 = arith.constant 0 : i32
      %dma_start3A_286 = tpu.memref_slice %arg38[%dma_start3A_285] : memref<26624xf32, #tpu.memory_space<vmem_shared>> -> memref<26624xf32, #tpu.memory_space<vmem_shared>>
      tpu.enqueue_indirect_dma source(%dma_start3A_284 : memref<128xf32, #tpu.memory_space<vmem>>) target(%dma_start3A_286 : memref<26624xf32, #tpu.memory_space<vmem_shared>>) offsets(%arg32 : memref<128xi32, #tpu.memory_space<vmem>>) semaphore(%arg41 : memref<!tpu.dma_semaphore, #tpu.memory_space<semaphore_mem>>)
      %dma_start3A_287 = arith.constant 1152 : i32
      %dma_start3A_288 = tpu.memref_slice %arg21[%dma_start3A_287] : memref<1280xf32, #tpu.memory_space<vmem>> -> memref<128xf32, #tpu.memory_space<vmem>>
      %dma_start3A_289 = arith.constant 0 : i32
      %dma_start3A_290 = tpu.memref_slice %arg38[%dma_start3A_289] : memref<26624xf32, #tpu.memory_space<vmem_shared>> -> memref<26624xf32, #tpu.memory_space<vmem_shared>>
      tpu.enqueue_indirect_dma source(%dma_start3A_288 : memref<128xf32, #tpu.memory_space<vmem>>) target(%dma_start3A_290 : memref<26624xf32, #tpu.memory_space<vmem_shared>>) offsets(%arg33 : memref<128xi32, #tpu.memory_space<vmem>>) semaphore(%arg41 : memref<!tpu.dma_semaphore, #tpu.memory_space<semaphore_mem>>)
      %dma_start3A_291 = arith.constant 0 : i32
      %dma_start3A_292 = tpu.memref_slice %arg22[%dma_start3A_291] : memref<1280xf32, #tpu.memory_space<vmem>> -> memref<128xf32, #tpu.memory_space<vmem>>
      %dma_start3A_293 = arith.constant 0 : i32
      %dma_start3A_294 = tpu.memref_slice %arg39[%dma_start3A_293] : memref<26624xf32, #tpu.memory_space<vmem_shared>> -> memref<26624xf32, #tpu.memory_space<vmem_shared>>
      tpu.enqueue_indirect_dma source(%dma_start3A_292 : memref<128xf32, #tpu.memory_space<vmem>>) target(%dma_start3A_294 : memref<26624xf32, #tpu.memory_space<vmem_shared>>) offsets(%arg24 : memref<128xi32, #tpu.memory_space<vmem>>) semaphore(%arg41 : memref<!tpu.dma_semaphore, #tpu.memory_space<semaphore_mem>>)
      %dma_start3A_295 = arith.constant 128 : i32
      %dma_start3A_296 = tpu.memref_slice %arg22[%dma_start3A_295] : memref<1280xf32, #tpu.memory_space<vmem>> -> memref<128xf32, #tpu.memory_space<vmem>>
      %dma_start3A_297 = arith.constant 0 : i32
      %dma_start3A_298 = tpu.memref_slice %arg39[%dma_start3A_297] : memref<26624xf32, #tpu.memory_space<vmem_shared>> -> memref<26624xf32, #tpu.memory_space<vmem_shared>>
      tpu.enqueue_indirect_dma source(%dma_start3A_296 : memref<128xf32, #tpu.memory_space<vmem>>) target(%dma_start3A_298 : memref<26624xf32, #tpu.memory_space<vmem_shared>>) offsets(%arg25 : memref<128xi32, #tpu.memory_space<vmem>>) semaphore(%arg41 : memref<!tpu.dma_semaphore, #tpu.memory_space<semaphore_mem>>)
      %dma_start3A_299 = arith.constant 256 : i32
      %dma_start3A_300 = tpu.memref_slice %arg22[%dma_start3A_299] : memref<1280xf32, #tpu.memory_space<vmem>> -> memref<128xf32, #tpu.memory_space<vmem>>
      %dma_start3A_301 = arith.constant 0 : i32
      %dma_start3A_302 = tpu.memref_slice %arg39[%dma_start3A_301] : memref<26624xf32, #tpu.memory_space<vmem_shared>> -> memref<26624xf32, #tpu.memory_space<vmem_shared>>
      tpu.enqueue_indirect_dma source(%dma_start3A_300 : memref<128xf32, #tpu.memory_space<vmem>>) target(%dma_start3A_302 : memref<26624xf32, #tpu.memory_space<vmem_shared>>) offsets(%arg26 : memref<128xi32, #tpu.memory_space<vmem>>) semaphore(%arg41 : memref<!tpu.dma_semaphore, #tpu.memory_space<semaphore_mem>>)
      %dma_start3A_303 = arith.constant 384 : i32
      %dma_start3A_304 = tpu.memref_slice %arg22[%dma_start3A_303] : memref<1280xf32, #tpu.memory_space<vmem>> -> memref<128xf32, #tpu.memory_space<vmem>>
      %dma_start3A_305 = arith.constant 0 : i32
      %dma_start3A_306 = tpu.memref_slice %arg39[%dma_start3A_305] : memref<26624xf32, #tpu.memory_space<vmem_shared>> -> memref<26624xf32, #tpu.memory_space<vmem_shared>>
      tpu.enqueue_indirect_dma source(%dma_start3A_304 : memref<128xf32, #tpu.memory_space<vmem>>) target(%dma_start3A_306 : memref<26624xf32, #tpu.memory_space<vmem_shared>>) offsets(%arg27 : memref<128xi32, #tpu.memory_space<vmem>>) semaphore(%arg41 : memref<!tpu.dma_semaphore, #tpu.memory_space<semaphore_mem>>)
      %dma_start3A_307 = arith.constant 512 : i32
      %dma_start3A_308 = tpu.memref_slice %arg22[%dma_start3A_307] : memref<1280xf32, #tpu.memory_space<vmem>> -> memref<128xf32, #tpu.memory_space<vmem>>
      %dma_start3A_309 = arith.constant 0 : i32
      %dma_start3A_310 = tpu.memref_slice %arg39[%dma_start3A_309] : memref<26624xf32, #tpu.memory_space<vmem_shared>> -> memref<26624xf32, #tpu.memory_space<vmem_shared>>
      tpu.enqueue_indirect_dma source(%dma_start3A_308 : memref<128xf32, #tpu.memory_space<vmem>>) target(%dma_start3A_310 : memref<26624xf32, #tpu.memory_space<vmem_shared>>) offsets(%arg28 : memref<128xi32, #tpu.memory_space<vmem>>) semaphore(%arg41 : memref<!tpu.dma_semaphore, #tpu.memory_space<semaphore_mem>>)
      %dma_start3A_311 = arith.constant 640 : i32
      %dma_start3A_312 = tpu.memref_slice %arg22[%dma_start3A_311] : memref<1280xf32, #tpu.memory_space<vmem>> -> memref<128xf32, #tpu.memory_space<vmem>>
      %dma_start3A_313 = arith.constant 0 : i32
      %dma_start3A_314 = tpu.memref_slice %arg39[%dma_start3A_313] : memref<26624xf32, #tpu.memory_space<vmem_shared>> -> memref<26624xf32, #tpu.memory_space<vmem_shared>>
      tpu.enqueue_indirect_dma source(%dma_start3A_312 : memref<128xf32, #tpu.memory_space<vmem>>) target(%dma_start3A_314 : memref<26624xf32, #tpu.memory_space<vmem_shared>>) offsets(%arg29 : memref<128xi32, #tpu.memory_space<vmem>>) semaphore(%arg41 : memref<!tpu.dma_semaphore, #tpu.memory_space<semaphore_mem>>)
      %dma_start3A_315 = arith.constant 768 : i32
      %dma_start3A_316 = tpu.memref_slice %arg22[%dma_start3A_315] : memref<1280xf32, #tpu.memory_space<vmem>> -> memref<128xf32, #tpu.memory_space<vmem>>
      %dma_start3A_317 = arith.constant 0 : i32
      %dma_start3A_318 = tpu.memref_slice %arg39[%dma_start3A_317] : memref<26624xf32, #tpu.memory_space<vmem_shared>> -> memref<26624xf32, #tpu.memory_space<vmem_shared>>
      tpu.enqueue_indirect_dma source(%dma_start3A_316 : memref<128xf32, #tpu.memory_space<vmem>>) target(%dma_start3A_318 : memref<26624xf32, #tpu.memory_space<vmem_shared>>) offsets(%arg30 : memref<128xi32, #tpu.memory_space<vmem>>) semaphore(%arg41 : memref<!tpu.dma_semaphore, #tpu.memory_space<semaphore_mem>>)
      %dma_start3A_319 = arith.constant 896 : i32
      %dma_start3A_320 = tpu.memref_slice %arg22[%dma_start3A_319] : memref<1280xf32, #tpu.memory_space<vmem>> -> memref<128xf32, #tpu.memory_space<vmem>>
      %dma_start3A_321 = arith.constant 0 : i32
      %dma_start3A_322 = tpu.memref_slice %arg39[%dma_start3A_321] : memref<26624xf32, #tpu.memory_space<vmem_shared>> -> memref<26624xf32, #tpu.memory_space<vmem_shared>>
      tpu.enqueue_indirect_dma source(%dma_start3A_320 : memref<128xf32, #tpu.memory_space<vmem>>) target(%dma_start3A_322 : memref<26624xf32, #tpu.memory_space<vmem_shared>>) offsets(%arg31 : memref<128xi32, #tpu.memory_space<vmem>>) semaphore(%arg41 : memref<!tpu.dma_semaphore, #tpu.memory_space<semaphore_mem>>)
      %dma_start3A_323 = arith.constant 1024 : i32
      %dma_start3A_324 = tpu.memref_slice %arg22[%dma_start3A_323] : memref<1280xf32, #tpu.memory_space<vmem>> -> memref<128xf32, #tpu.memory_space<vmem>>
      %dma_start3A_325 = arith.constant 0 : i32
      %dma_start3A_326 = tpu.memref_slice %arg39[%dma_start3A_325] : memref<26624xf32, #tpu.memory_space<vmem_shared>> -> memref<26624xf32, #tpu.memory_space<vmem_shared>>
      tpu.enqueue_indirect_dma source(%dma_start3A_324 : memref<128xf32, #tpu.memory_space<vmem>>) target(%dma_start3A_326 : memref<26624xf32, #tpu.memory_space<vmem_shared>>) offsets(%arg32 : memref<128xi32, #tpu.memory_space<vmem>>) semaphore(%arg41 : memref<!tpu.dma_semaphore, #tpu.memory_space<semaphore_mem>>)
      %dma_start3A_327 = arith.constant 1152 : i32
      %dma_start3A_328 = tpu.memref_slice %arg22[%dma_start3A_327] : memref<1280xf32, #tpu.memory_space<vmem>> -> memref<128xf32, #tpu.memory_space<vmem>>
      %dma_start3A_329 = arith.constant 0 : i32
      %dma_start3A_330 = tpu.memref_slice %arg39[%dma_start3A_329] : memref<26624xf32, #tpu.memory_space<vmem_shared>> -> memref<26624xf32, #tpu.memory_space<vmem_shared>>
      tpu.enqueue_indirect_dma source(%dma_start3A_328 : memref<128xf32, #tpu.memory_space<vmem>>) target(%dma_start3A_330 : memref<26624xf32, #tpu.memory_space<vmem_shared>>) offsets(%arg33 : memref<128xi32, #tpu.memory_space<vmem>>) semaphore(%arg41 : memref<!tpu.dma_semaphore, #tpu.memory_space<semaphore_mem>>)
      %dma_start3A_331 = arith.constant 0 : i32
      %dma_start3A_332 = tpu.memref_slice %arg23[%dma_start3A_331] : memref<1280xf32, #tpu.memory_space<vmem>> -> memref<128xf32, #tpu.memory_space<vmem>>
      %dma_start3A_333 = arith.constant 0 : i32
      %dma_start3A_334 = tpu.memref_slice %arg40[%dma_start3A_333] : memref<26624xf32, #tpu.memory_space<vmem_shared>> -> memref<26624xf32, #tpu.memory_space<vmem_shared>>
      tpu.enqueue_indirect_dma source(%dma_start3A_332 : memref<128xf32, #tpu.memory_space<vmem>>) target(%dma_start3A_334 : memref<26624xf32, #tpu.memory_space<vmem_shared>>) offsets(%arg24 : memref<128xi32, #tpu.memory_space<vmem>>) semaphore(%arg41 : memref<!tpu.dma_semaphore, #tpu.memory_space<semaphore_mem>>)
      %dma_start3A_335 = arith.constant 128 : i32
      %dma_start3A_336 = tpu.memref_slice %arg23[%dma_start3A_335] : memref<1280xf32, #tpu.memory_space<vmem>> -> memref<128xf32, #tpu.memory_space<vmem>>
      %dma_start3A_337 = arith.constant 0 : i32
      %dma_start3A_338 = tpu.memref_slice %arg40[%dma_start3A_337] : memref<26624xf32, #tpu.memory_space<vmem_shared>> -> memref<26624xf32, #tpu.memory_space<vmem_shared>>
      tpu.enqueue_indirect_dma source(%dma_start3A_336 : memref<128xf32, #tpu.memory_space<vmem>>) target(%dma_start3A_338 : memref<26624xf32, #tpu.memory_space<vmem_shared>>) offsets(%arg25 : memref<128xi32, #tpu.memory_space<vmem>>) semaphore(%arg41 : memref<!tpu.dma_semaphore, #tpu.memory_space<semaphore_mem>>)
      %dma_start3A_339 = arith.constant 256 : i32
      %dma_start3A_340 = tpu.memref_slice %arg23[%dma_start3A_339] : memref<1280xf32, #tpu.memory_space<vmem>> -> memref<128xf32, #tpu.memory_space<vmem>>
      %dma_start3A_341 = arith.constant 0 : i32
      %dma_start3A_342 = tpu.memref_slice %arg40[%dma_start3A_341] : memref<26624xf32, #tpu.memory_space<vmem_shared>> -> memref<26624xf32, #tpu.memory_space<vmem_shared>>
      tpu.enqueue_indirect_dma source(%dma_start3A_340 : memref<128xf32, #tpu.memory_space<vmem>>) target(%dma_start3A_342 : memref<26624xf32, #tpu.memory_space<vmem_shared>>) offsets(%arg26 : memref<128xi32, #tpu.memory_space<vmem>>) semaphore(%arg41 : memref<!tpu.dma_semaphore, #tpu.memory_space<semaphore_mem>>)
      %dma_start3A_343 = arith.constant 384 : i32
      %dma_start3A_344 = tpu.memref_slice %arg23[%dma_start3A_343] : memref<1280xf32, #tpu.memory_space<vmem>> -> memref<128xf32, #tpu.memory_space<vmem>>
      %dma_start3A_345 = arith.constant 0 : i32
      %dma_start3A_346 = tpu.memref_slice %arg40[%dma_start3A_345] : memref<26624xf32, #tpu.memory_space<vmem_shared>> -> memref<26624xf32, #tpu.memory_space<vmem_shared>>
      tpu.enqueue_indirect_dma source(%dma_start3A_344 : memref<128xf32, #tpu.memory_space<vmem>>) target(%dma_start3A_346 : memref<26624xf32, #tpu.memory_space<vmem_shared>>) offsets(%arg27 : memref<128xi32, #tpu.memory_space<vmem>>) semaphore(%arg41 : memref<!tpu.dma_semaphore, #tpu.memory_space<semaphore_mem>>)
      %dma_start3A_347 = arith.constant 512 : i32
      %dma_start3A_348 = tpu.memref_slice %arg23[%dma_start3A_347] : memref<1280xf32, #tpu.memory_space<vmem>> -> memref<128xf32, #tpu.memory_space<vmem>>
      %dma_start3A_349 = arith.constant 0 : i32
      %dma_start3A_350 = tpu.memref_slice %arg40[%dma_start3A_349] : memref<26624xf32, #tpu.memory_space<vmem_shared>> -> memref<26624xf32, #tpu.memory_space<vmem_shared>>
      tpu.enqueue_indirect_dma source(%dma_start3A_348 : memref<128xf32, #tpu.memory_space<vmem>>) target(%dma_start3A_350 : memref<26624xf32, #tpu.memory_space<vmem_shared>>) offsets(%arg28 : memref<128xi32, #tpu.memory_space<vmem>>) semaphore(%arg41 : memref<!tpu.dma_semaphore, #tpu.memory_space<semaphore_mem>>)
      %dma_start3A_351 = arith.constant 640 : i32
      %dma_start3A_352 = tpu.memref_slice %arg23[%dma_start3A_351] : memref<1280xf32, #tpu.memory_space<vmem>> -> memref<128xf32, #tpu.memory_space<vmem>>
      %dma_start3A_353 = arith.constant 0 : i32
      %dma_start3A_354 = tpu.memref_slice %arg40[%dma_start3A_353] : memref<26624xf32, #tpu.memory_space<vmem_shared>> -> memref<26624xf32, #tpu.memory_space<vmem_shared>>
      tpu.enqueue_indirect_dma source(%dma_start3A_352 : memref<128xf32, #tpu.memory_space<vmem>>) target(%dma_start3A_354 : memref<26624xf32, #tpu.memory_space<vmem_shared>>) offsets(%arg29 : memref<128xi32, #tpu.memory_space<vmem>>) semaphore(%arg41 : memref<!tpu.dma_semaphore, #tpu.memory_space<semaphore_mem>>)
      %dma_start3A_355 = arith.constant 768 : i32
      %dma_start3A_356 = tpu.memref_slice %arg23[%dma_start3A_355] : memref<1280xf32, #tpu.memory_space<vmem>> -> memref<128xf32, #tpu.memory_space<vmem>>
      %dma_start3A_357 = arith.constant 0 : i32
      %dma_start3A_358 = tpu.memref_slice %arg40[%dma_start3A_357] : memref<26624xf32, #tpu.memory_space<vmem_shared>> -> memref<26624xf32, #tpu.memory_space<vmem_shared>>
      tpu.enqueue_indirect_dma source(%dma_start3A_356 : memref<128xf32, #tpu.memory_space<vmem>>) target(%dma_start3A_358 : memref<26624xf32, #tpu.memory_space<vmem_shared>>) offsets(%arg30 : memref<128xi32, #tpu.memory_space<vmem>>) semaphore(%arg41 : memref<!tpu.dma_semaphore, #tpu.memory_space<semaphore_mem>>)
      %dma_start3A_359 = arith.constant 896 : i32
      %dma_start3A_360 = tpu.memref_slice %arg23[%dma_start3A_359] : memref<1280xf32, #tpu.memory_space<vmem>> -> memref<128xf32, #tpu.memory_space<vmem>>
      %dma_start3A_361 = arith.constant 0 : i32
      %dma_start3A_362 = tpu.memref_slice %arg40[%dma_start3A_361] : memref<26624xf32, #tpu.memory_space<vmem_shared>> -> memref<26624xf32, #tpu.memory_space<vmem_shared>>
      tpu.enqueue_indirect_dma source(%dma_start3A_360 : memref<128xf32, #tpu.memory_space<vmem>>) target(%dma_start3A_362 : memref<26624xf32, #tpu.memory_space<vmem_shared>>) offsets(%arg31 : memref<128xi32, #tpu.memory_space<vmem>>) semaphore(%arg41 : memref<!tpu.dma_semaphore, #tpu.memory_space<semaphore_mem>>)
      %dma_start3A_363 = arith.constant 1024 : i32
      %dma_start3A_364 = tpu.memref_slice %arg23[%dma_start3A_363] : memref<1280xf32, #tpu.memory_space<vmem>> -> memref<128xf32, #tpu.memory_space<vmem>>
      %dma_start3A_365 = arith.constant 0 : i32
      %dma_start3A_366 = tpu.memref_slice %arg40[%dma_start3A_365] : memref<26624xf32, #tpu.memory_space<vmem_shared>> -> memref<26624xf32, #tpu.memory_space<vmem_shared>>
      tpu.enqueue_indirect_dma source(%dma_start3A_364 : memref<128xf32, #tpu.memory_space<vmem>>) target(%dma_start3A_366 : memref<26624xf32, #tpu.memory_space<vmem_shared>>) offsets(%arg32 : memref<128xi32, #tpu.memory_space<vmem>>) semaphore(%arg41 : memref<!tpu.dma_semaphore, #tpu.memory_space<semaphore_mem>>)
      %dma_start3A_367 = arith.constant 1152 : i32
      %dma_start3A_368 = tpu.memref_slice %arg23[%dma_start3A_367] : memref<1280xf32, #tpu.memory_space<vmem>> -> memref<128xf32, #tpu.memory_space<vmem>>
      %dma_start3A_369 = arith.constant 0 : i32
      %dma_start3A_370 = tpu.memref_slice %arg40[%dma_start3A_369] : memref<26624xf32, #tpu.memory_space<vmem_shared>> -> memref<26624xf32, #tpu.memory_space<vmem_shared>>
      tpu.enqueue_indirect_dma source(%dma_start3A_368 : memref<128xf32, #tpu.memory_space<vmem>>) target(%dma_start3A_370 : memref<26624xf32, #tpu.memory_space<vmem_shared>>) offsets(%arg33 : memref<128xi32, #tpu.memory_space<vmem>>) semaphore(%arg41 : memref<!tpu.dma_semaphore, #tpu.memory_space<semaphore_mem>>)
      %dma_wait3A_371 = arith.constant 0 : i32
      %dma_wait3A_372 = tpu.memref_slice %arg17[%dma_wait3A_371] : memref<1280xf32, #tpu.memory_space<vmem>> -> memref<128xf32, #tpu.memory_space<vmem>>
      %dma_wait3A_373 = arith.constant 0 : i32
      %dma_wait3A_374 = tpu.memref_slice %arg34[%dma_wait3A_373] : memref<26624xf32, #tpu.memory_space<vmem_shared>> -> memref<26624xf32, #tpu.memory_space<vmem_shared>>
      tpu.wait_indirect_dma semaphore(%arg41 : memref<!tpu.dma_semaphore, #tpu.memory_space<semaphore_mem>>) src(%dma_wait3A_372 : memref<128xf32, #tpu.memory_space<vmem>>) dst(%dma_wait3A_374 : memref<26624xf32, #tpu.memory_space<vmem_shared>>)
      %dma_wait3A_375 = arith.constant 128 : i32
      %dma_wait3A_376 = tpu.memref_slice %arg17[%dma_wait3A_375] : memref<1280xf32, #tpu.memory_space<vmem>> -> memref<128xf32, #tpu.memory_space<vmem>>
      %dma_wait3A_377 = arith.constant 0 : i32
      %dma_wait3A_378 = tpu.memref_slice %arg34[%dma_wait3A_377] : memref<26624xf32, #tpu.memory_space<vmem_shared>> -> memref<26624xf32, #tpu.memory_space<vmem_shared>>
      tpu.wait_indirect_dma semaphore(%arg41 : memref<!tpu.dma_semaphore, #tpu.memory_space<semaphore_mem>>) src(%dma_wait3A_376 : memref<128xf32, #tpu.memory_space<vmem>>) dst(%dma_wait3A_378 : memref<26624xf32, #tpu.memory_space<vmem_shared>>)
      %dma_wait3A_379 = arith.constant 256 : i32
      %dma_wait3A_380 = tpu.memref_slice %arg17[%dma_wait3A_379] : memref<1280xf32, #tpu.memory_space<vmem>> -> memref<128xf32, #tpu.memory_space<vmem>>
      %dma_wait3A_381 = arith.constant 0 : i32
      %dma_wait3A_382 = tpu.memref_slice %arg34[%dma_wait3A_381] : memref<26624xf32, #tpu.memory_space<vmem_shared>> -> memref<26624xf32, #tpu.memory_space<vmem_shared>>
      tpu.wait_indirect_dma semaphore(%arg41 : memref<!tpu.dma_semaphore, #tpu.memory_space<semaphore_mem>>) src(%dma_wait3A_380 : memref<128xf32, #tpu.memory_space<vmem>>) dst(%dma_wait3A_382 : memref<26624xf32, #tpu.memory_space<vmem_shared>>)
      %dma_wait3A_383 = arith.constant 384 : i32
      %dma_wait3A_384 = tpu.memref_slice %arg17[%dma_wait3A_383] : memref<1280xf32, #tpu.memory_space<vmem>> -> memref<128xf32, #tpu.memory_space<vmem>>
      %dma_wait3A_385 = arith.constant 0 : i32
      %dma_wait3A_386 = tpu.memref_slice %arg34[%dma_wait3A_385] : memref<26624xf32, #tpu.memory_space<vmem_shared>> -> memref<26624xf32, #tpu.memory_space<vmem_shared>>
      tpu.wait_indirect_dma semaphore(%arg41 : memref<!tpu.dma_semaphore, #tpu.memory_space<semaphore_mem>>) src(%dma_wait3A_384 : memref<128xf32, #tpu.memory_space<vmem>>) dst(%dma_wait3A_386 : memref<26624xf32, #tpu.memory_space<vmem_shared>>)
      %dma_wait3A_387 = arith.constant 512 : i32
      %dma_wait3A_388 = tpu.memref_slice %arg17[%dma_wait3A_387] : memref<1280xf32, #tpu.memory_space<vmem>> -> memref<128xf32, #tpu.memory_space<vmem>>
      %dma_wait3A_389 = arith.constant 0 : i32
      %dma_wait3A_390 = tpu.memref_slice %arg34[%dma_wait3A_389] : memref<26624xf32, #tpu.memory_space<vmem_shared>> -> memref<26624xf32, #tpu.memory_space<vmem_shared>>
      tpu.wait_indirect_dma semaphore(%arg41 : memref<!tpu.dma_semaphore, #tpu.memory_space<semaphore_mem>>) src(%dma_wait3A_388 : memref<128xf32, #tpu.memory_space<vmem>>) dst(%dma_wait3A_390 : memref<26624xf32, #tpu.memory_space<vmem_shared>>)
      %dma_wait3A_391 = arith.constant 640 : i32
      %dma_wait3A_392 = tpu.memref_slice %arg17[%dma_wait3A_391] : memref<1280xf32, #tpu.memory_space<vmem>> -> memref<128xf32, #tpu.memory_space<vmem>>
      %dma_wait3A_393 = arith.constant 0 : i32
      %dma_wait3A_394 = tpu.memref_slice %arg34[%dma_wait3A_393] : memref<26624xf32, #tpu.memory_space<vmem_shared>> -> memref<26624xf32, #tpu.memory_space<vmem_shared>>
      tpu.wait_indirect_dma semaphore(%arg41 : memref<!tpu.dma_semaphore, #tpu.memory_space<semaphore_mem>>) src(%dma_wait3A_392 : memref<128xf32, #tpu.memory_space<vmem>>) dst(%dma_wait3A_394 : memref<26624xf32, #tpu.memory_space<vmem_shared>>)
      %dma_wait3A_395 = arith.constant 768 : i32
      %dma_wait3A_396 = tpu.memref_slice %arg17[%dma_wait3A_395] : memref<1280xf32, #tpu.memory_space<vmem>> -> memref<128xf32, #tpu.memory_space<vmem>>
      %dma_wait3A_397 = arith.constant 0 : i32
      %dma_wait3A_398 = tpu.memref_slice %arg34[%dma_wait3A_397] : memref<26624xf32, #tpu.memory_space<vmem_shared>> -> memref<26624xf32, #tpu.memory_space<vmem_shared>>
      tpu.wait_indirect_dma semaphore(%arg41 : memref<!tpu.dma_semaphore, #tpu.memory_space<semaphore_mem>>) src(%dma_wait3A_396 : memref<128xf32, #tpu.memory_space<vmem>>) dst(%dma_wait3A_398 : memref<26624xf32, #tpu.memory_space<vmem_shared>>)
      %dma_wait3A_399 = arith.constant 896 : i32
      %dma_wait3A_400 = tpu.memref_slice %arg17[%dma_wait3A_399] : memref<1280xf32, #tpu.memory_space<vmem>> -> memref<128xf32, #tpu.memory_space<vmem>>
      %dma_wait3A_401 = arith.constant 0 : i32
      %dma_wait3A_402 = tpu.memref_slice %arg34[%dma_wait3A_401] : memref<26624xf32, #tpu.memory_space<vmem_shared>> -> memref<26624xf32, #tpu.memory_space<vmem_shared>>
      tpu.wait_indirect_dma semaphore(%arg41 : memref<!tpu.dma_semaphore, #tpu.memory_space<semaphore_mem>>) src(%dma_wait3A_400 : memref<128xf32, #tpu.memory_space<vmem>>) dst(%dma_wait3A_402 : memref<26624xf32, #tpu.memory_space<vmem_shared>>)
      %dma_wait3A_403 = arith.constant 1024 : i32
      %dma_wait3A_404 = tpu.memref_slice %arg17[%dma_wait3A_403] : memref<1280xf32, #tpu.memory_space<vmem>> -> memref<128xf32, #tpu.memory_space<vmem>>
      %dma_wait3A_405 = arith.constant 0 : i32
      %dma_wait3A_406 = tpu.memref_slice %arg34[%dma_wait3A_405] : memref<26624xf32, #tpu.memory_space<vmem_shared>> -> memref<26624xf32, #tpu.memory_space<vmem_shared>>
      tpu.wait_indirect_dma semaphore(%arg41 : memref<!tpu.dma_semaphore, #tpu.memory_space<semaphore_mem>>) src(%dma_wait3A_404 : memref<128xf32, #tpu.memory_space<vmem>>) dst(%dma_wait3A_406 : memref<26624xf32, #tpu.memory_space<vmem_shared>>)
      %dma_wait3A_407 = arith.constant 1152 : i32
      %dma_wait3A_408 = tpu.memref_slice %arg17[%dma_wait3A_407] : memref<1280xf32, #tpu.memory_space<vmem>> -> memref<128xf32, #tpu.memory_space<vmem>>
      %dma_wait3A_409 = arith.constant 0 : i32
      %dma_wait3A_410 = tpu.memref_slice %arg34[%dma_wait3A_409] : memref<26624xf32, #tpu.memory_space<vmem_shared>> -> memref<26624xf32, #tpu.memory_space<vmem_shared>>
      tpu.wait_indirect_dma semaphore(%arg41 : memref<!tpu.dma_semaphore, #tpu.memory_space<semaphore_mem>>) src(%dma_wait3A_408 : memref<128xf32, #tpu.memory_space<vmem>>) dst(%dma_wait3A_410 : memref<26624xf32, #tpu.memory_space<vmem_shared>>)
      %dma_wait3A_411 = arith.constant 0 : i32
      %dma_wait3A_412 = tpu.memref_slice %arg18[%dma_wait3A_411] : memref<1280xf32, #tpu.memory_space<vmem>> -> memref<128xf32, #tpu.memory_space<vmem>>
      %dma_wait3A_413 = arith.constant 0 : i32
      %dma_wait3A_414 = tpu.memref_slice %arg35[%dma_wait3A_413] : memref<26624xf32, #tpu.memory_space<vmem_shared>> -> memref<26624xf32, #tpu.memory_space<vmem_shared>>
      tpu.wait_indirect_dma semaphore(%arg41 : memref<!tpu.dma_semaphore, #tpu.memory_space<semaphore_mem>>) src(%dma_wait3A_412 : memref<128xf32, #tpu.memory_space<vmem>>) dst(%dma_wait3A_414 : memref<26624xf32, #tpu.memory_space<vmem_shared>>)
      %dma_wait3A_415 = arith.constant 128 : i32
      %dma_wait3A_416 = tpu.memref_slice %arg18[%dma_wait3A_415] : memref<1280xf32, #tpu.memory_space<vmem>> -> memref<128xf32, #tpu.memory_space<vmem>>
      %dma_wait3A_417 = arith.constant 0 : i32
      %dma_wait3A_418 = tpu.memref_slice %arg35[%dma_wait3A_417] : memref<26624xf32, #tpu.memory_space<vmem_shared>> -> memref<26624xf32, #tpu.memory_space<vmem_shared>>
      tpu.wait_indirect_dma semaphore(%arg41 : memref<!tpu.dma_semaphore, #tpu.memory_space<semaphore_mem>>) src(%dma_wait3A_416 : memref<128xf32, #tpu.memory_space<vmem>>) dst(%dma_wait3A_418 : memref<26624xf32, #tpu.memory_space<vmem_shared>>)
      %dma_wait3A_419 = arith.constant 256 : i32
      %dma_wait3A_420 = tpu.memref_slice %arg18[%dma_wait3A_419] : memref<1280xf32, #tpu.memory_space<vmem>> -> memref<128xf32, #tpu.memory_space<vmem>>
      %dma_wait3A_421 = arith.constant 0 : i32
      %dma_wait3A_422 = tpu.memref_slice %arg35[%dma_wait3A_421] : memref<26624xf32, #tpu.memory_space<vmem_shared>> -> memref<26624xf32, #tpu.memory_space<vmem_shared>>
      tpu.wait_indirect_dma semaphore(%arg41 : memref<!tpu.dma_semaphore, #tpu.memory_space<semaphore_mem>>) src(%dma_wait3A_420 : memref<128xf32, #tpu.memory_space<vmem>>) dst(%dma_wait3A_422 : memref<26624xf32, #tpu.memory_space<vmem_shared>>)
      %dma_wait3A_423 = arith.constant 384 : i32
      %dma_wait3A_424 = tpu.memref_slice %arg18[%dma_wait3A_423] : memref<1280xf32, #tpu.memory_space<vmem>> -> memref<128xf32, #tpu.memory_space<vmem>>
      %dma_wait3A_425 = arith.constant 0 : i32
      %dma_wait3A_426 = tpu.memref_slice %arg35[%dma_wait3A_425] : memref<26624xf32, #tpu.memory_space<vmem_shared>> -> memref<26624xf32, #tpu.memory_space<vmem_shared>>
      tpu.wait_indirect_dma semaphore(%arg41 : memref<!tpu.dma_semaphore, #tpu.memory_space<semaphore_mem>>) src(%dma_wait3A_424 : memref<128xf32, #tpu.memory_space<vmem>>) dst(%dma_wait3A_426 : memref<26624xf32, #tpu.memory_space<vmem_shared>>)
      %dma_wait3A_427 = arith.constant 512 : i32
      %dma_wait3A_428 = tpu.memref_slice %arg18[%dma_wait3A_427] : memref<1280xf32, #tpu.memory_space<vmem>> -> memref<128xf32, #tpu.memory_space<vmem>>
      %dma_wait3A_429 = arith.constant 0 : i32
      %dma_wait3A_430 = tpu.memref_slice %arg35[%dma_wait3A_429] : memref<26624xf32, #tpu.memory_space<vmem_shared>> -> memref<26624xf32, #tpu.memory_space<vmem_shared>>
      tpu.wait_indirect_dma semaphore(%arg41 : memref<!tpu.dma_semaphore, #tpu.memory_space<semaphore_mem>>) src(%dma_wait3A_428 : memref<128xf32, #tpu.memory_space<vmem>>) dst(%dma_wait3A_430 : memref<26624xf32, #tpu.memory_space<vmem_shared>>)
      %dma_wait3A_431 = arith.constant 640 : i32
      %dma_wait3A_432 = tpu.memref_slice %arg18[%dma_wait3A_431] : memref<1280xf32, #tpu.memory_space<vmem>> -> memref<128xf32, #tpu.memory_space<vmem>>
      %dma_wait3A_433 = arith.constant 0 : i32
      %dma_wait3A_434 = tpu.memref_slice %arg35[%dma_wait3A_433] : memref<26624xf32, #tpu.memory_space<vmem_shared>> -> memref<26624xf32, #tpu.memory_space<vmem_shared>>
      tpu.wait_indirect_dma semaphore(%arg41 : memref<!tpu.dma_semaphore, #tpu.memory_space<semaphore_mem>>) src(%dma_wait3A_432 : memref<128xf32, #tpu.memory_space<vmem>>) dst(%dma_wait3A_434 : memref<26624xf32, #tpu.memory_space<vmem_shared>>)
      %dma_wait3A_435 = arith.constant 768 : i32
      %dma_wait3A_436 = tpu.memref_slice %arg18[%dma_wait3A_435] : memref<1280xf32, #tpu.memory_space<vmem>> -> memref<128xf32, #tpu.memory_space<vmem>>
      %dma_wait3A_437 = arith.constant 0 : i32
      %dma_wait3A_438 = tpu.memref_slice %arg35[%dma_wait3A_437] : memref<26624xf32, #tpu.memory_space<vmem_shared>> -> memref<26624xf32, #tpu.memory_space<vmem_shared>>
      tpu.wait_indirect_dma semaphore(%arg41 : memref<!tpu.dma_semaphore, #tpu.memory_space<semaphore_mem>>) src(%dma_wait3A_436 : memref<128xf32, #tpu.memory_space<vmem>>) dst(%dma_wait3A_438 : memref<26624xf32, #tpu.memory_space<vmem_shared>>)
      %dma_wait3A_439 = arith.constant 896 : i32
      %dma_wait3A_440 = tpu.memref_slice %arg18[%dma_wait3A_439] : memref<1280xf32, #tpu.memory_space<vmem>> -> memref<128xf32, #tpu.memory_space<vmem>>
      %dma_wait3A_441 = arith.constant 0 : i32
      %dma_wait3A_442 = tpu.memref_slice %arg35[%dma_wait3A_441] : memref<26624xf32, #tpu.memory_space<vmem_shared>> -> memref<26624xf32, #tpu.memory_space<vmem_shared>>
      tpu.wait_indirect_dma semaphore(%arg41 : memref<!tpu.dma_semaphore, #tpu.memory_space<semaphore_mem>>) src(%dma_wait3A_440 : memref<128xf32, #tpu.memory_space<vmem>>) dst(%dma_wait3A_442 : memref<26624xf32, #tpu.memory_space<vmem_shared>>)
      %dma_wait3A_443 = arith.constant 1024 : i32
      %dma_wait3A_444 = tpu.memref_slice %arg18[%dma_wait3A_443] : memref<1280xf32, #tpu.memory_space<vmem>> -> memref<128xf32, #tpu.memory_space<vmem>>
      %dma_wait3A_445 = arith.constant 0 : i32
      %dma_wait3A_446 = tpu.memref_slice %arg35[%dma_wait3A_445] : memref<26624xf32, #tpu.memory_space<vmem_shared>> -> memref<26624xf32, #tpu.memory_space<vmem_shared>>
      tpu.wait_indirect_dma semaphore(%arg41 : memref<!tpu.dma_semaphore, #tpu.memory_space<semaphore_mem>>) src(%dma_wait3A_444 : memref<128xf32, #tpu.memory_space<vmem>>) dst(%dma_wait3A_446 : memref<26624xf32, #tpu.memory_space<vmem_shared>>)
      %dma_wait3A_447 = arith.constant 1152 : i32
      %dma_wait3A_448 = tpu.memref_slice %arg18[%dma_wait3A_447] : memref<1280xf32, #tpu.memory_space<vmem>> -> memref<128xf32, #tpu.memory_space<vmem>>
      %dma_wait3A_449 = arith.constant 0 : i32
      %dma_wait3A_450 = tpu.memref_slice %arg35[%dma_wait3A_449] : memref<26624xf32, #tpu.memory_space<vmem_shared>> -> memref<26624xf32, #tpu.memory_space<vmem_shared>>
      tpu.wait_indirect_dma semaphore(%arg41 : memref<!tpu.dma_semaphore, #tpu.memory_space<semaphore_mem>>) src(%dma_wait3A_448 : memref<128xf32, #tpu.memory_space<vmem>>) dst(%dma_wait3A_450 : memref<26624xf32, #tpu.memory_space<vmem_shared>>)
      %dma_wait3A_451 = arith.constant 0 : i32
      %dma_wait3A_452 = tpu.memref_slice %arg19[%dma_wait3A_451] : memref<1280xf32, #tpu.memory_space<vmem>> -> memref<128xf32, #tpu.memory_space<vmem>>
      %dma_wait3A_453 = arith.constant 0 : i32
      %dma_wait3A_454 = tpu.memref_slice %arg36[%dma_wait3A_453] : memref<26624xf32, #tpu.memory_space<vmem_shared>> -> memref<26624xf32, #tpu.memory_space<vmem_shared>>
      tpu.wait_indirect_dma semaphore(%arg41 : memref<!tpu.dma_semaphore, #tpu.memory_space<semaphore_mem>>) src(%dma_wait3A_452 : memref<128xf32, #tpu.memory_space<vmem>>) dst(%dma_wait3A_454 : memref<26624xf32, #tpu.memory_space<vmem_shared>>)
      %dma_wait3A_455 = arith.constant 128 : i32
      %dma_wait3A_456 = tpu.memref_slice %arg19[%dma_wait3A_455] : memref<1280xf32, #tpu.memory_space<vmem>> -> memref<128xf32, #tpu.memory_space<vmem>>
      %dma_wait3A_457 = arith.constant 0 : i32
      %dma_wait3A_458 = tpu.memref_slice %arg36[%dma_wait3A_457] : memref<26624xf32, #tpu.memory_space<vmem_shared>> -> memref<26624xf32, #tpu.memory_space<vmem_shared>>
      tpu.wait_indirect_dma semaphore(%arg41 : memref<!tpu.dma_semaphore, #tpu.memory_space<semaphore_mem>>) src(%dma_wait3A_456 : memref<128xf32, #tpu.memory_space<vmem>>) dst(%dma_wait3A_458 : memref<26624xf32, #tpu.memory_space<vmem_shared>>)
      %dma_wait3A_459 = arith.constant 256 : i32
      %dma_wait3A_460 = tpu.memref_slice %arg19[%dma_wait3A_459] : memref<1280xf32, #tpu.memory_space<vmem>> -> memref<128xf32, #tpu.memory_space<vmem>>
      %dma_wait3A_461 = arith.constant 0 : i32
      %dma_wait3A_462 = tpu.memref_slice %arg36[%dma_wait3A_461] : memref<26624xf32, #tpu.memory_space<vmem_shared>> -> memref<26624xf32, #tpu.memory_space<vmem_shared>>
      tpu.wait_indirect_dma semaphore(%arg41 : memref<!tpu.dma_semaphore, #tpu.memory_space<semaphore_mem>>) src(%dma_wait3A_460 : memref<128xf32, #tpu.memory_space<vmem>>) dst(%dma_wait3A_462 : memref<26624xf32, #tpu.memory_space<vmem_shared>>)
      %dma_wait3A_463 = arith.constant 384 : i32
      %dma_wait3A_464 = tpu.memref_slice %arg19[%dma_wait3A_463] : memref<1280xf32, #tpu.memory_space<vmem>> -> memref<128xf32, #tpu.memory_space<vmem>>
      %dma_wait3A_465 = arith.constant 0 : i32
      %dma_wait3A_466 = tpu.memref_slice %arg36[%dma_wait3A_465] : memref<26624xf32, #tpu.memory_space<vmem_shared>> -> memref<26624xf32, #tpu.memory_space<vmem_shared>>
      tpu.wait_indirect_dma semaphore(%arg41 : memref<!tpu.dma_semaphore, #tpu.memory_space<semaphore_mem>>) src(%dma_wait3A_464 : memref<128xf32, #tpu.memory_space<vmem>>) dst(%dma_wait3A_466 : memref<26624xf32, #tpu.memory_space<vmem_shared>>)
      %dma_wait3A_467 = arith.constant 512 : i32
      %dma_wait3A_468 = tpu.memref_slice %arg19[%dma_wait3A_467] : memref<1280xf32, #tpu.memory_space<vmem>> -> memref<128xf32, #tpu.memory_space<vmem>>
      %dma_wait3A_469 = arith.constant 0 : i32
      %dma_wait3A_470 = tpu.memref_slice %arg36[%dma_wait3A_469] : memref<26624xf32, #tpu.memory_space<vmem_shared>> -> memref<26624xf32, #tpu.memory_space<vmem_shared>>
      tpu.wait_indirect_dma semaphore(%arg41 : memref<!tpu.dma_semaphore, #tpu.memory_space<semaphore_mem>>) src(%dma_wait3A_468 : memref<128xf32, #tpu.memory_space<vmem>>) dst(%dma_wait3A_470 : memref<26624xf32, #tpu.memory_space<vmem_shared>>)
      %dma_wait3A_471 = arith.constant 640 : i32
      %dma_wait3A_472 = tpu.memref_slice %arg19[%dma_wait3A_471] : memref<1280xf32, #tpu.memory_space<vmem>> -> memref<128xf32, #tpu.memory_space<vmem>>
      %dma_wait3A_473 = arith.constant 0 : i32
      %dma_wait3A_474 = tpu.memref_slice %arg36[%dma_wait3A_473] : memref<26624xf32, #tpu.memory_space<vmem_shared>> -> memref<26624xf32, #tpu.memory_space<vmem_shared>>
      tpu.wait_indirect_dma semaphore(%arg41 : memref<!tpu.dma_semaphore, #tpu.memory_space<semaphore_mem>>) src(%dma_wait3A_472 : memref<128xf32, #tpu.memory_space<vmem>>) dst(%dma_wait3A_474 : memref<26624xf32, #tpu.memory_space<vmem_shared>>)
      %dma_wait3A_475 = arith.constant 768 : i32
      %dma_wait3A_476 = tpu.memref_slice %arg19[%dma_wait3A_475] : memref<1280xf32, #tpu.memory_space<vmem>> -> memref<128xf32, #tpu.memory_space<vmem>>
      %dma_wait3A_477 = arith.constant 0 : i32
      %dma_wait3A_478 = tpu.memref_slice %arg36[%dma_wait3A_477] : memref<26624xf32, #tpu.memory_space<vmem_shared>> -> memref<26624xf32, #tpu.memory_space<vmem_shared>>
      tpu.wait_indirect_dma semaphore(%arg41 : memref<!tpu.dma_semaphore, #tpu.memory_space<semaphore_mem>>) src(%dma_wait3A_476 : memref<128xf32, #tpu.memory_space<vmem>>) dst(%dma_wait3A_478 : memref<26624xf32, #tpu.memory_space<vmem_shared>>)
      %dma_wait3A_479 = arith.constant 896 : i32
      %dma_wait3A_480 = tpu.memref_slice %arg19[%dma_wait3A_479] : memref<1280xf32, #tpu.memory_space<vmem>> -> memref<128xf32, #tpu.memory_space<vmem>>
      %dma_wait3A_481 = arith.constant 0 : i32
      %dma_wait3A_482 = tpu.memref_slice %arg36[%dma_wait3A_481] : memref<26624xf32, #tpu.memory_space<vmem_shared>> -> memref<26624xf32, #tpu.memory_space<vmem_shared>>
      tpu.wait_indirect_dma semaphore(%arg41 : memref<!tpu.dma_semaphore, #tpu.memory_space<semaphore_mem>>) src(%dma_wait3A_480 : memref<128xf32, #tpu.memory_space<vmem>>) dst(%dma_wait3A_482 : memref<26624xf32, #tpu.memory_space<vmem_shared>>)
      %dma_wait3A_483 = arith.constant 1024 : i32
      %dma_wait3A_484 = tpu.memref_slice %arg19[%dma_wait3A_483] : memref<1280xf32, #tpu.memory_space<vmem>> -> memref<128xf32, #tpu.memory_space<vmem>>
      %dma_wait3A_485 = arith.constant 0 : i32
      %dma_wait3A_486 = tpu.memref_slice %arg36[%dma_wait3A_485] : memref<26624xf32, #tpu.memory_space<vmem_shared>> -> memref<26624xf32, #tpu.memory_space<vmem_shared>>
      tpu.wait_indirect_dma semaphore(%arg41 : memref<!tpu.dma_semaphore, #tpu.memory_space<semaphore_mem>>) src(%dma_wait3A_484 : memref<128xf32, #tpu.memory_space<vmem>>) dst(%dma_wait3A_486 : memref<26624xf32, #tpu.memory_space<vmem_shared>>)
      %dma_wait3A_487 = arith.constant 1152 : i32
      %dma_wait3A_488 = tpu.memref_slice %arg19[%dma_wait3A_487] : memref<1280xf32, #tpu.memory_space<vmem>> -> memref<128xf32, #tpu.memory_space<vmem>>
      %dma_wait3A_489 = arith.constant 0 : i32
      %dma_wait3A_490 = tpu.memref_slice %arg36[%dma_wait3A_489] : memref<26624xf32, #tpu.memory_space<vmem_shared>> -> memref<26624xf32, #tpu.memory_space<vmem_shared>>
      tpu.wait_indirect_dma semaphore(%arg41 : memref<!tpu.dma_semaphore, #tpu.memory_space<semaphore_mem>>) src(%dma_wait3A_488 : memref<128xf32, #tpu.memory_space<vmem>>) dst(%dma_wait3A_490 : memref<26624xf32, #tpu.memory_space<vmem_shared>>)
      %dma_wait3A_491 = arith.constant 0 : i32
      %dma_wait3A_492 = tpu.memref_slice %arg20[%dma_wait3A_491] : memref<1280xf32, #tpu.memory_space<vmem>> -> memref<128xf32, #tpu.memory_space<vmem>>
      %dma_wait3A_493 = arith.constant 0 : i32
      %dma_wait3A_494 = tpu.memref_slice %arg37[%dma_wait3A_493] : memref<26624xf32, #tpu.memory_space<vmem_shared>> -> memref<26624xf32, #tpu.memory_space<vmem_shared>>
      tpu.wait_indirect_dma semaphore(%arg41 : memref<!tpu.dma_semaphore, #tpu.memory_space<semaphore_mem>>) src(%dma_wait3A_492 : memref<128xf32, #tpu.memory_space<vmem>>) dst(%dma_wait3A_494 : memref<26624xf32, #tpu.memory_space<vmem_shared>>)
      %dma_wait3A_495 = arith.constant 128 : i32
      %dma_wait3A_496 = tpu.memref_slice %arg20[%dma_wait3A_495] : memref<1280xf32, #tpu.memory_space<vmem>> -> memref<128xf32, #tpu.memory_space<vmem>>
      %dma_wait3A_497 = arith.constant 0 : i32
      %dma_wait3A_498 = tpu.memref_slice %arg37[%dma_wait3A_497] : memref<26624xf32, #tpu.memory_space<vmem_shared>> -> memref<26624xf32, #tpu.memory_space<vmem_shared>>
      tpu.wait_indirect_dma semaphore(%arg41 : memref<!tpu.dma_semaphore, #tpu.memory_space<semaphore_mem>>) src(%dma_wait3A_496 : memref<128xf32, #tpu.memory_space<vmem>>) dst(%dma_wait3A_498 : memref<26624xf32, #tpu.memory_space<vmem_shared>>)
      %dma_wait3A_499 = arith.constant 256 : i32
      %dma_wait3A_500 = tpu.memref_slice %arg20[%dma_wait3A_499] : memref<1280xf32, #tpu.memory_space<vmem>> -> memref<128xf32, #tpu.memory_space<vmem>>
      %dma_wait3A_501 = arith.constant 0 : i32
      %dma_wait3A_502 = tpu.memref_slice %arg37[%dma_wait3A_501] : memref<26624xf32, #tpu.memory_space<vmem_shared>> -> memref<26624xf32, #tpu.memory_space<vmem_shared>>
      tpu.wait_indirect_dma semaphore(%arg41 : memref<!tpu.dma_semaphore, #tpu.memory_space<semaphore_mem>>) src(%dma_wait3A_500 : memref<128xf32, #tpu.memory_space<vmem>>) dst(%dma_wait3A_502 : memref<26624xf32, #tpu.memory_space<vmem_shared>>)
      %dma_wait3A_503 = arith.constant 384 : i32
      %dma_wait3A_504 = tpu.memref_slice %arg20[%dma_wait3A_503] : memref<1280xf32, #tpu.memory_space<vmem>> -> memref<128xf32, #tpu.memory_space<vmem>>
      %dma_wait3A_505 = arith.constant 0 : i32
      %dma_wait3A_506 = tpu.memref_slice %arg37[%dma_wait3A_505] : memref<26624xf32, #tpu.memory_space<vmem_shared>> -> memref<26624xf32, #tpu.memory_space<vmem_shared>>
      tpu.wait_indirect_dma semaphore(%arg41 : memref<!tpu.dma_semaphore, #tpu.memory_space<semaphore_mem>>) src(%dma_wait3A_504 : memref<128xf32, #tpu.memory_space<vmem>>) dst(%dma_wait3A_506 : memref<26624xf32, #tpu.memory_space<vmem_shared>>)
      %dma_wait3A_507 = arith.constant 512 : i32
      %dma_wait3A_508 = tpu.memref_slice %arg20[%dma_wait3A_507] : memref<1280xf32, #tpu.memory_space<vmem>> -> memref<128xf32, #tpu.memory_space<vmem>>
      %dma_wait3A_509 = arith.constant 0 : i32
      %dma_wait3A_510 = tpu.memref_slice %arg37[%dma_wait3A_509] : memref<26624xf32, #tpu.memory_space<vmem_shared>> -> memref<26624xf32, #tpu.memory_space<vmem_shared>>
      tpu.wait_indirect_dma semaphore(%arg41 : memref<!tpu.dma_semaphore, #tpu.memory_space<semaphore_mem>>) src(%dma_wait3A_508 : memref<128xf32, #tpu.memory_space<vmem>>) dst(%dma_wait3A_510 : memref<26624xf32, #tpu.memory_space<vmem_shared>>)
      %dma_wait3A_511 = arith.constant 640 : i32
      %dma_wait3A_512 = tpu.memref_slice %arg20[%dma_wait3A_511] : memref<1280xf32, #tpu.memory_space<vmem>> -> memref<128xf32, #tpu.memory_space<vmem>>
      %dma_wait3A_513 = arith.constant 0 : i32
      %dma_wait3A_514 = tpu.memref_slice %arg37[%dma_wait3A_513] : memref<26624xf32, #tpu.memory_space<vmem_shared>> -> memref<26624xf32, #tpu.memory_space<vmem_shared>>
      tpu.wait_indirect_dma semaphore(%arg41 : memref<!tpu.dma_semaphore, #tpu.memory_space<semaphore_mem>>) src(%dma_wait3A_512 : memref<128xf32, #tpu.memory_space<vmem>>) dst(%dma_wait3A_514 : memref<26624xf32, #tpu.memory_space<vmem_shared>>)
      %dma_wait3A_515 = arith.constant 768 : i32
      %dma_wait3A_516 = tpu.memref_slice %arg20[%dma_wait3A_515] : memref<1280xf32, #tpu.memory_space<vmem>> -> memref<128xf32, #tpu.memory_space<vmem>>
      %dma_wait3A_517 = arith.constant 0 : i32
      %dma_wait3A_518 = tpu.memref_slice %arg37[%dma_wait3A_517] : memref<26624xf32, #tpu.memory_space<vmem_shared>> -> memref<26624xf32, #tpu.memory_space<vmem_shared>>
      tpu.wait_indirect_dma semaphore(%arg41 : memref<!tpu.dma_semaphore, #tpu.memory_space<semaphore_mem>>) src(%dma_wait3A_516 : memref<128xf32, #tpu.memory_space<vmem>>) dst(%dma_wait3A_518 : memref<26624xf32, #tpu.memory_space<vmem_shared>>)
      %dma_wait3A_519 = arith.constant 896 : i32
      %dma_wait3A_520 = tpu.memref_slice %arg20[%dma_wait3A_519] : memref<1280xf32, #tpu.memory_space<vmem>> -> memref<128xf32, #tpu.memory_space<vmem>>
      %dma_wait3A_521 = arith.constant 0 : i32
      %dma_wait3A_522 = tpu.memref_slice %arg37[%dma_wait3A_521] : memref<26624xf32, #tpu.memory_space<vmem_shared>> -> memref<26624xf32, #tpu.memory_space<vmem_shared>>
      tpu.wait_indirect_dma semaphore(%arg41 : memref<!tpu.dma_semaphore, #tpu.memory_space<semaphore_mem>>) src(%dma_wait3A_520 : memref<128xf32, #tpu.memory_space<vmem>>) dst(%dma_wait3A_522 : memref<26624xf32, #tpu.memory_space<vmem_shared>>)
      %dma_wait3A_523 = arith.constant 1024 : i32
      %dma_wait3A_524 = tpu.memref_slice %arg20[%dma_wait3A_523] : memref<1280xf32, #tpu.memory_space<vmem>> -> memref<128xf32, #tpu.memory_space<vmem>>
      %dma_wait3A_525 = arith.constant 0 : i32
      %dma_wait3A_526 = tpu.memref_slice %arg37[%dma_wait3A_525] : memref<26624xf32, #tpu.memory_space<vmem_shared>> -> memref<26624xf32, #tpu.memory_space<vmem_shared>>
      tpu.wait_indirect_dma semaphore(%arg41 : memref<!tpu.dma_semaphore, #tpu.memory_space<semaphore_mem>>) src(%dma_wait3A_524 : memref<128xf32, #tpu.memory_space<vmem>>) dst(%dma_wait3A_526 : memref<26624xf32, #tpu.memory_space<vmem_shared>>)
      %dma_wait3A_527 = arith.constant 1152 : i32
      %dma_wait3A_528 = tpu.memref_slice %arg20[%dma_wait3A_527] : memref<1280xf32, #tpu.memory_space<vmem>> -> memref<128xf32, #tpu.memory_space<vmem>>
      %dma_wait3A_529 = arith.constant 0 : i32
      %dma_wait3A_530 = tpu.memref_slice %arg37[%dma_wait3A_529] : memref<26624xf32, #tpu.memory_space<vmem_shared>> -> memref<26624xf32, #tpu.memory_space<vmem_shared>>
      tpu.wait_indirect_dma semaphore(%arg41 : memref<!tpu.dma_semaphore, #tpu.memory_space<semaphore_mem>>) src(%dma_wait3A_528 : memref<128xf32, #tpu.memory_space<vmem>>) dst(%dma_wait3A_530 : memref<26624xf32, #tpu.memory_space<vmem_shared>>)
      %dma_wait3A_531 = arith.constant 0 : i32
      %dma_wait3A_532 = tpu.memref_slice %arg21[%dma_wait3A_531] : memref<1280xf32, #tpu.memory_space<vmem>> -> memref<128xf32, #tpu.memory_space<vmem>>
      %dma_wait3A_533 = arith.constant 0 : i32
      %dma_wait3A_534 = tpu.memref_slice %arg38[%dma_wait3A_533] : memref<26624xf32, #tpu.memory_space<vmem_shared>> -> memref<26624xf32, #tpu.memory_space<vmem_shared>>
      tpu.wait_indirect_dma semaphore(%arg41 : memref<!tpu.dma_semaphore, #tpu.memory_space<semaphore_mem>>) src(%dma_wait3A_532 : memref<128xf32, #tpu.memory_space<vmem>>) dst(%dma_wait3A_534 : memref<26624xf32, #tpu.memory_space<vmem_shared>>)
      %dma_wait3A_535 = arith.constant 128 : i32
      %dma_wait3A_536 = tpu.memref_slice %arg21[%dma_wait3A_535] : memref<1280xf32, #tpu.memory_space<vmem>> -> memref<128xf32, #tpu.memory_space<vmem>>
      %dma_wait3A_537 = arith.constant 0 : i32
      %dma_wait3A_538 = tpu.memref_slice %arg38[%dma_wait3A_537] : memref<26624xf32, #tpu.memory_space<vmem_shared>> -> memref<26624xf32, #tpu.memory_space<vmem_shared>>
      tpu.wait_indirect_dma semaphore(%arg41 : memref<!tpu.dma_semaphore, #tpu.memory_space<semaphore_mem>>) src(%dma_wait3A_536 : memref<128xf32, #tpu.memory_space<vmem>>) dst(%dma_wait3A_538 : memref<26624xf32, #tpu.memory_space<vmem_shared>>)
      %dma_wait3A_539 = arith.constant 256 : i32
      %dma_wait3A_540 = tpu.memref_slice %arg21[%dma_wait3A_539] : memref<1280xf32, #tpu.memory_space<vmem>> -> memref<128xf32, #tpu.memory_space<vmem>>
      %dma_wait3A_541 = arith.constant 0 : i32
      %dma_wait3A_542 = tpu.memref_slice %arg38[%dma_wait3A_541] : memref<26624xf32, #tpu.memory_space<vmem_shared>> -> memref<26624xf32, #tpu.memory_space<vmem_shared>>
      tpu.wait_indirect_dma semaphore(%arg41 : memref<!tpu.dma_semaphore, #tpu.memory_space<semaphore_mem>>) src(%dma_wait3A_540 : memref<128xf32, #tpu.memory_space<vmem>>) dst(%dma_wait3A_542 : memref<26624xf32, #tpu.memory_space<vmem_shared>>)
      %dma_wait3A_543 = arith.constant 384 : i32
      %dma_wait3A_544 = tpu.memref_slice %arg21[%dma_wait3A_543] : memref<1280xf32, #tpu.memory_space<vmem>> -> memref<128xf32, #tpu.memory_space<vmem>>
      %dma_wait3A_545 = arith.constant 0 : i32
      %dma_wait3A_546 = tpu.memref_slice %arg38[%dma_wait3A_545] : memref<26624xf32, #tpu.memory_space<vmem_shared>> -> memref<26624xf32, #tpu.memory_space<vmem_shared>>
      tpu.wait_indirect_dma semaphore(%arg41 : memref<!tpu.dma_semaphore, #tpu.memory_space<semaphore_mem>>) src(%dma_wait3A_544 : memref<128xf32, #tpu.memory_space<vmem>>) dst(%dma_wait3A_546 : memref<26624xf32, #tpu.memory_space<vmem_shared>>)
      %dma_wait3A_547 = arith.constant 512 : i32
      %dma_wait3A_548 = tpu.memref_slice %arg21[%dma_wait3A_547] : memref<1280xf32, #tpu.memory_space<vmem>> -> memref<128xf32, #tpu.memory_space<vmem>>
      %dma_wait3A_549 = arith.constant 0 : i32
      %dma_wait3A_550 = tpu.memref_slice %arg38[%dma_wait3A_549] : memref<26624xf32, #tpu.memory_space<vmem_shared>> -> memref<26624xf32, #tpu.memory_space<vmem_shared>>
      tpu.wait_indirect_dma semaphore(%arg41 : memref<!tpu.dma_semaphore, #tpu.memory_space<semaphore_mem>>) src(%dma_wait3A_548 : memref<128xf32, #tpu.memory_space<vmem>>) dst(%dma_wait3A_550 : memref<26624xf32, #tpu.memory_space<vmem_shared>>)
      %dma_wait3A_551 = arith.constant 640 : i32
      %dma_wait3A_552 = tpu.memref_slice %arg21[%dma_wait3A_551] : memref<1280xf32, #tpu.memory_space<vmem>> -> memref<128xf32, #tpu.memory_space<vmem>>
      %dma_wait3A_553 = arith.constant 0 : i32
      %dma_wait3A_554 = tpu.memref_slice %arg38[%dma_wait3A_553] : memref<26624xf32, #tpu.memory_space<vmem_shared>> -> memref<26624xf32, #tpu.memory_space<vmem_shared>>
      tpu.wait_indirect_dma semaphore(%arg41 : memref<!tpu.dma_semaphore, #tpu.memory_space<semaphore_mem>>) src(%dma_wait3A_552 : memref<128xf32, #tpu.memory_space<vmem>>) dst(%dma_wait3A_554 : memref<26624xf32, #tpu.memory_space<vmem_shared>>)
      %dma_wait3A_555 = arith.constant 768 : i32
      %dma_wait3A_556 = tpu.memref_slice %arg21[%dma_wait3A_555] : memref<1280xf32, #tpu.memory_space<vmem>> -> memref<128xf32, #tpu.memory_space<vmem>>
      %dma_wait3A_557 = arith.constant 0 : i32
      %dma_wait3A_558 = tpu.memref_slice %arg38[%dma_wait3A_557] : memref<26624xf32, #tpu.memory_space<vmem_shared>> -> memref<26624xf32, #tpu.memory_space<vmem_shared>>
      tpu.wait_indirect_dma semaphore(%arg41 : memref<!tpu.dma_semaphore, #tpu.memory_space<semaphore_mem>>) src(%dma_wait3A_556 : memref<128xf32, #tpu.memory_space<vmem>>) dst(%dma_wait3A_558 : memref<26624xf32, #tpu.memory_space<vmem_shared>>)
      %dma_wait3A_559 = arith.constant 896 : i32
      %dma_wait3A_560 = tpu.memref_slice %arg21[%dma_wait3A_559] : memref<1280xf32, #tpu.memory_space<vmem>> -> memref<128xf32, #tpu.memory_space<vmem>>
      %dma_wait3A_561 = arith.constant 0 : i32
      %dma_wait3A_562 = tpu.memref_slice %arg38[%dma_wait3A_561] : memref<26624xf32, #tpu.memory_space<vmem_shared>> -> memref<26624xf32, #tpu.memory_space<vmem_shared>>
      tpu.wait_indirect_dma semaphore(%arg41 : memref<!tpu.dma_semaphore, #tpu.memory_space<semaphore_mem>>) src(%dma_wait3A_560 : memref<128xf32, #tpu.memory_space<vmem>>) dst(%dma_wait3A_562 : memref<26624xf32, #tpu.memory_space<vmem_shared>>)
      %dma_wait3A_563 = arith.constant 1024 : i32
      %dma_wait3A_564 = tpu.memref_slice %arg21[%dma_wait3A_563] : memref<1280xf32, #tpu.memory_space<vmem>> -> memref<128xf32, #tpu.memory_space<vmem>>
      %dma_wait3A_565 = arith.constant 0 : i32
      %dma_wait3A_566 = tpu.memref_slice %arg38[%dma_wait3A_565] : memref<26624xf32, #tpu.memory_space<vmem_shared>> -> memref<26624xf32, #tpu.memory_space<vmem_shared>>
      tpu.wait_indirect_dma semaphore(%arg41 : memref<!tpu.dma_semaphore, #tpu.memory_space<semaphore_mem>>) src(%dma_wait3A_564 : memref<128xf32, #tpu.memory_space<vmem>>) dst(%dma_wait3A_566 : memref<26624xf32, #tpu.memory_space<vmem_shared>>)
      %dma_wait3A_567 = arith.constant 1152 : i32
      %dma_wait3A_568 = tpu.memref_slice %arg21[%dma_wait3A_567] : memref<1280xf32, #tpu.memory_space<vmem>> -> memref<128xf32, #tpu.memory_space<vmem>>
      %dma_wait3A_569 = arith.constant 0 : i32
      %dma_wait3A_570 = tpu.memref_slice %arg38[%dma_wait3A_569] : memref<26624xf32, #tpu.memory_space<vmem_shared>> -> memref<26624xf32, #tpu.memory_space<vmem_shared>>
      tpu.wait_indirect_dma semaphore(%arg41 : memref<!tpu.dma_semaphore, #tpu.memory_space<semaphore_mem>>) src(%dma_wait3A_568 : memref<128xf32, #tpu.memory_space<vmem>>) dst(%dma_wait3A_570 : memref<26624xf32, #tpu.memory_space<vmem_shared>>)
      %dma_wait3A_571 = arith.constant 0 : i32
      %dma_wait3A_572 = tpu.memref_slice %arg22[%dma_wait3A_571] : memref<1280xf32, #tpu.memory_space<vmem>> -> memref<128xf32, #tpu.memory_space<vmem>>
      %dma_wait3A_573 = arith.constant 0 : i32
      %dma_wait3A_574 = tpu.memref_slice %arg39[%dma_wait3A_573] : memref<26624xf32, #tpu.memory_space<vmem_shared>> -> memref<26624xf32, #tpu.memory_space<vmem_shared>>
      tpu.wait_indirect_dma semaphore(%arg41 : memref<!tpu.dma_semaphore, #tpu.memory_space<semaphore_mem>>) src(%dma_wait3A_572 : memref<128xf32, #tpu.memory_space<vmem>>) dst(%dma_wait3A_574 : memref<26624xf32, #tpu.memory_space<vmem_shared>>)
      %dma_wait3A_575 = arith.constant 128 : i32
      %dma_wait3A_576 = tpu.memref_slice %arg22[%dma_wait3A_575] : memref<1280xf32, #tpu.memory_space<vmem>> -> memref<128xf32, #tpu.memory_space<vmem>>
      %dma_wait3A_577 = arith.constant 0 : i32
      %dma_wait3A_578 = tpu.memref_slice %arg39[%dma_wait3A_577] : memref<26624xf32, #tpu.memory_space<vmem_shared>> -> memref<26624xf32, #tpu.memory_space<vmem_shared>>
      tpu.wait_indirect_dma semaphore(%arg41 : memref<!tpu.dma_semaphore, #tpu.memory_space<semaphore_mem>>) src(%dma_wait3A_576 : memref<128xf32, #tpu.memory_space<vmem>>) dst(%dma_wait3A_578 : memref<26624xf32, #tpu.memory_space<vmem_shared>>)
      %dma_wait3A_579 = arith.constant 256 : i32
      %dma_wait3A_580 = tpu.memref_slice %arg22[%dma_wait3A_579] : memref<1280xf32, #tpu.memory_space<vmem>> -> memref<128xf32, #tpu.memory_space<vmem>>
      %dma_wait3A_581 = arith.constant 0 : i32
      %dma_wait3A_582 = tpu.memref_slice %arg39[%dma_wait3A_581] : memref<26624xf32, #tpu.memory_space<vmem_shared>> -> memref<26624xf32, #tpu.memory_space<vmem_shared>>
      tpu.wait_indirect_dma semaphore(%arg41 : memref<!tpu.dma_semaphore, #tpu.memory_space<semaphore_mem>>) src(%dma_wait3A_580 : memref<128xf32, #tpu.memory_space<vmem>>) dst(%dma_wait3A_582 : memref<26624xf32, #tpu.memory_space<vmem_shared>>)
      %dma_wait3A_583 = arith.constant 384 : i32
      %dma_wait3A_584 = tpu.memref_slice %arg22[%dma_wait3A_583] : memref<1280xf32, #tpu.memory_space<vmem>> -> memref<128xf32, #tpu.memory_space<vmem>>
      %dma_wait3A_585 = arith.constant 0 : i32
      %dma_wait3A_586 = tpu.memref_slice %arg39[%dma_wait3A_585] : memref<26624xf32, #tpu.memory_space<vmem_shared>> -> memref<26624xf32, #tpu.memory_space<vmem_shared>>
      tpu.wait_indirect_dma semaphore(%arg41 : memref<!tpu.dma_semaphore, #tpu.memory_space<semaphore_mem>>) src(%dma_wait3A_584 : memref<128xf32, #tpu.memory_space<vmem>>) dst(%dma_wait3A_586 : memref<26624xf32, #tpu.memory_space<vmem_shared>>)
      %dma_wait3A_587 = arith.constant 512 : i32
      %dma_wait3A_588 = tpu.memref_slice %arg22[%dma_wait3A_587] : memref<1280xf32, #tpu.memory_space<vmem>> -> memref<128xf32, #tpu.memory_space<vmem>>
      %dma_wait3A_589 = arith.constant 0 : i32
      %dma_wait3A_590 = tpu.memref_slice %arg39[%dma_wait3A_589] : memref<26624xf32, #tpu.memory_space<vmem_shared>> -> memref<26624xf32, #tpu.memory_space<vmem_shared>>
      tpu.wait_indirect_dma semaphore(%arg41 : memref<!tpu.dma_semaphore, #tpu.memory_space<semaphore_mem>>) src(%dma_wait3A_588 : memref<128xf32, #tpu.memory_space<vmem>>) dst(%dma_wait3A_590 : memref<26624xf32, #tpu.memory_space<vmem_shared>>)
      %dma_wait3A_591 = arith.constant 640 : i32
      %dma_wait3A_592 = tpu.memref_slice %arg22[%dma_wait3A_591] : memref<1280xf32, #tpu.memory_space<vmem>> -> memref<128xf32, #tpu.memory_space<vmem>>
      %dma_wait3A_593 = arith.constant 0 : i32
      %dma_wait3A_594 = tpu.memref_slice %arg39[%dma_wait3A_593] : memref<26624xf32, #tpu.memory_space<vmem_shared>> -> memref<26624xf32, #tpu.memory_space<vmem_shared>>
      tpu.wait_indirect_dma semaphore(%arg41 : memref<!tpu.dma_semaphore, #tpu.memory_space<semaphore_mem>>) src(%dma_wait3A_592 : memref<128xf32, #tpu.memory_space<vmem>>) dst(%dma_wait3A_594 : memref<26624xf32, #tpu.memory_space<vmem_shared>>)
      %dma_wait3A_595 = arith.constant 768 : i32
      %dma_wait3A_596 = tpu.memref_slice %arg22[%dma_wait3A_595] : memref<1280xf32, #tpu.memory_space<vmem>> -> memref<128xf32, #tpu.memory_space<vmem>>
      %dma_wait3A_597 = arith.constant 0 : i32
      %dma_wait3A_598 = tpu.memref_slice %arg39[%dma_wait3A_597] : memref<26624xf32, #tpu.memory_space<vmem_shared>> -> memref<26624xf32, #tpu.memory_space<vmem_shared>>
      tpu.wait_indirect_dma semaphore(%arg41 : memref<!tpu.dma_semaphore, #tpu.memory_space<semaphore_mem>>) src(%dma_wait3A_596 : memref<128xf32, #tpu.memory_space<vmem>>) dst(%dma_wait3A_598 : memref<26624xf32, #tpu.memory_space<vmem_shared>>)
      %dma_wait3A_599 = arith.constant 896 : i32
      %dma_wait3A_600 = tpu.memref_slice %arg22[%dma_wait3A_599] : memref<1280xf32, #tpu.memory_space<vmem>> -> memref<128xf32, #tpu.memory_space<vmem>>
      %dma_wait3A_601 = arith.constant 0 : i32
      %dma_wait3A_602 = tpu.memref_slice %arg39[%dma_wait3A_601] : memref<26624xf32, #tpu.memory_space<vmem_shared>> -> memref<26624xf32, #tpu.memory_space<vmem_shared>>
      tpu.wait_indirect_dma semaphore(%arg41 : memref<!tpu.dma_semaphore, #tpu.memory_space<semaphore_mem>>) src(%dma_wait3A_600 : memref<128xf32, #tpu.memory_space<vmem>>) dst(%dma_wait3A_602 : memref<26624xf32, #tpu.memory_space<vmem_shared>>)
      %dma_wait3A_603 = arith.constant 1024 : i32
      %dma_wait3A_604 = tpu.memref_slice %arg22[%dma_wait3A_603] : memref<1280xf32, #tpu.memory_space<vmem>> -> memref<128xf32, #tpu.memory_space<vmem>>
      %dma_wait3A_605 = arith.constant 0 : i32
      %dma_wait3A_606 = tpu.memref_slice %arg39[%dma_wait3A_605] : memref<26624xf32, #tpu.memory_space<vmem_shared>> -> memref<26624xf32, #tpu.memory_space<vmem_shared>>
      tpu.wait_indirect_dma semaphore(%arg41 : memref<!tpu.dma_semaphore, #tpu.memory_space<semaphore_mem>>) src(%dma_wait3A_604 : memref<128xf32, #tpu.memory_space<vmem>>) dst(%dma_wait3A_606 : memref<26624xf32, #tpu.memory_space<vmem_shared>>)
      %dma_wait3A_607 = arith.constant 1152 : i32
      %dma_wait3A_608 = tpu.memref_slice %arg22[%dma_wait3A_607] : memref<1280xf32, #tpu.memory_space<vmem>> -> memref<128xf32, #tpu.memory_space<vmem>>
      %dma_wait3A_609 = arith.constant 0 : i32
      %dma_wait3A_610 = tpu.memref_slice %arg39[%dma_wait3A_609] : memref<26624xf32, #tpu.memory_space<vmem_shared>> -> memref<26624xf32, #tpu.memory_space<vmem_shared>>
      tpu.wait_indirect_dma semaphore(%arg41 : memref<!tpu.dma_semaphore, #tpu.memory_space<semaphore_mem>>) src(%dma_wait3A_608 : memref<128xf32, #tpu.memory_space<vmem>>) dst(%dma_wait3A_610 : memref<26624xf32, #tpu.memory_space<vmem_shared>>)
      %dma_wait3A_611 = arith.constant 0 : i32
      %dma_wait3A_612 = tpu.memref_slice %arg23[%dma_wait3A_611] : memref<1280xf32, #tpu.memory_space<vmem>> -> memref<128xf32, #tpu.memory_space<vmem>>
      %dma_wait3A_613 = arith.constant 0 : i32
      %dma_wait3A_614 = tpu.memref_slice %arg40[%dma_wait3A_613] : memref<26624xf32, #tpu.memory_space<vmem_shared>> -> memref<26624xf32, #tpu.memory_space<vmem_shared>>
      tpu.wait_indirect_dma semaphore(%arg41 : memref<!tpu.dma_semaphore, #tpu.memory_space<semaphore_mem>>) src(%dma_wait3A_612 : memref<128xf32, #tpu.memory_space<vmem>>) dst(%dma_wait3A_614 : memref<26624xf32, #tpu.memory_space<vmem_shared>>)
      %dma_wait3A_615 = arith.constant 128 : i32
      %dma_wait3A_616 = tpu.memref_slice %arg23[%dma_wait3A_615] : memref<1280xf32, #tpu.memory_space<vmem>> -> memref<128xf32, #tpu.memory_space<vmem>>
      %dma_wait3A_617 = arith.constant 0 : i32
      %dma_wait3A_618 = tpu.memref_slice %arg40[%dma_wait3A_617] : memref<26624xf32, #tpu.memory_space<vmem_shared>> -> memref<26624xf32, #tpu.memory_space<vmem_shared>>
      tpu.wait_indirect_dma semaphore(%arg41 : memref<!tpu.dma_semaphore, #tpu.memory_space<semaphore_mem>>) src(%dma_wait3A_616 : memref<128xf32, #tpu.memory_space<vmem>>) dst(%dma_wait3A_618 : memref<26624xf32, #tpu.memory_space<vmem_shared>>)
      %dma_wait3A_619 = arith.constant 256 : i32
      %dma_wait3A_620 = tpu.memref_slice %arg23[%dma_wait3A_619] : memref<1280xf32, #tpu.memory_space<vmem>> -> memref<128xf32, #tpu.memory_space<vmem>>
      %dma_wait3A_621 = arith.constant 0 : i32
      %dma_wait3A_622 = tpu.memref_slice %arg40[%dma_wait3A_621] : memref<26624xf32, #tpu.memory_space<vmem_shared>> -> memref<26624xf32, #tpu.memory_space<vmem_shared>>
      tpu.wait_indirect_dma semaphore(%arg41 : memref<!tpu.dma_semaphore, #tpu.memory_space<semaphore_mem>>) src(%dma_wait3A_620 : memref<128xf32, #tpu.memory_space<vmem>>) dst(%dma_wait3A_622 : memref<26624xf32, #tpu.memory_space<vmem_shared>>)
      %dma_wait3A_623 = arith.constant 384 : i32
      %dma_wait3A_624 = tpu.memref_slice %arg23[%dma_wait3A_623] : memref<1280xf32, #tpu.memory_space<vmem>> -> memref<128xf32, #tpu.memory_space<vmem>>
      %dma_wait3A_625 = arith.constant 0 : i32
      %dma_wait3A_626 = tpu.memref_slice %arg40[%dma_wait3A_625] : memref<26624xf32, #tpu.memory_space<vmem_shared>> -> memref<26624xf32, #tpu.memory_space<vmem_shared>>
      tpu.wait_indirect_dma semaphore(%arg41 : memref<!tpu.dma_semaphore, #tpu.memory_space<semaphore_mem>>) src(%dma_wait3A_624 : memref<128xf32, #tpu.memory_space<vmem>>) dst(%dma_wait3A_626 : memref<26624xf32, #tpu.memory_space<vmem_shared>>)
      %dma_wait3A_627 = arith.constant 512 : i32
      %dma_wait3A_628 = tpu.memref_slice %arg23[%dma_wait3A_627] : memref<1280xf32, #tpu.memory_space<vmem>> -> memref<128xf32, #tpu.memory_space<vmem>>
      %dma_wait3A_629 = arith.constant 0 : i32
      %dma_wait3A_630 = tpu.memref_slice %arg40[%dma_wait3A_629] : memref<26624xf32, #tpu.memory_space<vmem_shared>> -> memref<26624xf32, #tpu.memory_space<vmem_shared>>
      tpu.wait_indirect_dma semaphore(%arg41 : memref<!tpu.dma_semaphore, #tpu.memory_space<semaphore_mem>>) src(%dma_wait3A_628 : memref<128xf32, #tpu.memory_space<vmem>>) dst(%dma_wait3A_630 : memref<26624xf32, #tpu.memory_space<vmem_shared>>)
      %dma_wait3A_631 = arith.constant 640 : i32
      %dma_wait3A_632 = tpu.memref_slice %arg23[%dma_wait3A_631] : memref<1280xf32, #tpu.memory_space<vmem>> -> memref<128xf32, #tpu.memory_space<vmem>>
      %dma_wait3A_633 = arith.constant 0 : i32
      %dma_wait3A_634 = tpu.memref_slice %arg40[%dma_wait3A_633] : memref<26624xf32, #tpu.memory_space<vmem_shared>> -> memref<26624xf32, #tpu.memory_space<vmem_shared>>
      tpu.wait_indirect_dma semaphore(%arg41 : memref<!tpu.dma_semaphore, #tpu.memory_space<semaphore_mem>>) src(%dma_wait3A_632 : memref<128xf32, #tpu.memory_space<vmem>>) dst(%dma_wait3A_634 : memref<26624xf32, #tpu.memory_space<vmem_shared>>)
      %dma_wait3A_635 = arith.constant 768 : i32
      %dma_wait3A_636 = tpu.memref_slice %arg23[%dma_wait3A_635] : memref<1280xf32, #tpu.memory_space<vmem>> -> memref<128xf32, #tpu.memory_space<vmem>>
      %dma_wait3A_637 = arith.constant 0 : i32
      %dma_wait3A_638 = tpu.memref_slice %arg40[%dma_wait3A_637] : memref<26624xf32, #tpu.memory_space<vmem_shared>> -> memref<26624xf32, #tpu.memory_space<vmem_shared>>
      tpu.wait_indirect_dma semaphore(%arg41 : memref<!tpu.dma_semaphore, #tpu.memory_space<semaphore_mem>>) src(%dma_wait3A_636 : memref<128xf32, #tpu.memory_space<vmem>>) dst(%dma_wait3A_638 : memref<26624xf32, #tpu.memory_space<vmem_shared>>)
      %dma_wait3A_639 = arith.constant 896 : i32
      %dma_wait3A_640 = tpu.memref_slice %arg23[%dma_wait3A_639] : memref<1280xf32, #tpu.memory_space<vmem>> -> memref<128xf32, #tpu.memory_space<vmem>>
      %dma_wait3A_641 = arith.constant 0 : i32
      %dma_wait3A_642 = tpu.memref_slice %arg40[%dma_wait3A_641] : memref<26624xf32, #tpu.memory_space<vmem_shared>> -> memref<26624xf32, #tpu.memory_space<vmem_shared>>
      tpu.wait_indirect_dma semaphore(%arg41 : memref<!tpu.dma_semaphore, #tpu.memory_space<semaphore_mem>>) src(%dma_wait3A_640 : memref<128xf32, #tpu.memory_space<vmem>>) dst(%dma_wait3A_642 : memref<26624xf32, #tpu.memory_space<vmem_shared>>)
      %dma_wait3A_643 = arith.constant 1024 : i32
      %dma_wait3A_644 = tpu.memref_slice %arg23[%dma_wait3A_643] : memref<1280xf32, #tpu.memory_space<vmem>> -> memref<128xf32, #tpu.memory_space<vmem>>
      %dma_wait3A_645 = arith.constant 0 : i32
      %dma_wait3A_646 = tpu.memref_slice %arg40[%dma_wait3A_645] : memref<26624xf32, #tpu.memory_space<vmem_shared>> -> memref<26624xf32, #tpu.memory_space<vmem_shared>>
      tpu.wait_indirect_dma semaphore(%arg41 : memref<!tpu.dma_semaphore, #tpu.memory_space<semaphore_mem>>) src(%dma_wait3A_644 : memref<128xf32, #tpu.memory_space<vmem>>) dst(%dma_wait3A_646 : memref<26624xf32, #tpu.memory_space<vmem_shared>>)
      %dma_wait3A_647 = arith.constant 1152 : i32
      %dma_wait3A_648 = tpu.memref_slice %arg23[%dma_wait3A_647] : memref<1280xf32, #tpu.memory_space<vmem>> -> memref<128xf32, #tpu.memory_space<vmem>>
      %dma_wait3A_649 = arith.constant 0 : i32
      %dma_wait3A_650 = tpu.memref_slice %arg40[%dma_wait3A_649] : memref<26624xf32, #tpu.memory_space<vmem_shared>> -> memref<26624xf32, #tpu.memory_space<vmem_shared>>
      tpu.wait_indirect_dma semaphore(%arg41 : memref<!tpu.dma_semaphore, #tpu.memory_space<semaphore_mem>>) src(%dma_wait3A_648 : memref<128xf32, #tpu.memory_space<vmem>>) dst(%dma_wait3A_650 : memref<26624xf32, #tpu.memory_space<vmem_shared>>)
    } else {
    }
    %barrier3A = arith.constant 0 : index
    tpu.barrier barrier_id(%barrier3A)
    %convert_element_type3A_3 = arith.extui %eq3A_0 : i1 to i32
    %cond3A_4 = arith.constant 0 : i32
    %cond3A_5 = arith.cmpi ne, %convert_element_type3A_3, %cond3A_4 : i32
    scf.if %cond3A_5 {
      %mul3A_6 = arith.constant 384 : i32
      %mul3A_7 = arith.muli %arg1, %mul3A_6 : i32
      %mul3A_8 = arith.constant 384 : i32
      %mul3A_9 = arith.muli %arg1, %mul3A_8 : i32
      %dma_start3A = tpu.memref_slice %arg10[%mul3A_9] : memref<6144xf32, #tpu.memory_space<hbm>> -> memref<384xf32, #tpu.memory_space<hbm>>
      %dma_start3A_10 = tpu.memref_slice %arg34[%mul3A_7] : memref<26624xf32, #tpu.memory_space<vmem_shared>> -> memref<384xf32, #tpu.memory_space<vmem_shared>>
      tpu.enqueue_dma source(%dma_start3A_10 : memref<384xf32, #tpu.memory_space<vmem_shared>>) target(%dma_start3A : memref<384xf32, #tpu.memory_space<hbm>>) target_semaphore(%arg41 : memref<!tpu.dma_semaphore, #tpu.memory_space<semaphore_mem>>)
      %mul3A_11 = arith.constant 384 : i32
      %mul3A_12 = arith.muli %arg1, %mul3A_11 : i32
      %mul3A_13 = arith.constant 384 : i32
      %mul3A_14 = arith.muli %arg1, %mul3A_13 : i32
      %dma_start3A_15 = tpu.memref_slice %arg11[%mul3A_14] : memref<6144xf32, #tpu.memory_space<hbm>> -> memref<384xf32, #tpu.memory_space<hbm>>
      %dma_start3A_16 = tpu.memref_slice %arg35[%mul3A_12] : memref<26624xf32, #tpu.memory_space<vmem_shared>> -> memref<384xf32, #tpu.memory_space<vmem_shared>>
      tpu.enqueue_dma source(%dma_start3A_16 : memref<384xf32, #tpu.memory_space<vmem_shared>>) target(%dma_start3A_15 : memref<384xf32, #tpu.memory_space<hbm>>) target_semaphore(%arg41 : memref<!tpu.dma_semaphore, #tpu.memory_space<semaphore_mem>>)
      %mul3A_17 = arith.constant 384 : i32
      %mul3A_18 = arith.muli %arg1, %mul3A_17 : i32
      %mul3A_19 = arith.constant 384 : i32
      %mul3A_20 = arith.muli %arg1, %mul3A_19 : i32
      %dma_start3A_21 = tpu.memref_slice %arg12[%mul3A_20] : memref<6144xf32, #tpu.memory_space<hbm>> -> memref<384xf32, #tpu.memory_space<hbm>>
      %dma_start3A_22 = tpu.memref_slice %arg36[%mul3A_18] : memref<26624xf32, #tpu.memory_space<vmem_shared>> -> memref<384xf32, #tpu.memory_space<vmem_shared>>
      tpu.enqueue_dma source(%dma_start3A_22 : memref<384xf32, #tpu.memory_space<vmem_shared>>) target(%dma_start3A_21 : memref<384xf32, #tpu.memory_space<hbm>>) target_semaphore(%arg41 : memref<!tpu.dma_semaphore, #tpu.memory_space<semaphore_mem>>)
      %mul3A_23 = arith.constant 384 : i32
      %mul3A_24 = arith.muli %arg1, %mul3A_23 : i32
      %mul3A_25 = arith.constant 384 : i32
      %mul3A_26 = arith.muli %arg1, %mul3A_25 : i32
      %dma_start3A_27 = tpu.memref_slice %arg13[%mul3A_26] : memref<6144xf32, #tpu.memory_space<hbm>> -> memref<384xf32, #tpu.memory_space<hbm>>
      %dma_start3A_28 = tpu.memref_slice %arg37[%mul3A_24] : memref<26624xf32, #tpu.memory_space<vmem_shared>> -> memref<384xf32, #tpu.memory_space<vmem_shared>>
      tpu.enqueue_dma source(%dma_start3A_28 : memref<384xf32, #tpu.memory_space<vmem_shared>>) target(%dma_start3A_27 : memref<384xf32, #tpu.memory_space<hbm>>) target_semaphore(%arg41 : memref<!tpu.dma_semaphore, #tpu.memory_space<semaphore_mem>>)
      %mul3A_29 = arith.constant 384 : i32
      %mul3A_30 = arith.muli %arg1, %mul3A_29 : i32
      %mul3A_31 = arith.constant 384 : i32
      %mul3A_32 = arith.muli %arg1, %mul3A_31 : i32
      %dma_start3A_33 = tpu.memref_slice %arg14[%mul3A_32] : memref<6144xf32, #tpu.memory_space<hbm>> -> memref<384xf32, #tpu.memory_space<hbm>>
      %dma_start3A_34 = tpu.memref_slice %arg38[%mul3A_30] : memref<26624xf32, #tpu.memory_space<vmem_shared>> -> memref<384xf32, #tpu.memory_space<vmem_shared>>
      tpu.enqueue_dma source(%dma_start3A_34 : memref<384xf32, #tpu.memory_space<vmem_shared>>) target(%dma_start3A_33 : memref<384xf32, #tpu.memory_space<hbm>>) target_semaphore(%arg41 : memref<!tpu.dma_semaphore, #tpu.memory_space<semaphore_mem>>)
      %mul3A_35 = arith.constant 384 : i32
      %mul3A_36 = arith.muli %arg1, %mul3A_35 : i32
      %mul3A_37 = arith.constant 384 : i32
      %mul3A_38 = arith.muli %arg1, %mul3A_37 : i32
      %dma_start3A_39 = tpu.memref_slice %arg15[%mul3A_38] : memref<6144xf32, #tpu.memory_space<hbm>> -> memref<384xf32, #tpu.memory_space<hbm>>
      %dma_start3A_40 = tpu.memref_slice %arg39[%mul3A_36] : memref<26624xf32, #tpu.memory_space<vmem_shared>> -> memref<384xf32, #tpu.memory_space<vmem_shared>>
      tpu.enqueue_dma source(%dma_start3A_40 : memref<384xf32, #tpu.memory_space<vmem_shared>>) target(%dma_start3A_39 : memref<384xf32, #tpu.memory_space<hbm>>) target_semaphore(%arg41 : memref<!tpu.dma_semaphore, #tpu.memory_space<semaphore_mem>>)
      %mul3A_41 = arith.constant 384 : i32
      %mul3A_42 = arith.muli %arg1, %mul3A_41 : i32
      %mul3A_43 = arith.constant 384 : i32
      %mul3A_44 = arith.muli %arg1, %mul3A_43 : i32
      %dma_start3A_45 = tpu.memref_slice %arg16[%mul3A_44] : memref<6144xf32, #tpu.memory_space<hbm>> -> memref<384xf32, #tpu.memory_space<hbm>>
      %dma_start3A_46 = tpu.memref_slice %arg40[%mul3A_42] : memref<26624xf32, #tpu.memory_space<vmem_shared>> -> memref<384xf32, #tpu.memory_space<vmem_shared>>
      tpu.enqueue_dma source(%dma_start3A_46 : memref<384xf32, #tpu.memory_space<vmem_shared>>) target(%dma_start3A_45 : memref<384xf32, #tpu.memory_space<hbm>>) target_semaphore(%arg41 : memref<!tpu.dma_semaphore, #tpu.memory_space<semaphore_mem>>)
      %dma_wait3A = tpu.memref_slice %arg10[%mul3A_9] : memref<6144xf32, #tpu.memory_space<hbm>> -> memref<384xf32, #tpu.memory_space<hbm>>
      %dma_wait3A_47 = tpu.memref_slice %arg34[%mul3A_7] : memref<26624xf32, #tpu.memory_space<vmem_shared>> -> memref<384xf32, #tpu.memory_space<vmem_shared>>
      tpu.wait_dma2 semaphore(%arg41 : memref<!tpu.dma_semaphore, #tpu.memory_space<semaphore_mem>>) src(%dma_wait3A_47 : memref<384xf32, #tpu.memory_space<vmem_shared>>) dst(%dma_wait3A : memref<384xf32, #tpu.memory_space<hbm>>)
      %dma_wait3A_48 = tpu.memref_slice %arg11[%mul3A_14] : memref<6144xf32, #tpu.memory_space<hbm>> -> memref<384xf32, #tpu.memory_space<hbm>>
      %dma_wait3A_49 = tpu.memref_slice %arg35[%mul3A_12] : memref<26624xf32, #tpu.memory_space<vmem_shared>> -> memref<384xf32, #tpu.memory_space<vmem_shared>>
      tpu.wait_dma2 semaphore(%arg41 : memref<!tpu.dma_semaphore, #tpu.memory_space<semaphore_mem>>) src(%dma_wait3A_49 : memref<384xf32, #tpu.memory_space<vmem_shared>>) dst(%dma_wait3A_48 : memref<384xf32, #tpu.memory_space<hbm>>)
      %dma_wait3A_50 = tpu.memref_slice %arg12[%mul3A_20] : memref<6144xf32, #tpu.memory_space<hbm>> -> memref<384xf32, #tpu.memory_space<hbm>>
      %dma_wait3A_51 = tpu.memref_slice %arg36[%mul3A_18] : memref<26624xf32, #tpu.memory_space<vmem_shared>> -> memref<384xf32, #tpu.memory_space<vmem_shared>>
      tpu.wait_dma2 semaphore(%arg41 : memref<!tpu.dma_semaphore, #tpu.memory_space<semaphore_mem>>) src(%dma_wait3A_51 : memref<384xf32, #tpu.memory_space<vmem_shared>>) dst(%dma_wait3A_50 : memref<384xf32, #tpu.memory_space<hbm>>)
      %dma_wait3A_52 = tpu.memref_slice %arg13[%mul3A_26] : memref<6144xf32, #tpu.memory_space<hbm>> -> memref<384xf32, #tpu.memory_space<hbm>>
      %dma_wait3A_53 = tpu.memref_slice %arg37[%mul3A_24] : memref<26624xf32, #tpu.memory_space<vmem_shared>> -> memref<384xf32, #tpu.memory_space<vmem_shared>>
      tpu.wait_dma2 semaphore(%arg41 : memref<!tpu.dma_semaphore, #tpu.memory_space<semaphore_mem>>) src(%dma_wait3A_53 : memref<384xf32, #tpu.memory_space<vmem_shared>>) dst(%dma_wait3A_52 : memref<384xf32, #tpu.memory_space<hbm>>)
      %dma_wait3A_54 = tpu.memref_slice %arg14[%mul3A_32] : memref<6144xf32, #tpu.memory_space<hbm>> -> memref<384xf32, #tpu.memory_space<hbm>>
      %dma_wait3A_55 = tpu.memref_slice %arg38[%mul3A_30] : memref<26624xf32, #tpu.memory_space<vmem_shared>> -> memref<384xf32, #tpu.memory_space<vmem_shared>>
      tpu.wait_dma2 semaphore(%arg41 : memref<!tpu.dma_semaphore, #tpu.memory_space<semaphore_mem>>) src(%dma_wait3A_55 : memref<384xf32, #tpu.memory_space<vmem_shared>>) dst(%dma_wait3A_54 : memref<384xf32, #tpu.memory_space<hbm>>)
      %dma_wait3A_56 = tpu.memref_slice %arg15[%mul3A_38] : memref<6144xf32, #tpu.memory_space<hbm>> -> memref<384xf32, #tpu.memory_space<hbm>>
      %dma_wait3A_57 = tpu.memref_slice %arg39[%mul3A_36] : memref<26624xf32, #tpu.memory_space<vmem_shared>> -> memref<384xf32, #tpu.memory_space<vmem_shared>>
      tpu.wait_dma2 semaphore(%arg41 : memref<!tpu.dma_semaphore, #tpu.memory_space<semaphore_mem>>) src(%dma_wait3A_57 : memref<384xf32, #tpu.memory_space<vmem_shared>>) dst(%dma_wait3A_56 : memref<384xf32, #tpu.memory_space<hbm>>)
      %dma_wait3A_58 = tpu.memref_slice %arg16[%mul3A_44] : memref<6144xf32, #tpu.memory_space<hbm>> -> memref<384xf32, #tpu.memory_space<hbm>>
      %dma_wait3A_59 = tpu.memref_slice %arg40[%mul3A_42] : memref<26624xf32, #tpu.memory_space<vmem_shared>> -> memref<384xf32, #tpu.memory_space<vmem_shared>>
      tpu.wait_dma2 semaphore(%arg41 : memref<!tpu.dma_semaphore, #tpu.memory_space<semaphore_mem>>) src(%dma_wait3A_59 : memref<384xf32, #tpu.memory_space<vmem_shared>>) dst(%dma_wait3A_58 : memref<384xf32, #tpu.memory_space<hbm>>)
    } else {
    }
    return
  }
}

module attributes {stable_mosaic.version = 14 : i64} {
  func.func @_thresh_body(%arg0: memref<160x128xf32, #tpu.memory_space<vmem>>, %arg1: memref<160x128xi32, #tpu.memory_space<vmem>>) attributes {dimension_semantics = [], scalar_prefetch = 0 : i64, scratch_operands = 0 : i64, tpu.core_type = #tpu.core_type<tc>} {
    %get3A = arith.constant 0 : index
    %get3A_0 = arith.constant 0 : index
    %get3A_1 = vector.load %arg0[%get3A, %get3A_0] : memref<160x128xf32, #tpu.memory_space<vmem>>, vector<160x128xf32>
    %bitcast_convert_type3A = tpu.bitcast %get3A_1 : vector<160x128xf32> -> vector<160x128xi32>
    %iota3A = tpu.iota {dimensions = array<i32: 0>} : vector<160x128xi32>
    %iota3A_2 = tpu.iota {dimensions = array<i32: 1>} : vector<160x128xi32>
    %mul3A = arith.constant 128 : i32
    %mul3A_3 = vector.broadcast %mul3A : i32 to vector<160x128xi32>
    %mul3A_4 = arith.muli %iota3A, %mul3A_3 : vector<160x128xi32>
    %add3A = arith.addi %mul3A_4, %iota3A_2 : vector<160x128xi32>
    %scan3A = arith.constant 0 : i32
    %scan3A_5 = arith.constant 1065353216 : i32
    %scan3A_6 = arith.constant 0 : i32
    %scan3A_7 = arith.constant 31 : i32
    %scan3A_8 = arith.addi %scan3A_6, %scan3A_7 : i32
    %scan3A_9 = arith.constant 1 : i32
    %scan3A_10:2 = scf.for %scan3A_180 = %scan3A_6 to %scan3A_8 step %scan3A_9 iter_args(%scan3A_181 = %scan3A, %scan3A_182 = %scan3A_5) -> (i32, i32)  : i32 {
      %sub3A_183 = arith.subi %scan3A_182, %scan3A_181 : i32
      %jit3A_184 = arith.constant 2 : i32
      %div3A = arith.divsi %sub3A_183, %jit3A_184 : i32
      %sign3A = arith.constant 0 : i32
      %sign3A_185 = arith.cmpi sgt, %sub3A_183, %sign3A : i32
      %sign3A_186 = arith.extui %sign3A_185 : i1 to i32
      %sign3A_187 = arith.constant 0 : i32
      %sign3A_188 = arith.cmpi slt, %sub3A_183, %sign3A_187 : i32
      %sign3A_189 = arith.extui %sign3A_188 : i1 to i32
      %sign3A_190 = arith.subi %sign3A_186, %sign3A_189 : i32
      %sign3A_191 = arith.constant 0 : i32
      %sign3A_192 = arith.cmpi sgt, %jit3A_184, %sign3A_191 : i32
      %sign3A_193 = arith.extui %sign3A_192 : i1 to i32
      %sign3A_194 = arith.constant 0 : i32
      %sign3A_195 = arith.cmpi slt, %jit3A_184, %sign3A_194 : i32
      %sign3A_196 = arith.extui %sign3A_195 : i1 to i32
      %sign3A_197 = arith.subi %sign3A_193, %sign3A_196 : i32
      %ne3A = arith.cmpi ne, %sign3A_190, %sign3A_197 : i32
      %rem3A = arith.remsi %sub3A_183, %jit3A_184 : i32
      %ne3A_198 = arith.constant 0 : i32
      %ne3A_199 = arith.cmpi ne, %rem3A, %ne3A_198 : i32
      %and3A_200 = arith.andi %ne3A, %ne3A_199 : i1
      %sub3A_201 = arith.constant 1 : i32
      %sub3A_202 = arith.subi %div3A, %sub3A_201 : i32
      %select_n3A_203 = arith.select %and3A_200, %sub3A_202, %div3A : i32
      %add3A_204 = arith.addi %scan3A_181, %select_n3A_203 : i32
      %gt3A_205 = vector.broadcast %add3A_204 : i32 to vector<160x128xi32>
      %gt3A_206 = arith.cmpi sgt, %bitcast_convert_type3A, %gt3A_205 : vector<160x128xi32>
      %convert_element_type3A_207 = arith.extui %gt3A_206 : vector<160x128xi1> to vector<160x128xi32>
      %reduce_sum3A_208 = vector.shape_cast %convert_element_type3A_207 : vector<160x128xi32> to vector<1x160x128xi32>
      %reduce_sum3A_209 = arith.constant dense<0> : vector<1xi32>
      %reduce_sum3A_210 = vector.multi_reduction <add>, %reduce_sum3A_208, %reduce_sum3A_209 [1, 2] : vector<1x160x128xi32> to vector<1xi32>
      %reduce_sum3A_211 = vector.shape_cast %reduce_sum3A_210 : vector<1xi32> to vector<1x1x1xi32>
      %reduce_sum3A_212 = vector.extract %reduce_sum3A_211[0, 0, 0] : i32 from vector<1x1x1xi32>
      %lt3A_213 = arith.constant 6000 : i32
      %lt3A_214 = arith.cmpi slt, %reduce_sum3A_212, %lt3A_213 : i32
      %add3A_215 = arith.constant 1 : i32
      %add3A_216 = arith.addi %add3A_204, %add3A_215 : i32
      %select_n3A_217 = arith.select %lt3A_214, %scan3A_181, %add3A_216 : i32
      %select_n3A_218 = arith.select %lt3A_214, %add3A_204, %scan3A_182 : i32
      scf.yield %select_n3A_217, %select_n3A_218 : i32, i32
    }
    %gt3A = vector.broadcast %scan3A_10#0 : i32 to vector<160x128xi32>
    %gt3A_11 = arith.cmpi sgt, %bitcast_convert_type3A, %gt3A : vector<160x128xi32>
    %eq3A = vector.broadcast %scan3A_10#0 : i32 to vector<160x128xi32>
    %eq3A_12 = arith.cmpi eq, %bitcast_convert_type3A, %eq3A : vector<160x128xi32>
    %convert_element_type3A = arith.extui %gt3A_11 : vector<160x128xi1> to vector<160x128xi32>
    %reduce_sum3A = vector.shape_cast %convert_element_type3A : vector<160x128xi32> to vector<1x160x128xi32>
    %reduce_sum3A_13 = arith.constant dense<0> : vector<1xi32>
    %reduce_sum3A_14 = vector.multi_reduction <add>, %reduce_sum3A, %reduce_sum3A_13 [1, 2] : vector<1x160x128xi32> to vector<1xi32>
    %reduce_sum3A_15 = vector.shape_cast %reduce_sum3A_14 : vector<1xi32> to vector<1x1x1xi32>
    %reduce_sum3A_16 = vector.extract %reduce_sum3A_15[0, 0, 0] : i32 from vector<1x1x1xi32>
    %sub3A = arith.constant 6000 : i32
    %sub3A_17 = arith.subi %sub3A, %reduce_sum3A_16 : i32
    %scan3A_18 = arith.constant 0 : i32
    %scan3A_19 = arith.constant 20480 : i32
    %scan3A_20 = arith.constant 0 : i32
    %scan3A_21 = arith.constant 16 : i32
    %scan3A_22 = arith.addi %scan3A_20, %scan3A_21 : i32
    %scan3A_23 = arith.constant 1 : i32
    %scan3A_24:2 = scf.for %scan3A_180 = %scan3A_20 to %scan3A_22 step %scan3A_23 iter_args(%scan3A_181 = %scan3A_18, %scan3A_182 = %scan3A_19) -> (i32, i32)  : i32 {
      %sub3A_183 = arith.subi %scan3A_182, %scan3A_181 : i32
      %jit3A_184 = arith.constant 2 : i32
      %div3A = arith.divsi %sub3A_183, %jit3A_184 : i32
      %sign3A = arith.constant 0 : i32
      %sign3A_185 = arith.cmpi sgt, %sub3A_183, %sign3A : i32
      %sign3A_186 = arith.extui %sign3A_185 : i1 to i32
      %sign3A_187 = arith.constant 0 : i32
      %sign3A_188 = arith.cmpi slt, %sub3A_183, %sign3A_187 : i32
      %sign3A_189 = arith.extui %sign3A_188 : i1 to i32
      %sign3A_190 = arith.subi %sign3A_186, %sign3A_189 : i32
      %sign3A_191 = arith.constant 0 : i32
      %sign3A_192 = arith.cmpi sgt, %jit3A_184, %sign3A_191 : i32
      %sign3A_193 = arith.extui %sign3A_192 : i1 to i32
      %sign3A_194 = arith.constant 0 : i32
      %sign3A_195 = arith.cmpi slt, %jit3A_184, %sign3A_194 : i32
      %sign3A_196 = arith.extui %sign3A_195 : i1 to i32
      %sign3A_197 = arith.subi %sign3A_193, %sign3A_196 : i32
      %ne3A = arith.cmpi ne, %sign3A_190, %sign3A_197 : i32
      %rem3A = arith.remsi %sub3A_183, %jit3A_184 : i32
      %ne3A_198 = arith.constant 0 : i32
      %ne3A_199 = arith.cmpi ne, %rem3A, %ne3A_198 : i32
      %and3A_200 = arith.andi %ne3A, %ne3A_199 : i1
      %sub3A_201 = arith.constant 1 : i32
      %sub3A_202 = arith.subi %div3A, %sub3A_201 : i32
      %select_n3A_203 = arith.select %and3A_200, %sub3A_202, %div3A : i32
      %add3A_204 = arith.addi %scan3A_181, %select_n3A_203 : i32
      %lt3A_205 = vector.broadcast %add3A_204 : i32 to vector<160x128xi32>
      %lt3A_206 = arith.cmpi slt, %add3A, %lt3A_205 : vector<160x128xi32>
      %and3A_207 = arith.andi %eq3A_12, %lt3A_206 : vector<160x128xi1>
      %convert_element_type3A_208 = arith.extui %and3A_207 : vector<160x128xi1> to vector<160x128xi32>
      %reduce_sum3A_209 = vector.shape_cast %convert_element_type3A_208 : vector<160x128xi32> to vector<1x160x128xi32>
      %reduce_sum3A_210 = arith.constant dense<0> : vector<1xi32>
      %reduce_sum3A_211 = vector.multi_reduction <add>, %reduce_sum3A_209, %reduce_sum3A_210 [1, 2] : vector<1x160x128xi32> to vector<1xi32>
      %reduce_sum3A_212 = vector.shape_cast %reduce_sum3A_211 : vector<1xi32> to vector<1x1x1xi32>
      %reduce_sum3A_213 = vector.extract %reduce_sum3A_212[0, 0, 0] : i32 from vector<1x1x1xi32>
      %ge3A_214 = arith.cmpi sge, %reduce_sum3A_213, %sub3A_17 : i32
      %add3A_215 = arith.constant 1 : i32
      %add3A_216 = arith.addi %add3A_204, %add3A_215 : i32
      %select_n3A_217 = arith.select %ge3A_214, %scan3A_181, %add3A_216 : i32
      %select_n3A_218 = arith.select %ge3A_214, %add3A_204, %scan3A_182 : i32
      scf.yield %select_n3A_217, %select_n3A_218 : i32, i32
    }
    %lt3A = vector.broadcast %scan3A_24#0 : i32 to vector<160x128xi32>
    %lt3A_25 = arith.cmpi slt, %add3A, %lt3A : vector<160x128xi32>
    %and3A = arith.andi %eq3A_12, %lt3A_25 : vector<160x128xi1>
    %or3A = arith.ori %gt3A_11, %and3A : vector<160x128xi1>
    %jit3A = arith.constant 1 : i32
    %jit3A_26 = arith.constant 0 : i32
    %broadcast_in_dim3A = vector.broadcast %jit3A : i32 to vector<160x128xi32>
    %broadcast_in_dim3A_27 = vector.broadcast %jit3A_26 : i32 to vector<160x128xi32>
    %select_n3A = arith.select %or3A, %broadcast_in_dim3A, %broadcast_in_dim3A_27 : vector<160x128xi1>, vector<160x128xi32>
    %ge3A = arith.constant 1 : i32
    %ge3A_28 = vector.broadcast %ge3A : i32 to vector<160x128xi32>
    %ge3A_29 = arith.cmpi sge, %iota3A_2, %ge3A_28 : vector<160x128xi32>
    %roll3A = arith.constant 1 : i32
    %roll3A_30 = tpu.dynamic_rotate %select_n3A by %roll3A dim 1 : vector<160x128xi32>, i32 -> vector<160x128xi32>
    %jit3A_31 = arith.constant 0 : i32
    %broadcast_in_dim3A_32 = vector.broadcast %jit3A_31 : i32 to vector<160x128xi32>
    %select_n3A_33 = arith.select %ge3A_29, %roll3A_30, %broadcast_in_dim3A_32 : vector<160x128xi1>, vector<160x128xi32>
    %add3A_34 = arith.addi %select_n3A, %select_n3A_33 : vector<160x128xi32>
    %ge3A_35 = arith.constant 2 : i32
    %ge3A_36 = vector.broadcast %ge3A_35 : i32 to vector<160x128xi32>
    %ge3A_37 = arith.cmpi sge, %iota3A_2, %ge3A_36 : vector<160x128xi32>
    %roll3A_38 = arith.constant 2 : i32
    %roll3A_39 = tpu.dynamic_rotate %add3A_34 by %roll3A_38 dim 1 : vector<160x128xi32>, i32 -> vector<160x128xi32>
    %jit3A_40 = arith.constant 0 : i32
    %broadcast_in_dim3A_41 = vector.broadcast %jit3A_40 : i32 to vector<160x128xi32>
    %select_n3A_42 = arith.select %ge3A_37, %roll3A_39, %broadcast_in_dim3A_41 : vector<160x128xi1>, vector<160x128xi32>
    %add3A_43 = arith.addi %add3A_34, %select_n3A_42 : vector<160x128xi32>
    %ge3A_44 = arith.constant 4 : i32
    %ge3A_45 = vector.broadcast %ge3A_44 : i32 to vector<160x128xi32>
    %ge3A_46 = arith.cmpi sge, %iota3A_2, %ge3A_45 : vector<160x128xi32>
    %roll3A_47 = arith.constant 4 : i32
    %roll3A_48 = tpu.dynamic_rotate %add3A_43 by %roll3A_47 dim 1 : vector<160x128xi32>, i32 -> vector<160x128xi32>
    %jit3A_49 = arith.constant 0 : i32
    %broadcast_in_dim3A_50 = vector.broadcast %jit3A_49 : i32 to vector<160x128xi32>
    %select_n3A_51 = arith.select %ge3A_46, %roll3A_48, %broadcast_in_dim3A_50 : vector<160x128xi1>, vector<160x128xi32>
    %add3A_52 = arith.addi %add3A_43, %select_n3A_51 : vector<160x128xi32>
    %ge3A_53 = arith.constant 8 : i32
    %ge3A_54 = vector.broadcast %ge3A_53 : i32 to vector<160x128xi32>
    %ge3A_55 = arith.cmpi sge, %iota3A_2, %ge3A_54 : vector<160x128xi32>
    %roll3A_56 = arith.constant 8 : i32
    %roll3A_57 = tpu.dynamic_rotate %add3A_52 by %roll3A_56 dim 1 : vector<160x128xi32>, i32 -> vector<160x128xi32>
    %jit3A_58 = arith.constant 0 : i32
    %broadcast_in_dim3A_59 = vector.broadcast %jit3A_58 : i32 to vector<160x128xi32>
    %select_n3A_60 = arith.select %ge3A_55, %roll3A_57, %broadcast_in_dim3A_59 : vector<160x128xi1>, vector<160x128xi32>
    %add3A_61 = arith.addi %add3A_52, %select_n3A_60 : vector<160x128xi32>
    %ge3A_62 = arith.constant 16 : i32
    %ge3A_63 = vector.broadcast %ge3A_62 : i32 to vector<160x128xi32>
    %ge3A_64 = arith.cmpi sge, %iota3A_2, %ge3A_63 : vector<160x128xi32>
    %roll3A_65 = arith.constant 16 : i32
    %roll3A_66 = tpu.dynamic_rotate %add3A_61 by %roll3A_65 dim 1 : vector<160x128xi32>, i32 -> vector<160x128xi32>
    %jit3A_67 = arith.constant 0 : i32
    %broadcast_in_dim3A_68 = vector.broadcast %jit3A_67 : i32 to vector<160x128xi32>
    %select_n3A_69 = arith.select %ge3A_64, %roll3A_66, %broadcast_in_dim3A_68 : vector<160x128xi1>, vector<160x128xi32>
    %add3A_70 = arith.addi %add3A_61, %select_n3A_69 : vector<160x128xi32>
    %ge3A_71 = arith.constant 32 : i32
    %ge3A_72 = vector.broadcast %ge3A_71 : i32 to vector<160x128xi32>
    %ge3A_73 = arith.cmpi sge, %iota3A_2, %ge3A_72 : vector<160x128xi32>
    %roll3A_74 = arith.constant 32 : i32
    %roll3A_75 = tpu.dynamic_rotate %add3A_70 by %roll3A_74 dim 1 : vector<160x128xi32>, i32 -> vector<160x128xi32>
    %jit3A_76 = arith.constant 0 : i32
    %broadcast_in_dim3A_77 = vector.broadcast %jit3A_76 : i32 to vector<160x128xi32>
    %select_n3A_78 = arith.select %ge3A_73, %roll3A_75, %broadcast_in_dim3A_77 : vector<160x128xi1>, vector<160x128xi32>
    %add3A_79 = arith.addi %add3A_70, %select_n3A_78 : vector<160x128xi32>
    %ge3A_80 = arith.constant 64 : i32
    %ge3A_81 = vector.broadcast %ge3A_80 : i32 to vector<160x128xi32>
    %ge3A_82 = arith.cmpi sge, %iota3A_2, %ge3A_81 : vector<160x128xi32>
    %roll3A_83 = arith.constant 64 : i32
    %roll3A_84 = tpu.dynamic_rotate %add3A_79 by %roll3A_83 dim 1 : vector<160x128xi32>, i32 -> vector<160x128xi32>
    %jit3A_85 = arith.constant 0 : i32
    %broadcast_in_dim3A_86 = vector.broadcast %jit3A_85 : i32 to vector<160x128xi32>
    %select_n3A_87 = arith.select %ge3A_82, %roll3A_84, %broadcast_in_dim3A_86 : vector<160x128xi1>, vector<160x128xi32>
    %add3A_88 = arith.addi %add3A_79, %select_n3A_87 : vector<160x128xi32>
    %reduce_max3A = arith.constant dense<-2147483648> : vector<160xi32>
    %reduce_max3A_89 = vector.multi_reduction <maxsi>, %add3A_88, %reduce_max3A [1] : vector<160x128xi32> to vector<160xi32>
    %broadcast_in_dim3A_90 = vector.shape_cast %reduce_max3A_89 : vector<160xi32> to vector<160x1xi32>
    %slice3A = vector.extract_strided_slice %iota3A {offsets = [0, 0], sizes = [160, 1], strides = [1, 1]} : vector<160x128xi32> to vector<160x1xi32>
    %ge3A_91 = arith.constant 1 : i32
    %ge3A_92 = vector.broadcast %ge3A_91 : i32 to vector<160x1xi32>
    %ge3A_93 = arith.cmpi sge, %slice3A, %ge3A_92 : vector<160x1xi32>
    %roll3A_94 = arith.constant 1 : i32
    %roll3A_95 = tpu.dynamic_rotate %broadcast_in_dim3A_90 by %roll3A_94 dim 0 : vector<160x1xi32>, i32 -> vector<160x1xi32>
    %jit3A_96 = arith.constant 0 : i32
    %broadcast_in_dim3A_97 = vector.broadcast %jit3A_96 : i32 to vector<160x1xi32>
    %select_n3A_98 = arith.select %ge3A_93, %roll3A_95, %broadcast_in_dim3A_97 : vector<160x1xi1>, vector<160x1xi32>
    %add3A_99 = arith.addi %broadcast_in_dim3A_90, %select_n3A_98 : vector<160x1xi32>
    %slice3A_100 = vector.extract_strided_slice %iota3A {offsets = [0, 0], sizes = [160, 1], strides = [1, 1]} : vector<160x128xi32> to vector<160x1xi32>
    %ge3A_101 = arith.constant 2 : i32
    %ge3A_102 = vector.broadcast %ge3A_101 : i32 to vector<160x1xi32>
    %ge3A_103 = arith.cmpi sge, %slice3A_100, %ge3A_102 : vector<160x1xi32>
    %roll3A_104 = arith.constant 2 : i32
    %roll3A_105 = tpu.dynamic_rotate %add3A_99 by %roll3A_104 dim 0 : vector<160x1xi32>, i32 -> vector<160x1xi32>
    %jit3A_106 = arith.constant 0 : i32
    %broadcast_in_dim3A_107 = vector.broadcast %jit3A_106 : i32 to vector<160x1xi32>
    %select_n3A_108 = arith.select %ge3A_103, %roll3A_105, %broadcast_in_dim3A_107 : vector<160x1xi1>, vector<160x1xi32>
    %add3A_109 = arith.addi %add3A_99, %select_n3A_108 : vector<160x1xi32>
    %slice3A_110 = vector.extract_strided_slice %iota3A {offsets = [0, 0], sizes = [160, 1], strides = [1, 1]} : vector<160x128xi32> to vector<160x1xi32>
    %ge3A_111 = arith.constant 4 : i32
    %ge3A_112 = vector.broadcast %ge3A_111 : i32 to vector<160x1xi32>
    %ge3A_113 = arith.cmpi sge, %slice3A_110, %ge3A_112 : vector<160x1xi32>
    %roll3A_114 = arith.constant 4 : i32
    %roll3A_115 = tpu.dynamic_rotate %add3A_109 by %roll3A_114 dim 0 : vector<160x1xi32>, i32 -> vector<160x1xi32>
    %jit3A_116 = arith.constant 0 : i32
    %broadcast_in_dim3A_117 = vector.broadcast %jit3A_116 : i32 to vector<160x1xi32>
    %select_n3A_118 = arith.select %ge3A_113, %roll3A_115, %broadcast_in_dim3A_117 : vector<160x1xi1>, vector<160x1xi32>
    %add3A_119 = arith.addi %add3A_109, %select_n3A_118 : vector<160x1xi32>
    %slice3A_120 = vector.extract_strided_slice %iota3A {offsets = [0, 0], sizes = [160, 1], strides = [1, 1]} : vector<160x128xi32> to vector<160x1xi32>
    %ge3A_121 = arith.constant 8 : i32
    %ge3A_122 = vector.broadcast %ge3A_121 : i32 to vector<160x1xi32>
    %ge3A_123 = arith.cmpi sge, %slice3A_120, %ge3A_122 : vector<160x1xi32>
    %roll3A_124 = arith.constant 8 : i32
    %roll3A_125 = tpu.dynamic_rotate %add3A_119 by %roll3A_124 dim 0 : vector<160x1xi32>, i32 -> vector<160x1xi32>
    %jit3A_126 = arith.constant 0 : i32
    %broadcast_in_dim3A_127 = vector.broadcast %jit3A_126 : i32 to vector<160x1xi32>
    %select_n3A_128 = arith.select %ge3A_123, %roll3A_125, %broadcast_in_dim3A_127 : vector<160x1xi1>, vector<160x1xi32>
    %add3A_129 = arith.addi %add3A_119, %select_n3A_128 : vector<160x1xi32>
    %slice3A_130 = vector.extract_strided_slice %iota3A {offsets = [0, 0], sizes = [160, 1], strides = [1, 1]} : vector<160x128xi32> to vector<160x1xi32>
    %ge3A_131 = arith.constant 16 : i32
    %ge3A_132 = vector.broadcast %ge3A_131 : i32 to vector<160x1xi32>
    %ge3A_133 = arith.cmpi sge, %slice3A_130, %ge3A_132 : vector<160x1xi32>
    %roll3A_134 = arith.constant 16 : i32
    %roll3A_135 = tpu.dynamic_rotate %add3A_129 by %roll3A_134 dim 0 : vector<160x1xi32>, i32 -> vector<160x1xi32>
    %jit3A_136 = arith.constant 0 : i32
    %broadcast_in_dim3A_137 = vector.broadcast %jit3A_136 : i32 to vector<160x1xi32>
    %select_n3A_138 = arith.select %ge3A_133, %roll3A_135, %broadcast_in_dim3A_137 : vector<160x1xi1>, vector<160x1xi32>
    %add3A_139 = arith.addi %add3A_129, %select_n3A_138 : vector<160x1xi32>
    %slice3A_140 = vector.extract_strided_slice %iota3A {offsets = [0, 0], sizes = [160, 1], strides = [1, 1]} : vector<160x128xi32> to vector<160x1xi32>
    %ge3A_141 = arith.constant 32 : i32
    %ge3A_142 = vector.broadcast %ge3A_141 : i32 to vector<160x1xi32>
    %ge3A_143 = arith.cmpi sge, %slice3A_140, %ge3A_142 : vector<160x1xi32>
    %roll3A_144 = arith.constant 32 : i32
    %roll3A_145 = tpu.dynamic_rotate %add3A_139 by %roll3A_144 dim 0 : vector<160x1xi32>, i32 -> vector<160x1xi32>
    %jit3A_146 = arith.constant 0 : i32
    %broadcast_in_dim3A_147 = vector.broadcast %jit3A_146 : i32 to vector<160x1xi32>
    %select_n3A_148 = arith.select %ge3A_143, %roll3A_145, %broadcast_in_dim3A_147 : vector<160x1xi1>, vector<160x1xi32>
    %add3A_149 = arith.addi %add3A_139, %select_n3A_148 : vector<160x1xi32>
    %slice3A_150 = vector.extract_strided_slice %iota3A {offsets = [0, 0], sizes = [160, 1], strides = [1, 1]} : vector<160x128xi32> to vector<160x1xi32>
    %ge3A_151 = arith.constant 64 : i32
    %ge3A_152 = vector.broadcast %ge3A_151 : i32 to vector<160x1xi32>
    %ge3A_153 = arith.cmpi sge, %slice3A_150, %ge3A_152 : vector<160x1xi32>
    %roll3A_154 = arith.constant 64 : i32
    %roll3A_155 = tpu.dynamic_rotate %add3A_149 by %roll3A_154 dim 0 : vector<160x1xi32>, i32 -> vector<160x1xi32>
    %jit3A_156 = arith.constant 0 : i32
    %broadcast_in_dim3A_157 = vector.broadcast %jit3A_156 : i32 to vector<160x1xi32>
    %select_n3A_158 = arith.select %ge3A_153, %roll3A_155, %broadcast_in_dim3A_157 : vector<160x1xi1>, vector<160x1xi32>
    %add3A_159 = arith.addi %add3A_149, %select_n3A_158 : vector<160x1xi32>
    %slice3A_160 = vector.extract_strided_slice %iota3A {offsets = [0, 0], sizes = [160, 1], strides = [1, 1]} : vector<160x128xi32> to vector<160x1xi32>
    %ge3A_161 = arith.constant 128 : i32
    %ge3A_162 = vector.broadcast %ge3A_161 : i32 to vector<160x1xi32>
    %ge3A_163 = arith.cmpi sge, %slice3A_160, %ge3A_162 : vector<160x1xi32>
    %roll3A_164 = arith.constant 128 : i32
    %roll3A_165 = tpu.dynamic_rotate %add3A_159 by %roll3A_164 dim 0 : vector<160x1xi32>, i32 -> vector<160x1xi32>
    %jit3A_166 = arith.constant 0 : i32
    %broadcast_in_dim3A_167 = vector.broadcast %jit3A_166 : i32 to vector<160x1xi32>
    %select_n3A_168 = arith.select %ge3A_163, %roll3A_165, %broadcast_in_dim3A_167 : vector<160x1xi1>, vector<160x1xi32>
    %add3A_169 = arith.addi %add3A_159, %select_n3A_168 : vector<160x1xi32>
    %sub3A_170 = arith.subi %add3A_169, %broadcast_in_dim3A_90 : vector<160x1xi32>
    %sub3A_171 = arith.subi %add3A_88, %select_n3A : vector<160x128xi32>
    %add3A_172 = vector.broadcast %sub3A_170 : vector<160x1xi32> to vector<160x128xi32>
    %add3A_173 = arith.addi %add3A_172, %sub3A_171 : vector<160x128xi32>
    %add3A_174 = arith.constant 6144 : i32
    %add3A_175 = vector.broadcast %add3A_174 : i32 to vector<160x128xi32>
    %add3A_176 = arith.addi %add3A_175, %add3A : vector<160x128xi32>
    %select_n3A_177 = arith.select %or3A, %add3A_173, %add3A_176 : vector<160x128xi1>, vector<160x128xi32>
    %swap3A = arith.constant 0 : index
    %swap3A_178 = arith.constant 0 : index
    %swap3A_179 = vector.load %arg1[%swap3A, %swap3A_178] : memref<160x128xi32, #tpu.memory_space<vmem>>, vector<160x128xi32>
    tpu.vector_store %arg1[%swap3A, %swap3A_178], %select_n3A_177 {strides = array<i32>} : memref<160x128xi32, #tpu.memory_space<vmem>>, vector<160x128xi32>,
    return
  }
}

module attributes {stable_mosaic.version = 14 : i64} {
  func.func @_nms_body(%arg0: memref<48x128xf32, #tpu.memory_space<vmem>>, %arg1: memref<48x128xf32, #tpu.memory_space<vmem>>, %arg2: memref<48x128xf32, #tpu.memory_space<vmem>>, %arg3: memref<48x128xf32, #tpu.memory_space<vmem>>, %arg4: memref<48x128xf32, #tpu.memory_space<vmem>>, %arg5: memref<48x128xf32, #tpu.memory_space<vmem>>, %arg6: memref<48x128xf32, #tpu.memory_space<vmem>>, %arg7: memref<304x128xf32, #tpu.memory_space<vmem>>, %arg8: memref<48x128xf32, #tpu.memory_space<vmem>>, %arg9: memref<48x128xf32, #tpu.memory_space<vmem>>) attributes {dimension_semantics = [], scalar_prefetch = 0 : i64, scratch_operands = 2 : i64, tpu.core_type = #tpu.core_type<tc>} {
    %iota3A = tpu.iota {dimensions = array<i32: 0>} : vector<48x128xi32>
    %iota3A_0 = tpu.iota {dimensions = array<i32: 1>} : vector<48x128xi32>
    %mul3A = arith.constant 128 : i32
    %mul3A_1 = vector.broadcast %mul3A : i32 to vector<48x128xi32>
    %mul3A_2 = arith.muli %iota3A, %mul3A_1 : vector<48x128xi32>
    %add3A = arith.addi %mul3A_2, %iota3A_0 : vector<48x128xi32>
    %lt3A = arith.constant 6000 : i32
    %lt3A_3 = vector.broadcast %lt3A : i32 to vector<48x128xi32>
    %lt3A_4 = arith.cmpi slt, %add3A, %lt3A_3 : vector<48x128xi32>
    %get3A = arith.constant 0 : index
    %get3A_5 = arith.constant 0 : index
    %get3A_6 = vector.load %arg0[%get3A, %get3A_5] : memref<48x128xf32, #tpu.memory_space<vmem>>, vector<48x128xf32>
    %jit3A = arith.constant 0xFF800000 : f32
    %broadcast_in_dim3A = vector.broadcast %jit3A : f32 to vector<48x128xf32>
    %select_n3A = arith.select %lt3A_4, %get3A_6, %broadcast_in_dim3A : vector<48x128xi1>, vector<48x128xf32>
    %swap3A = arith.constant 0 : index
    %swap3A_7 = arith.constant 0 : index
    %swap3A_8 = vector.load %arg8[%swap3A, %swap3A_7] : memref<48x128xf32, #tpu.memory_space<vmem>>, vector<48x128xf32>
    tpu.vector_store %arg8[%swap3A, %swap3A_7], %select_n3A {strides = array<i32>} : memref<48x128xf32, #tpu.memory_space<vmem>>, vector<48x128xf32>,
    %get3A_9 = arith.constant 0 : index
    %get3A_10 = arith.constant 0 : index
    %get3A_11 = vector.load %arg4[%get3A_9, %get3A_10] : memref<48x128xf32, #tpu.memory_space<vmem>>, vector<48x128xf32>
    %get3A_12 = arith.constant 0 : index
    %get3A_13 = arith.constant 0 : index
    %get3A_14 = vector.load %arg1[%get3A_12, %get3A_13] : memref<48x128xf32, #tpu.memory_space<vmem>>, vector<48x128xf32>
    %sub3A = arith.subf %get3A_11, %get3A_14 : vector<48x128xf32>
    %get3A_15 = arith.constant 0 : index
    %get3A_16 = arith.constant 0 : index
    %get3A_17 = vector.load %arg5[%get3A_15, %get3A_16] : memref<48x128xf32, #tpu.memory_space<vmem>>, vector<48x128xf32>
    %get3A_18 = arith.constant 0 : index
    %get3A_19 = arith.constant 0 : index
    %get3A_20 = vector.load %arg2[%get3A_18, %get3A_19] : memref<48x128xf32, #tpu.memory_space<vmem>>, vector<48x128xf32>
    %sub3A_21 = arith.subf %get3A_17, %get3A_20 : vector<48x128xf32>
    %mul3A_22 = arith.mulf %sub3A, %sub3A_21 : vector<48x128xf32>
    %get3A_23 = arith.constant 0 : index
    %get3A_24 = arith.constant 0 : index
    %get3A_25 = vector.load %arg6[%get3A_23, %get3A_24] : memref<48x128xf32, #tpu.memory_space<vmem>>, vector<48x128xf32>
    %get3A_26 = arith.constant 0 : index
    %get3A_27 = arith.constant 0 : index
    %get3A_28 = vector.load %arg3[%get3A_26, %get3A_27] : memref<48x128xf32, #tpu.memory_space<vmem>>, vector<48x128xf32>
    %sub3A_29 = arith.subf %get3A_25, %get3A_28 : vector<48x128xf32>
    %mul3A_30 = arith.mulf %mul3A_22, %sub3A_29 : vector<48x128xf32>
    %swap3A_31 = arith.constant 0 : index
    %swap3A_32 = arith.constant 0 : index
    %swap3A_33 = vector.load %arg9[%swap3A_31, %swap3A_32] : memref<48x128xf32, #tpu.memory_space<vmem>>, vector<48x128xf32>
    tpu.vector_store %arg9[%swap3A_31, %swap3A_32], %mul3A_30 {strides = array<i32>} : memref<48x128xf32, #tpu.memory_space<vmem>>, vector<48x128xf32>,
    %iota3A_34 = tpu.iota {dimensions = array<i32: 0>} : vector<8x128xi32>
    %mul3A_35 = arith.constant 128 : i32
    %mul3A_36 = vector.broadcast %mul3A_35 : i32 to vector<8x128xi32>
    %mul3A_37 = arith.muli %iota3A_34, %mul3A_36 : vector<8x128xi32>
    %iota3A_38 = tpu.iota {dimensions = array<i32: 1>} : vector<8x128xi32>
    %add3A_39 = arith.addi %mul3A_37, %iota3A_38 : vector<8x128xi32>
    %iota3A_40 = tpu.iota {dimensions = array<i32: 1>} : vector<1x128xi32>
    %get3A_41 = arith.constant 0 : index
    %get3A_42 = arith.constant 0 : index
    %get3A_43 = vector.load %arg8[%get3A_41, %get3A_42] : memref<48x128xf32, #tpu.memory_space<vmem>>, vector<8x128xf32>
    %add3A_44 = arith.constant 0 : i32
    %add3A_45 = vector.broadcast %add3A_44 : i32 to vector<8x128xi32>
    %add3A_46 = arith.addi %add3A_39, %add3A_45 : vector<8x128xi32>
    %get3A_47 = arith.constant 8 : index
    %get3A_48 = arith.constant 0 : index
    %get3A_49 = vector.load %arg8[%get3A_47, %get3A_48] : memref<48x128xf32, #tpu.memory_space<vmem>>, vector<8x128xf32>
    %add3A_50 = arith.constant 1024 : i32
    %add3A_51 = vector.broadcast %add3A_50 : i32 to vector<8x128xi32>
    %add3A_52 = arith.addi %add3A_39, %add3A_51 : vector<8x128xi32>
    %get3A_53 = arith.constant 16 : index
    %get3A_54 = arith.constant 0 : index
    %get3A_55 = vector.load %arg8[%get3A_53, %get3A_54] : memref<48x128xf32, #tpu.memory_space<vmem>>, vector<8x128xf32>
    %add3A_56 = arith.constant 2048 : i32
    %add3A_57 = vector.broadcast %add3A_56 : i32 to vector<8x128xi32>
    %add3A_58 = arith.addi %add3A_39, %add3A_57 : vector<8x128xi32>
    %max3A = arith.maximumf %get3A_43, %get3A_55 : vector<8x128xf32>
    %ge3A = arith.cmpf oge, %get3A_43, %get3A_55 : vector<8x128xf32>
    %select_n3A_59 = arith.select %ge3A, %add3A_46, %add3A_58 : vector<8x128xi1>, vector<8x128xi32>
    %get3A_60 = arith.constant 24 : index
    %get3A_61 = arith.constant 0 : index
    %get3A_62 = vector.load %arg8[%get3A_60, %get3A_61] : memref<48x128xf32, #tpu.memory_space<vmem>>, vector<8x128xf32>
    %add3A_63 = arith.constant 3072 : i32
    %add3A_64 = vector.broadcast %add3A_63 : i32 to vector<8x128xi32>
    %add3A_65 = arith.addi %add3A_39, %add3A_64 : vector<8x128xi32>
    %max3A_66 = arith.maximumf %get3A_49, %get3A_62 : vector<8x128xf32>
    %ge3A_67 = arith.cmpf oge, %get3A_49, %get3A_62 : vector<8x128xf32>
    %select_n3A_68 = arith.select %ge3A_67, %add3A_52, %add3A_65 : vector<8x128xi1>, vector<8x128xi32>
    %get3A_69 = arith.constant 32 : index
    %get3A_70 = arith.constant 0 : index
    %get3A_71 = vector.load %arg8[%get3A_69, %get3A_70] : memref<48x128xf32, #tpu.memory_space<vmem>>, vector<8x128xf32>
    %add3A_72 = arith.constant 4096 : i32
    %add3A_73 = vector.broadcast %add3A_72 : i32 to vector<8x128xi32>
    %add3A_74 = arith.addi %add3A_39, %add3A_73 : vector<8x128xi32>
    %max3A_75 = arith.maximumf %max3A, %get3A_71 : vector<8x128xf32>
    %ge3A_76 = arith.cmpf oge, %max3A, %get3A_71 : vector<8x128xf32>
    %select_n3A_77 = arith.select %ge3A_76, %select_n3A_59, %add3A_74 : vector<8x128xi1>, vector<8x128xi32>
    %get3A_78 = arith.constant 40 : index
    %get3A_79 = arith.constant 0 : index
    %get3A_80 = vector.load %arg8[%get3A_78, %get3A_79] : memref<48x128xf32, #tpu.memory_space<vmem>>, vector<8x128xf32>
    %add3A_81 = arith.constant 5120 : i32
    %add3A_82 = vector.broadcast %add3A_81 : i32 to vector<8x128xi32>
    %add3A_83 = arith.addi %add3A_39, %add3A_82 : vector<8x128xi32>
    %max3A_84 = arith.maximumf %max3A_66, %get3A_80 : vector<8x128xf32>
    %ge3A_85 = arith.cmpf oge, %max3A_66, %get3A_80 : vector<8x128xf32>
    %select_n3A_86 = arith.select %ge3A_85, %select_n3A_68, %add3A_83 : vector<8x128xi1>, vector<8x128xi32>
    %gt3A = arith.cmpf ogt, %max3A_75, %max3A_84 : vector<8x128xf32>
    %eq3A = arith.cmpf oeq, %max3A_75, %max3A_84 : vector<8x128xf32>
    %lt3A_87 = arith.cmpi slt, %select_n3A_77, %select_n3A_86 : vector<8x128xi32>
    %and3A = arith.andi %eq3A, %lt3A_87 : vector<8x128xi1>
    %or3A = arith.ori %gt3A, %and3A : vector<8x128xi1>
    %select_n3A_88 = arith.select %or3A, %max3A_75, %max3A_84 : vector<8x128xi1>, vector<8x128xf32>
    %select_n3A_89 = arith.select %or3A, %select_n3A_77, %select_n3A_86 : vector<8x128xi1>, vector<8x128xi32>
    %reduce_max3A = vector.shape_cast %select_n3A_88 : vector<8x128xf32> to vector<1x8x128xf32>
    %reduce_max3A_90 = arith.constant dense<0xFF800000> : vector<1xf32>
    %reduce_max3A_91 = vector.multi_reduction <maximumf>, %reduce_max3A, %reduce_max3A_90 [1, 2] : vector<1x8x128xf32> to vector<1xf32>
    %reduce_max3A_92 = vector.shape_cast %reduce_max3A_91 : vector<1xf32> to vector<1x1x1xf32>
    %reduce_max3A_93 = vector.extract %reduce_max3A_92[0, 0, 0] : f32 from vector<1x1x1xf32>
    %eq3A_94 = vector.broadcast %reduce_max3A_93 : f32 to vector<8x128xf32>
    %eq3A_95 = arith.cmpf oeq, %select_n3A_88, %eq3A_94 : vector<8x128xf32>
    %jit3A_96 = arith.constant 1073741824 : i32
    %broadcast_in_dim3A_97 = vector.broadcast %jit3A_96 : i32 to vector<8x128xi32>
    %select_n3A_98 = arith.select %eq3A_95, %select_n3A_89, %broadcast_in_dim3A_97 : vector<8x128xi1>, vector<8x128xi32>
    %reduce_min3A = vector.shape_cast %select_n3A_98 : vector<8x128xi32> to vector<1x8x128xi32>
    %reduce_min3A_99 = arith.constant dense<2147483647> : vector<1xi32>
    %reduce_min3A_100 = vector.multi_reduction <minsi>, %reduce_min3A, %reduce_min3A_99 [1, 2] : vector<1x8x128xi32> to vector<1xi32>
    %reduce_min3A_101 = vector.shape_cast %reduce_min3A_100 : vector<1xi32> to vector<1x1x1xi32>
    %reduce_min3A_102 = vector.extract %reduce_min3A_101[0, 0, 0] : i32 from vector<1x1x1xi32>
    %scan3A = arith.constant 1073741824 : i32
    %scan3A_103 = arith.constant 0 : i32
    %scan3A_104 = arith.constant 300 : i32
    %scan3A_105 = arith.addi %scan3A_103, %scan3A_104 : i32
    %scan3A_106 = arith.constant 1 : i32
    %scan3A_107:2 = scf.for %scan3A_109 = %scan3A_103 to %scan3A_105 step %scan3A_106 iter_args(%scan3A_110 = %select_n3A_88, %scan3A_111 = %select_n3A_89) -> (vector<8x128xf32>, vector<8x128xi32>)  : i32 {
      %reduce_max3A_112 = vector.shape_cast %scan3A_110 : vector<8x128xf32> to vector<1x8x128xf32>
      %reduce_max3A_113 = arith.constant dense<0xFF800000> : vector<1xf32>
      %reduce_max3A_114 = vector.multi_reduction <maximumf>, %reduce_max3A_112, %reduce_max3A_113 [1, 2] : vector<1x8x128xf32> to vector<1xf32>
      %reduce_max3A_115 = vector.shape_cast %reduce_max3A_114 : vector<1xf32> to vector<1x1x1xf32>
      %reduce_max3A_116 = vector.extract %reduce_max3A_115[0, 0, 0] : f32 from vector<1x1x1xf32>
      %eq3A_117 = arith.constant 0xFF800000 : f32
      %eq3A_118 = arith.cmpf oeq, %reduce_max3A_116, %eq3A_117 : f32
      %eq3A_119 = vector.broadcast %reduce_max3A_116 : f32 to vector<8x128xf32>
      %eq3A_120 = arith.cmpf oeq, %scan3A_110, %eq3A_119 : vector<8x128xf32>
      %broadcast_in_dim3A_121 = vector.broadcast %scan3A : i32 to vector<8x128xi32>
      %select_n3A_122 = arith.select %eq3A_120, %scan3A_111, %broadcast_in_dim3A_121 : vector<8x128xi1>, vector<8x128xi32>
      %reduce_min3A_123 = vector.shape_cast %select_n3A_122 : vector<8x128xi32> to vector<1x8x128xi32>
      %reduce_min3A_124 = arith.constant dense<2147483647> : vector<1xi32>
      %reduce_min3A_125 = vector.multi_reduction <minsi>, %reduce_min3A_123, %reduce_min3A_124 [1, 2] : vector<1x8x128xi32> to vector<1xi32>
      %reduce_min3A_126 = vector.shape_cast %reduce_min3A_125 : vector<1xi32> to vector<1x1x1xi32>
      %reduce_min3A_127 = vector.extract %reduce_min3A_126[0, 0, 0] : i32 from vector<1x1x1xi32>
      %select_n3A_128 = arith.select %eq3A_118, %reduce_min3A_102, %reduce_min3A_127 : i32
      %select_n3A_129 = arith.select %eq3A_118, %reduce_max3A_93, %reduce_max3A_116 : f32
      %shift_right_logical3A = arith.constant 7 : i32
      %shift_right_logical3A_130 = arith.shrui %select_n3A_128, %shift_right_logical3A : i32
      %and3A_131 = arith.constant 127 : i32
      %and3A_132 = arith.andi %select_n3A_128, %and3A_131 : i32
      %eq3A_133 = vector.broadcast %and3A_132 : i32 to vector<1x128xi32>
      %eq3A_134 = arith.cmpi eq, %iota3A_40, %eq3A_133 : vector<1x128xi32>
      %get3A_135 = arith.index_cast %shift_right_logical3A_130 : i32 to index
      %get3A_136 = arith.constant 0 : index
      %get3A_137 = vector.load %arg1[%get3A_135, %get3A_136] : memref<48x128xf32, #tpu.memory_space<vmem>>, vector<1x128xf32>
      %jit3A_138 = arith.constant 0xFF800000 : f32
      %broadcast_in_dim3A_139 = vector.broadcast %jit3A_138 : f32 to vector<1x128xf32>
      %select_n3A_140 = arith.select %eq3A_134, %get3A_137, %broadcast_in_dim3A_139 : vector<1x128xi1>, vector<1x128xf32>
      %reduce_max3A_141 = arith.constant dense<0xFF800000> : vector<1xf32>
      %reduce_max3A_142 = vector.multi_reduction <maximumf>, %select_n3A_140, %reduce_max3A_141 [1] : vector<1x128xf32> to vector<1xf32>
      %broadcast_in_dim3A_143 = vector.shape_cast %reduce_max3A_142 : vector<1xf32> to vector<1x1xf32>
      %get3A_144 = arith.index_cast %shift_right_logical3A_130 : i32 to index
      %get3A_145 = arith.constant 0 : index
      %get3A_146 = vector.load %arg2[%get3A_144, %get3A_145] : memref<48x128xf32, #tpu.memory_space<vmem>>, vector<1x128xf32>
      %jit3A_147 = arith.constant 0xFF800000 : f32
      %broadcast_in_dim3A_148 = vector.broadcast %jit3A_147 : f32 to vector<1x128xf32>
      %select_n3A_149 = arith.select %eq3A_134, %get3A_146, %broadcast_in_dim3A_148 : vector<1x128xi1>, vector<1x128xf32>
      %reduce_max3A_150 = arith.constant dense<0xFF800000> : vector<1xf32>
      %reduce_max3A_151 = vector.multi_reduction <maximumf>, %select_n3A_149, %reduce_max3A_150 [1] : vector<1x128xf32> to vector<1xf32>
      %broadcast_in_dim3A_152 = vector.shape_cast %reduce_max3A_151 : vector<1xf32> to vector<1x1xf32>
      %get3A_153 = arith.index_cast %shift_right_logical3A_130 : i32 to index
      %get3A_154 = arith.constant 0 : index
      %get3A_155 = vector.load %arg3[%get3A_153, %get3A_154] : memref<48x128xf32, #tpu.memory_space<vmem>>, vector<1x128xf32>
      %jit3A_156 = arith.constant 0xFF800000 : f32
      %broadcast_in_dim3A_157 = vector.broadcast %jit3A_156 : f32 to vector<1x128xf32>
      %select_n3A_158 = arith.select %eq3A_134, %get3A_155, %broadcast_in_dim3A_157 : vector<1x128xi1>, vector<1x128xf32>
      %reduce_max3A_159 = arith.constant dense<0xFF800000> : vector<1xf32>
      %reduce_max3A_160 = vector.multi_reduction <maximumf>, %select_n3A_158, %reduce_max3A_159 [1] : vector<1x128xf32> to vector<1xf32>
      %broadcast_in_dim3A_161 = vector.shape_cast %reduce_max3A_160 : vector<1xf32> to vector<1x1xf32>
      %get3A_162 = arith.index_cast %shift_right_logical3A_130 : i32 to index
      %get3A_163 = arith.constant 0 : index
      %get3A_164 = vector.load %arg4[%get3A_162, %get3A_163] : memref<48x128xf32, #tpu.memory_space<vmem>>, vector<1x128xf32>
      %jit3A_165 = arith.constant 0xFF800000 : f32
      %broadcast_in_dim3A_166 = vector.broadcast %jit3A_165 : f32 to vector<1x128xf32>
      %select_n3A_167 = arith.select %eq3A_134, %get3A_164, %broadcast_in_dim3A_166 : vector<1x128xi1>, vector<1x128xf32>
      %reduce_max3A_168 = arith.constant dense<0xFF800000> : vector<1xf32>
      %reduce_max3A_169 = vector.multi_reduction <maximumf>, %select_n3A_167, %reduce_max3A_168 [1] : vector<1x128xf32> to vector<1xf32>
      %broadcast_in_dim3A_170 = vector.shape_cast %reduce_max3A_169 : vector<1xf32> to vector<1x1xf32>
      %get3A_171 = arith.index_cast %shift_right_logical3A_130 : i32 to index
      %get3A_172 = arith.constant 0 : index
      %get3A_173 = vector.load %arg5[%get3A_171, %get3A_172] : memref<48x128xf32, #tpu.memory_space<vmem>>, vector<1x128xf32>
      %jit3A_174 = arith.constant 0xFF800000 : f32
      %broadcast_in_dim3A_175 = vector.broadcast %jit3A_174 : f32 to vector<1x128xf32>
      %select_n3A_176 = arith.select %eq3A_134, %get3A_173, %broadcast_in_dim3A_175 : vector<1x128xi1>, vector<1x128xf32>
      %reduce_max3A_177 = arith.constant dense<0xFF800000> : vector<1xf32>
      %reduce_max3A_178 = vector.multi_reduction <maximumf>, %select_n3A_176, %reduce_max3A_177 [1] : vector<1x128xf32> to vector<1xf32>
      %broadcast_in_dim3A_179 = vector.shape_cast %reduce_max3A_178 : vector<1xf32> to vector<1x1xf32>
      %get3A_180 = arith.index_cast %shift_right_logical3A_130 : i32 to index
      %get3A_181 = arith.constant 0 : index
      %get3A_182 = vector.load %arg6[%get3A_180, %get3A_181] : memref<48x128xf32, #tpu.memory_space<vmem>>, vector<1x128xf32>
      %jit3A_183 = arith.constant 0xFF800000 : f32
      %broadcast_in_dim3A_184 = vector.broadcast %jit3A_183 : f32 to vector<1x128xf32>
      %select_n3A_185 = arith.select %eq3A_134, %get3A_182, %broadcast_in_dim3A_184 : vector<1x128xi1>, vector<1x128xf32>
      %reduce_max3A_186 = arith.constant dense<0xFF800000> : vector<1xf32>
      %reduce_max3A_187 = vector.multi_reduction <maximumf>, %select_n3A_185, %reduce_max3A_186 [1] : vector<1x128xf32> to vector<1xf32>
      %broadcast_in_dim3A_188 = vector.shape_cast %reduce_max3A_187 : vector<1xf32> to vector<1x1xf32>
      %sub3A_189 = arith.subf %broadcast_in_dim3A_170, %broadcast_in_dim3A_143 : vector<1x1xf32>
      %sub3A_190 = arith.subf %broadcast_in_dim3A_179, %broadcast_in_dim3A_152 : vector<1x1xf32>
      %mul3A_191 = arith.mulf %sub3A_189, %sub3A_190 : vector<1x1xf32>
      %sub3A_192 = arith.subf %broadcast_in_dim3A_188, %broadcast_in_dim3A_161 : vector<1x1xf32>
      %mul3A_193 = arith.mulf %mul3A_191, %sub3A_192 : vector<1x1xf32>
      %get3A_194 = arith.constant 0 : index
      %get3A_195 = arith.constant 0 : index
      %get3A_196 = vector.load %arg8[%get3A_194, %get3A_195] : memref<48x128xf32, #tpu.memory_space<vmem>>, vector<8x128xf32>
      %get3A_197 = arith.constant 0 : index
      %get3A_198 = arith.constant 0 : index
      %get3A_199 = vector.load %arg1[%get3A_197, %get3A_198] : memref<48x128xf32, #tpu.memory_space<vmem>>, vector<8x128xf32>
      %get3A_200 = arith.constant 0 : index
      %get3A_201 = arith.constant 0 : index
      %get3A_202 = vector.load %arg2[%get3A_200, %get3A_201] : memref<48x128xf32, #tpu.memory_space<vmem>>, vector<8x128xf32>
      %get3A_203 = arith.constant 0 : index
      %get3A_204 = arith.constant 0 : index
      %get3A_205 = vector.load %arg3[%get3A_203, %get3A_204] : memref<48x128xf32, #tpu.memory_space<vmem>>, vector<8x128xf32>
      %get3A_206 = arith.constant 0 : index
      %get3A_207 = arith.constant 0 : index
      %get3A_208 = vector.load %arg4[%get3A_206, %get3A_207] : memref<48x128xf32, #tpu.memory_space<vmem>>, vector<8x128xf32>
      %get3A_209 = arith.constant 0 : index
      %get3A_210 = arith.constant 0 : index
      %get3A_211 = vector.load %arg5[%get3A_209, %get3A_210] : memref<48x128xf32, #tpu.memory_space<vmem>>, vector<8x128xf32>
      %get3A_212 = arith.constant 0 : index
      %get3A_213 = arith.constant 0 : index
      %get3A_214 = vector.load %arg6[%get3A_212, %get3A_213] : memref<48x128xf32, #tpu.memory_space<vmem>>, vector<8x128xf32>
      %get3A_215 = arith.constant 0 : index
      %get3A_216 = arith.constant 0 : index
      %get3A_217 = vector.load %arg9[%get3A_215, %get3A_216] : memref<48x128xf32, #tpu.memory_space<vmem>>, vector<8x128xf32>
      %min3A = vector.broadcast %broadcast_in_dim3A_170 : vector<1x1xf32> to vector<8x128xf32>
      %min3A_218 = arith.minimumf %min3A, %get3A_208 : vector<8x128xf32>
      %max3A_219 = vector.broadcast %broadcast_in_dim3A_143 : vector<1x1xf32> to vector<8x128xf32>
      %max3A_220 = arith.maximumf %max3A_219, %get3A_199 : vector<8x128xf32>
      %sub3A_221 = arith.subf %min3A_218, %max3A_220 : vector<8x128xf32>
      %max3A_222 = arith.constant 0.000000e+00 : f32
      %max3A_223 = vector.broadcast %max3A_222 : f32 to vector<8x128xf32>
      %max3A_224 = arith.maximumf %sub3A_221, %max3A_223 : vector<8x128xf32>
      %min3A_225 = vector.broadcast %broadcast_in_dim3A_179 : vector<1x1xf32> to vector<8x128xf32>
      %min3A_226 = arith.minimumf %min3A_225, %get3A_211 : vector<8x128xf32>
      %max3A_227 = vector.broadcast %broadcast_in_dim3A_152 : vector<1x1xf32> to vector<8x128xf32>
      %max3A_228 = arith.maximumf %max3A_227, %get3A_202 : vector<8x128xf32>
      %sub3A_229 = arith.subf %min3A_226, %max3A_228 : vector<8x128xf32>
      %max3A_230 = arith.constant 0.000000e+00 : f32
      %max3A_231 = vector.broadcast %max3A_230 : f32 to vector<8x128xf32>
      %max3A_232 = arith.maximumf %sub3A_229, %max3A_231 : vector<8x128xf32>
      %mul3A_233 = arith.mulf %max3A_224, %max3A_232 : vector<8x128xf32>
      %min3A_234 = vector.broadcast %broadcast_in_dim3A_188 : vector<1x1xf32> to vector<8x128xf32>
      %min3A_235 = arith.minimumf %min3A_234, %get3A_214 : vector<8x128xf32>
      %max3A_236 = vector.broadcast %broadcast_in_dim3A_161 : vector<1x1xf32> to vector<8x128xf32>
      %max3A_237 = arith.maximumf %max3A_236, %get3A_205 : vector<8x128xf32>
      %sub3A_238 = arith.subf %min3A_235, %max3A_237 : vector<8x128xf32>
      %max3A_239 = arith.constant 0.000000e+00 : f32
      %max3A_240 = vector.broadcast %max3A_239 : f32 to vector<8x128xf32>
      %max3A_241 = arith.maximumf %sub3A_238, %max3A_240 : vector<8x128xf32>
      %mul3A_242 = arith.mulf %mul3A_233, %max3A_241 : vector<8x128xf32>
      %add3A_243 = vector.broadcast %mul3A_193 : vector<1x1xf32> to vector<8x128xf32>
      %add3A_244 = arith.addf %add3A_243, %get3A_217 : vector<8x128xf32>
      %sub3A_245 = arith.subf %add3A_244, %mul3A_242 : vector<8x128xf32>
      %add3A_246 = arith.constant 9.99999993E-9 : f32
      %add3A_247 = vector.broadcast %add3A_246 : f32 to vector<8x128xf32>
      %add3A_248 = arith.addf %sub3A_245, %add3A_247 : vector<8x128xf32>
      %div3A = arith.divf %mul3A_242, %add3A_248 : vector<8x128xf32>
      %gt3A_249 = arith.constant 3.000000e-01 : f32
      %gt3A_250 = vector.broadcast %gt3A_249 : f32 to vector<8x128xf32>
      %gt3A_251 = arith.cmpf ogt, %div3A, %gt3A_250 : vector<8x128xf32>
      %jit3A_252 = arith.constant 0xFF800000 : f32
      %broadcast_in_dim3A_253 = vector.broadcast %jit3A_252 : f32 to vector<8x128xf32>
      %select_n3A_254 = arith.select %gt3A_251, %broadcast_in_dim3A_253, %get3A_196 : vector<8x128xi1>, vector<8x128xf32>
      %swap3A_255 = arith.constant 0 : index
      %swap3A_256 = arith.constant 0 : index
      %swap3A_257 = vector.load %arg8[%swap3A_255, %swap3A_256] : memref<48x128xf32, #tpu.memory_space<vmem>>, vector<8x128xf32>
      tpu.vector_store %arg8[%swap3A_255, %swap3A_256], %select_n3A_254 {strides = array<i32>} : memref<48x128xf32, #tpu.memory_space<vmem>>, vector<8x128xf32>,
      %add3A_258 = arith.constant 0 : i32
      %add3A_259 = vector.broadcast %add3A_258 : i32 to vector<8x128xi32>
      %add3A_260 = arith.addi %add3A_39, %add3A_259 : vector<8x128xi32>
      %get3A_261 = arith.constant 8 : index
      %get3A_262 = arith.constant 0 : index
      %get3A_263 = vector.load %arg8[%get3A_261, %get3A_262] : memref<48x128xf32, #tpu.memory_space<vmem>>, vector<8x128xf32>
      %get3A_264 = arith.constant 8 : index
      %get3A_265 = arith.constant 0 : index
      %get3A_266 = vector.load %arg1[%get3A_264, %get3A_265] : memref<48x128xf32, #tpu.memory_space<vmem>>, vector<8x128xf32>
      %get3A_267 = arith.constant 8 : index
      %get3A_268 = arith.constant 0 : index
      %get3A_269 = vector.load %arg2[%get3A_267, %get3A_268] : memref<48x128xf32, #tpu.memory_space<vmem>>, vector<8x128xf32>
      %get3A_270 = arith.constant 8 : index
      %get3A_271 = arith.constant 0 : index
      %get3A_272 = vector.load %arg3[%get3A_270, %get3A_271] : memref<48x128xf32, #tpu.memory_space<vmem>>, vector<8x128xf32>
      %get3A_273 = arith.constant 8 : index
      %get3A_274 = arith.constant 0 : index
      %get3A_275 = vector.load %arg4[%get3A_273, %get3A_274] : memref<48x128xf32, #tpu.memory_space<vmem>>, vector<8x128xf32>
      %get3A_276 = arith.constant 8 : index
      %get3A_277 = arith.constant 0 : index
      %get3A_278 = vector.load %arg5[%get3A_276, %get3A_277] : memref<48x128xf32, #tpu.memory_space<vmem>>, vector<8x128xf32>
      %get3A_279 = arith.constant 8 : index
      %get3A_280 = arith.constant 0 : index
      %get3A_281 = vector.load %arg6[%get3A_279, %get3A_280] : memref<48x128xf32, #tpu.memory_space<vmem>>, vector<8x128xf32>
      %get3A_282 = arith.constant 8 : index
      %get3A_283 = arith.constant 0 : index
      %get3A_284 = vector.load %arg9[%get3A_282, %get3A_283] : memref<48x128xf32, #tpu.memory_space<vmem>>, vector<8x128xf32>
      %min3A_285 = vector.broadcast %broadcast_in_dim3A_170 : vector<1x1xf32> to vector<8x128xf32>
      %min3A_286 = arith.minimumf %min3A_285, %get3A_275 : vector<8x128xf32>
      %max3A_287 = vector.broadcast %broadcast_in_dim3A_143 : vector<1x1xf32> to vector<8x128xf32>
      %max3A_288 = arith.maximumf %max3A_287, %get3A_266 : vector<8x128xf32>
      %sub3A_289 = arith.subf %min3A_286, %max3A_288 : vector<8x128xf32>
      %max3A_290 = arith.constant 0.000000e+00 : f32
      %max3A_291 = vector.broadcast %max3A_290 : f32 to vector<8x128xf32>
      %max3A_292 = arith.maximumf %sub3A_289, %max3A_291 : vector<8x128xf32>
      %min3A_293 = vector.broadcast %broadcast_in_dim3A_179 : vector<1x1xf32> to vector<8x128xf32>
      %min3A_294 = arith.minimumf %min3A_293, %get3A_278 : vector<8x128xf32>
      %max3A_295 = vector.broadcast %broadcast_in_dim3A_152 : vector<1x1xf32> to vector<8x128xf32>
      %max3A_296 = arith.maximumf %max3A_295, %get3A_269 : vector<8x128xf32>
      %sub3A_297 = arith.subf %min3A_294, %max3A_296 : vector<8x128xf32>
      %max3A_298 = arith.constant 0.000000e+00 : f32
      %max3A_299 = vector.broadcast %max3A_298 : f32 to vector<8x128xf32>
      %max3A_300 = arith.maximumf %sub3A_297, %max3A_299 : vector<8x128xf32>
      %mul3A_301 = arith.mulf %max3A_292, %max3A_300 : vector<8x128xf32>
      %min3A_302 = vector.broadcast %broadcast_in_dim3A_188 : vector<1x1xf32> to vector<8x128xf32>
      %min3A_303 = arith.minimumf %min3A_302, %get3A_281 : vector<8x128xf32>
      %max3A_304 = vector.broadcast %broadcast_in_dim3A_161 : vector<1x1xf32> to vector<8x128xf32>
      %max3A_305 = arith.maximumf %max3A_304, %get3A_272 : vector<8x128xf32>
      %sub3A_306 = arith.subf %min3A_303, %max3A_305 : vector<8x128xf32>
      %max3A_307 = arith.constant 0.000000e+00 : f32
      %max3A_308 = vector.broadcast %max3A_307 : f32 to vector<8x128xf32>
      %max3A_309 = arith.maximumf %sub3A_306, %max3A_308 : vector<8x128xf32>
      %mul3A_310 = arith.mulf %mul3A_301, %max3A_309 : vector<8x128xf32>
      %add3A_311 = vector.broadcast %mul3A_193 : vector<1x1xf32> to vector<8x128xf32>
      %add3A_312 = arith.addf %add3A_311, %get3A_284 : vector<8x128xf32>
      %sub3A_313 = arith.subf %add3A_312, %mul3A_310 : vector<8x128xf32>
      %add3A_314 = arith.constant 9.99999993E-9 : f32
      %add3A_315 = vector.broadcast %add3A_314 : f32 to vector<8x128xf32>
      %add3A_316 = arith.addf %sub3A_313, %add3A_315 : vector<8x128xf32>
      %div3A_317 = arith.divf %mul3A_310, %add3A_316 : vector<8x128xf32>
      %gt3A_318 = arith.constant 3.000000e-01 : f32
      %gt3A_319 = vector.broadcast %gt3A_318 : f32 to vector<8x128xf32>
      %gt3A_320 = arith.cmpf ogt, %div3A_317, %gt3A_319 : vector<8x128xf32>
      %jit3A_321 = arith.constant 0xFF800000 : f32
      %broadcast_in_dim3A_322 = vector.broadcast %jit3A_321 : f32 to vector<8x128xf32>
      %select_n3A_323 = arith.select %gt3A_320, %broadcast_in_dim3A_322, %get3A_263 : vector<8x128xi1>, vector<8x128xf32>
      %swap3A_324 = arith.constant 8 : index
      %swap3A_325 = arith.constant 0 : index
      %swap3A_326 = vector.load %arg8[%swap3A_324, %swap3A_325] : memref<48x128xf32, #tpu.memory_space<vmem>>, vector<8x128xf32>
      tpu.vector_store %arg8[%swap3A_324, %swap3A_325], %select_n3A_323 {strides = array<i32>} : memref<48x128xf32, #tpu.memory_space<vmem>>, vector<8x128xf32>,
      %add3A_327 = arith.constant 1024 : i32
      %add3A_328 = vector.broadcast %add3A_327 : i32 to vector<8x128xi32>
      %add3A_329 = arith.addi %add3A_39, %add3A_328 : vector<8x128xi32>
      %get3A_330 = arith.constant 16 : index
      %get3A_331 = arith.constant 0 : index
      %get3A_332 = vector.load %arg8[%get3A_330, %get3A_331] : memref<48x128xf32, #tpu.memory_space<vmem>>, vector<8x128xf32>
      %get3A_333 = arith.constant 16 : index
      %get3A_334 = arith.constant 0 : index
      %get3A_335 = vector.load %arg1[%get3A_333, %get3A_334] : memref<48x128xf32, #tpu.memory_space<vmem>>, vector<8x128xf32>
      %get3A_336 = arith.constant 16 : index
      %get3A_337 = arith.constant 0 : index
      %get3A_338 = vector.load %arg2[%get3A_336, %get3A_337] : memref<48x128xf32, #tpu.memory_space<vmem>>, vector<8x128xf32>
      %get3A_339 = arith.constant 16 : index
      %get3A_340 = arith.constant 0 : index
      %get3A_341 = vector.load %arg3[%get3A_339, %get3A_340] : memref<48x128xf32, #tpu.memory_space<vmem>>, vector<8x128xf32>
      %get3A_342 = arith.constant 16 : index
      %get3A_343 = arith.constant 0 : index
      %get3A_344 = vector.load %arg4[%get3A_342, %get3A_343] : memref<48x128xf32, #tpu.memory_space<vmem>>, vector<8x128xf32>
      %get3A_345 = arith.constant 16 : index
      %get3A_346 = arith.constant 0 : index
      %get3A_347 = vector.load %arg5[%get3A_345, %get3A_346] : memref<48x128xf32, #tpu.memory_space<vmem>>, vector<8x128xf32>
      %get3A_348 = arith.constant 16 : index
      %get3A_349 = arith.constant 0 : index
      %get3A_350 = vector.load %arg6[%get3A_348, %get3A_349] : memref<48x128xf32, #tpu.memory_space<vmem>>, vector<8x128xf32>
      %get3A_351 = arith.constant 16 : index
      %get3A_352 = arith.constant 0 : index
      %get3A_353 = vector.load %arg9[%get3A_351, %get3A_352] : memref<48x128xf32, #tpu.memory_space<vmem>>, vector<8x128xf32>
      %min3A_354 = vector.broadcast %broadcast_in_dim3A_170 : vector<1x1xf32> to vector<8x128xf32>
      %min3A_355 = arith.minimumf %min3A_354, %get3A_344 : vector<8x128xf32>
      %max3A_356 = vector.broadcast %broadcast_in_dim3A_143 : vector<1x1xf32> to vector<8x128xf32>
      %max3A_357 = arith.maximumf %max3A_356, %get3A_335 : vector<8x128xf32>
      %sub3A_358 = arith.subf %min3A_355, %max3A_357 : vector<8x128xf32>
      %max3A_359 = arith.constant 0.000000e+00 : f32
      %max3A_360 = vector.broadcast %max3A_359 : f32 to vector<8x128xf32>
      %max3A_361 = arith.maximumf %sub3A_358, %max3A_360 : vector<8x128xf32>
      %min3A_362 = vector.broadcast %broadcast_in_dim3A_179 : vector<1x1xf32> to vector<8x128xf32>
      %min3A_363 = arith.minimumf %min3A_362, %get3A_347 : vector<8x128xf32>
      %max3A_364 = vector.broadcast %broadcast_in_dim3A_152 : vector<1x1xf32> to vector<8x128xf32>
      %max3A_365 = arith.maximumf %max3A_364, %get3A_338 : vector<8x128xf32>
      %sub3A_366 = arith.subf %min3A_363, %max3A_365 : vector<8x128xf32>
      %max3A_367 = arith.constant 0.000000e+00 : f32
      %max3A_368 = vector.broadcast %max3A_367 : f32 to vector<8x128xf32>
      %max3A_369 = arith.maximumf %sub3A_366, %max3A_368 : vector<8x128xf32>
      %mul3A_370 = arith.mulf %max3A_361, %max3A_369 : vector<8x128xf32>
      %min3A_371 = vector.broadcast %broadcast_in_dim3A_188 : vector<1x1xf32> to vector<8x128xf32>
      %min3A_372 = arith.minimumf %min3A_371, %get3A_350 : vector<8x128xf32>
      %max3A_373 = vector.broadcast %broadcast_in_dim3A_161 : vector<1x1xf32> to vector<8x128xf32>
      %max3A_374 = arith.maximumf %max3A_373, %get3A_341 : vector<8x128xf32>
      %sub3A_375 = arith.subf %min3A_372, %max3A_374 : vector<8x128xf32>
      %max3A_376 = arith.constant 0.000000e+00 : f32
      %max3A_377 = vector.broadcast %max3A_376 : f32 to vector<8x128xf32>
      %max3A_378 = arith.maximumf %sub3A_375, %max3A_377 : vector<8x128xf32>
      %mul3A_379 = arith.mulf %mul3A_370, %max3A_378 : vector<8x128xf32>
      %add3A_380 = vector.broadcast %mul3A_193 : vector<1x1xf32> to vector<8x128xf32>
      %add3A_381 = arith.addf %add3A_380, %get3A_353 : vector<8x128xf32>
      %sub3A_382 = arith.subf %add3A_381, %mul3A_379 : vector<8x128xf32>
      %add3A_383 = arith.constant 9.99999993E-9 : f32
      %add3A_384 = vector.broadcast %add3A_383 : f32 to vector<8x128xf32>
      %add3A_385 = arith.addf %sub3A_382, %add3A_384 : vector<8x128xf32>
      %div3A_386 = arith.divf %mul3A_379, %add3A_385 : vector<8x128xf32>
      %gt3A_387 = arith.constant 3.000000e-01 : f32
      %gt3A_388 = vector.broadcast %gt3A_387 : f32 to vector<8x128xf32>
      %gt3A_389 = arith.cmpf ogt, %div3A_386, %gt3A_388 : vector<8x128xf32>
      %jit3A_390 = arith.constant 0xFF800000 : f32
      %broadcast_in_dim3A_391 = vector.broadcast %jit3A_390 : f32 to vector<8x128xf32>
      %select_n3A_392 = arith.select %gt3A_389, %broadcast_in_dim3A_391, %get3A_332 : vector<8x128xi1>, vector<8x128xf32>
      %swap3A_393 = arith.constant 16 : index
      %swap3A_394 = arith.constant 0 : index
      %swap3A_395 = vector.load %arg8[%swap3A_393, %swap3A_394] : memref<48x128xf32, #tpu.memory_space<vmem>>, vector<8x128xf32>
      tpu.vector_store %arg8[%swap3A_393, %swap3A_394], %select_n3A_392 {strides = array<i32>} : memref<48x128xf32, #tpu.memory_space<vmem>>, vector<8x128xf32>,
      %add3A_396 = arith.constant 2048 : i32
      %add3A_397 = vector.broadcast %add3A_396 : i32 to vector<8x128xi32>
      %add3A_398 = arith.addi %add3A_39, %add3A_397 : vector<8x128xi32>
      %max3A_399 = arith.maximumf %select_n3A_254, %select_n3A_392 : vector<8x128xf32>
      %ge3A_400 = arith.cmpf oge, %select_n3A_254, %select_n3A_392 : vector<8x128xf32>
      %select_n3A_401 = arith.select %ge3A_400, %add3A_260, %add3A_398 : vector<8x128xi1>, vector<8x128xi32>
      %get3A_402 = arith.constant 24 : index
      %get3A_403 = arith.constant 0 : index
      %get3A_404 = vector.load %arg8[%get3A_402, %get3A_403] : memref<48x128xf32, #tpu.memory_space<vmem>>, vector<8x128xf32>
      %get3A_405 = arith.constant 24 : index
      %get3A_406 = arith.constant 0 : index
      %get3A_407 = vector.load %arg1[%get3A_405, %get3A_406] : memref<48x128xf32, #tpu.memory_space<vmem>>, vector<8x128xf32>
      %get3A_408 = arith.constant 24 : index
      %get3A_409 = arith.constant 0 : index
      %get3A_410 = vector.load %arg2[%get3A_408, %get3A_409] : memref<48x128xf32, #tpu.memory_space<vmem>>, vector<8x128xf32>
      %get3A_411 = arith.constant 24 : index
      %get3A_412 = arith.constant 0 : index
      %get3A_413 = vector.load %arg3[%get3A_411, %get3A_412] : memref<48x128xf32, #tpu.memory_space<vmem>>, vector<8x128xf32>
      %get3A_414 = arith.constant 24 : index
      %get3A_415 = arith.constant 0 : index
      %get3A_416 = vector.load %arg4[%get3A_414, %get3A_415] : memref<48x128xf32, #tpu.memory_space<vmem>>, vector<8x128xf32>
      %get3A_417 = arith.constant 24 : index
      %get3A_418 = arith.constant 0 : index
      %get3A_419 = vector.load %arg5[%get3A_417, %get3A_418] : memref<48x128xf32, #tpu.memory_space<vmem>>, vector<8x128xf32>
      %get3A_420 = arith.constant 24 : index
      %get3A_421 = arith.constant 0 : index
      %get3A_422 = vector.load %arg6[%get3A_420, %get3A_421] : memref<48x128xf32, #tpu.memory_space<vmem>>, vector<8x128xf32>
      %get3A_423 = arith.constant 24 : index
      %get3A_424 = arith.constant 0 : index
      %get3A_425 = vector.load %arg9[%get3A_423, %get3A_424] : memref<48x128xf32, #tpu.memory_space<vmem>>, vector<8x128xf32>
      %min3A_426 = vector.broadcast %broadcast_in_dim3A_170 : vector<1x1xf32> to vector<8x128xf32>
      %min3A_427 = arith.minimumf %min3A_426, %get3A_416 : vector<8x128xf32>
      %max3A_428 = vector.broadcast %broadcast_in_dim3A_143 : vector<1x1xf32> to vector<8x128xf32>
      %max3A_429 = arith.maximumf %max3A_428, %get3A_407 : vector<8x128xf32>
      %sub3A_430 = arith.subf %min3A_427, %max3A_429 : vector<8x128xf32>
      %max3A_431 = arith.constant 0.000000e+00 : f32
      %max3A_432 = vector.broadcast %max3A_431 : f32 to vector<8x128xf32>
      %max3A_433 = arith.maximumf %sub3A_430, %max3A_432 : vector<8x128xf32>
      %min3A_434 = vector.broadcast %broadcast_in_dim3A_179 : vector<1x1xf32> to vector<8x128xf32>
      %min3A_435 = arith.minimumf %min3A_434, %get3A_419 : vector<8x128xf32>
      %max3A_436 = vector.broadcast %broadcast_in_dim3A_152 : vector<1x1xf32> to vector<8x128xf32>
      %max3A_437 = arith.maximumf %max3A_436, %get3A_410 : vector<8x128xf32>
      %sub3A_438 = arith.subf %min3A_435, %max3A_437 : vector<8x128xf32>
      %max3A_439 = arith.constant 0.000000e+00 : f32
      %max3A_440 = vector.broadcast %max3A_439 : f32 to vector<8x128xf32>
      %max3A_441 = arith.maximumf %sub3A_438, %max3A_440 : vector<8x128xf32>
      %mul3A_442 = arith.mulf %max3A_433, %max3A_441 : vector<8x128xf32>
      %min3A_443 = vector.broadcast %broadcast_in_dim3A_188 : vector<1x1xf32> to vector<8x128xf32>
      %min3A_444 = arith.minimumf %min3A_443, %get3A_422 : vector<8x128xf32>
      %max3A_445 = vector.broadcast %broadcast_in_dim3A_161 : vector<1x1xf32> to vector<8x128xf32>
      %max3A_446 = arith.maximumf %max3A_445, %get3A_413 : vector<8x128xf32>
      %sub3A_447 = arith.subf %min3A_444, %max3A_446 : vector<8x128xf32>
      %max3A_448 = arith.constant 0.000000e+00 : f32
      %max3A_449 = vector.broadcast %max3A_448 : f32 to vector<8x128xf32>
      %max3A_450 = arith.maximumf %sub3A_447, %max3A_449 : vector<8x128xf32>
      %mul3A_451 = arith.mulf %mul3A_442, %max3A_450 : vector<8x128xf32>
      %add3A_452 = vector.broadcast %mul3A_193 : vector<1x1xf32> to vector<8x128xf32>
      %add3A_453 = arith.addf %add3A_452, %get3A_425 : vector<8x128xf32>
      %sub3A_454 = arith.subf %add3A_453, %mul3A_451 : vector<8x128xf32>
      %add3A_455 = arith.constant 9.99999993E-9 : f32
      %add3A_456 = vector.broadcast %add3A_455 : f32 to vector<8x128xf32>
      %add3A_457 = arith.addf %sub3A_454, %add3A_456 : vector<8x128xf32>
      %div3A_458 = arith.divf %mul3A_451, %add3A_457 : vector<8x128xf32>
      %gt3A_459 = arith.constant 3.000000e-01 : f32
      %gt3A_460 = vector.broadcast %gt3A_459 : f32 to vector<8x128xf32>
      %gt3A_461 = arith.cmpf ogt, %div3A_458, %gt3A_460 : vector<8x128xf32>
      %jit3A_462 = arith.constant 0xFF800000 : f32
      %broadcast_in_dim3A_463 = vector.broadcast %jit3A_462 : f32 to vector<8x128xf32>
      %select_n3A_464 = arith.select %gt3A_461, %broadcast_in_dim3A_463, %get3A_404 : vector<8x128xi1>, vector<8x128xf32>
      %swap3A_465 = arith.constant 24 : index
      %swap3A_466 = arith.constant 0 : index
      %swap3A_467 = vector.load %arg8[%swap3A_465, %swap3A_466] : memref<48x128xf32, #tpu.memory_space<vmem>>, vector<8x128xf32>
      tpu.vector_store %arg8[%swap3A_465, %swap3A_466], %select_n3A_464 {strides = array<i32>} : memref<48x128xf32, #tpu.memory_space<vmem>>, vector<8x128xf32>,
      %add3A_468 = arith.constant 3072 : i32
      %add3A_469 = vector.broadcast %add3A_468 : i32 to vector<8x128xi32>
      %add3A_470 = arith.addi %add3A_39, %add3A_469 : vector<8x128xi32>
      %max3A_471 = arith.maximumf %select_n3A_323, %select_n3A_464 : vector<8x128xf32>
      %ge3A_472 = arith.cmpf oge, %select_n3A_323, %select_n3A_464 : vector<8x128xf32>
      %select_n3A_473 = arith.select %ge3A_472, %add3A_329, %add3A_470 : vector<8x128xi1>, vector<8x128xi32>
      %get3A_474 = arith.constant 32 : index
      %get3A_475 = arith.constant 0 : index
      %get3A_476 = vector.load %arg8[%get3A_474, %get3A_475] : memref<48x128xf32, #tpu.memory_space<vmem>>, vector<8x128xf32>
      %get3A_477 = arith.constant 32 : index
      %get3A_478 = arith.constant 0 : index
      %get3A_479 = vector.load %arg1[%get3A_477, %get3A_478] : memref<48x128xf32, #tpu.memory_space<vmem>>, vector<8x128xf32>
      %get3A_480 = arith.constant 32 : index
      %get3A_481 = arith.constant 0 : index
      %get3A_482 = vector.load %arg2[%get3A_480, %get3A_481] : memref<48x128xf32, #tpu.memory_space<vmem>>, vector<8x128xf32>
      %get3A_483 = arith.constant 32 : index
      %get3A_484 = arith.constant 0 : index
      %get3A_485 = vector.load %arg3[%get3A_483, %get3A_484] : memref<48x128xf32, #tpu.memory_space<vmem>>, vector<8x128xf32>
      %get3A_486 = arith.constant 32 : index
      %get3A_487 = arith.constant 0 : index
      %get3A_488 = vector.load %arg4[%get3A_486, %get3A_487] : memref<48x128xf32, #tpu.memory_space<vmem>>, vector<8x128xf32>
      %get3A_489 = arith.constant 32 : index
      %get3A_490 = arith.constant 0 : index
      %get3A_491 = vector.load %arg5[%get3A_489, %get3A_490] : memref<48x128xf32, #tpu.memory_space<vmem>>, vector<8x128xf32>
      %get3A_492 = arith.constant 32 : index
      %get3A_493 = arith.constant 0 : index
      %get3A_494 = vector.load %arg6[%get3A_492, %get3A_493] : memref<48x128xf32, #tpu.memory_space<vmem>>, vector<8x128xf32>
      %get3A_495 = arith.constant 32 : index
      %get3A_496 = arith.constant 0 : index
      %get3A_497 = vector.load %arg9[%get3A_495, %get3A_496] : memref<48x128xf32, #tpu.memory_space<vmem>>, vector<8x128xf32>
      %min3A_498 = vector.broadcast %broadcast_in_dim3A_170 : vector<1x1xf32> to vector<8x128xf32>
      %min3A_499 = arith.minimumf %min3A_498, %get3A_488 : vector<8x128xf32>
      %max3A_500 = vector.broadcast %broadcast_in_dim3A_143 : vector<1x1xf32> to vector<8x128xf32>
      %max3A_501 = arith.maximumf %max3A_500, %get3A_479 : vector<8x128xf32>
      %sub3A_502 = arith.subf %min3A_499, %max3A_501 : vector<8x128xf32>
      %max3A_503 = arith.constant 0.000000e+00 : f32
      %max3A_504 = vector.broadcast %max3A_503 : f32 to vector<8x128xf32>
      %max3A_505 = arith.maximumf %sub3A_502, %max3A_504 : vector<8x128xf32>
      %min3A_506 = vector.broadcast %broadcast_in_dim3A_179 : vector<1x1xf32> to vector<8x128xf32>
      %min3A_507 = arith.minimumf %min3A_506, %get3A_491 : vector<8x128xf32>
      %max3A_508 = vector.broadcast %broadcast_in_dim3A_152 : vector<1x1xf32> to vector<8x128xf32>
      %max3A_509 = arith.maximumf %max3A_508, %get3A_482 : vector<8x128xf32>
      %sub3A_510 = arith.subf %min3A_507, %max3A_509 : vector<8x128xf32>
      %max3A_511 = arith.constant 0.000000e+00 : f32
      %max3A_512 = vector.broadcast %max3A_511 : f32 to vector<8x128xf32>
      %max3A_513 = arith.maximumf %sub3A_510, %max3A_512 : vector<8x128xf32>
      %mul3A_514 = arith.mulf %max3A_505, %max3A_513 : vector<8x128xf32>
      %min3A_515 = vector.broadcast %broadcast_in_dim3A_188 : vector<1x1xf32> to vector<8x128xf32>
      %min3A_516 = arith.minimumf %min3A_515, %get3A_494 : vector<8x128xf32>
      %max3A_517 = vector.broadcast %broadcast_in_dim3A_161 : vector<1x1xf32> to vector<8x128xf32>
      %max3A_518 = arith.maximumf %max3A_517, %get3A_485 : vector<8x128xf32>
      %sub3A_519 = arith.subf %min3A_516, %max3A_518 : vector<8x128xf32>
      %max3A_520 = arith.constant 0.000000e+00 : f32
      %max3A_521 = vector.broadcast %max3A_520 : f32 to vector<8x128xf32>
      %max3A_522 = arith.maximumf %sub3A_519, %max3A_521 : vector<8x128xf32>
      %mul3A_523 = arith.mulf %mul3A_514, %max3A_522 : vector<8x128xf32>
      %add3A_524 = vector.broadcast %mul3A_193 : vector<1x1xf32> to vector<8x128xf32>
      %add3A_525 = arith.addf %add3A_524, %get3A_497 : vector<8x128xf32>
      %sub3A_526 = arith.subf %add3A_525, %mul3A_523 : vector<8x128xf32>
      %add3A_527 = arith.constant 9.99999993E-9 : f32
      %add3A_528 = vector.broadcast %add3A_527 : f32 to vector<8x128xf32>
      %add3A_529 = arith.addf %sub3A_526, %add3A_528 : vector<8x128xf32>
      %div3A_530 = arith.divf %mul3A_523, %add3A_529 : vector<8x128xf32>
      %gt3A_531 = arith.constant 3.000000e-01 : f32
      %gt3A_532 = vector.broadcast %gt3A_531 : f32 to vector<8x128xf32>
      %gt3A_533 = arith.cmpf ogt, %div3A_530, %gt3A_532 : vector<8x128xf32>
      %jit3A_534 = arith.constant 0xFF800000 : f32
      %broadcast_in_dim3A_535 = vector.broadcast %jit3A_534 : f32 to vector<8x128xf32>
      %select_n3A_536 = arith.select %gt3A_533, %broadcast_in_dim3A_535, %get3A_476 : vector<8x128xi1>, vector<8x128xf32>
      %swap3A_537 = arith.constant 32 : index
      %swap3A_538 = arith.constant 0 : index
      %swap3A_539 = vector.load %arg8[%swap3A_537, %swap3A_538] : memref<48x128xf32, #tpu.memory_space<vmem>>, vector<8x128xf32>
      tpu.vector_store %arg8[%swap3A_537, %swap3A_538], %select_n3A_536 {strides = array<i32>} : memref<48x128xf32, #tpu.memory_space<vmem>>, vector<8x128xf32>,
      %add3A_540 = arith.constant 4096 : i32
      %add3A_541 = vector.broadcast %add3A_540 : i32 to vector<8x128xi32>
      %add3A_542 = arith.addi %add3A_39, %add3A_541 : vector<8x128xi32>
      %max3A_543 = arith.maximumf %max3A_399, %select_n3A_536 : vector<8x128xf32>
      %ge3A_544 = arith.cmpf oge, %max3A_399, %select_n3A_536 : vector<8x128xf32>
      %select_n3A_545 = arith.select %ge3A_544, %select_n3A_401, %add3A_542 : vector<8x128xi1>, vector<8x128xi32>
      %get3A_546 = arith.constant 40 : index
      %get3A_547 = arith.constant 0 : index
      %get3A_548 = vector.load %arg8[%get3A_546, %get3A_547] : memref<48x128xf32, #tpu.memory_space<vmem>>, vector<8x128xf32>
      %get3A_549 = arith.constant 40 : index
      %get3A_550 = arith.constant 0 : index
      %get3A_551 = vector.load %arg1[%get3A_549, %get3A_550] : memref<48x128xf32, #tpu.memory_space<vmem>>, vector<8x128xf32>
      %get3A_552 = arith.constant 40 : index
      %get3A_553 = arith.constant 0 : index
      %get3A_554 = vector.load %arg2[%get3A_552, %get3A_553] : memref<48x128xf32, #tpu.memory_space<vmem>>, vector<8x128xf32>
      %get3A_555 = arith.constant 40 : index
      %get3A_556 = arith.constant 0 : index
      %get3A_557 = vector.load %arg3[%get3A_555, %get3A_556] : memref<48x128xf32, #tpu.memory_space<vmem>>, vector<8x128xf32>
      %get3A_558 = arith.constant 40 : index
      %get3A_559 = arith.constant 0 : index
      %get3A_560 = vector.load %arg4[%get3A_558, %get3A_559] : memref<48x128xf32, #tpu.memory_space<vmem>>, vector<8x128xf32>
      %get3A_561 = arith.constant 40 : index
      %get3A_562 = arith.constant 0 : index
      %get3A_563 = vector.load %arg5[%get3A_561, %get3A_562] : memref<48x128xf32, #tpu.memory_space<vmem>>, vector<8x128xf32>
      %get3A_564 = arith.constant 40 : index
      %get3A_565 = arith.constant 0 : index
      %get3A_566 = vector.load %arg6[%get3A_564, %get3A_565] : memref<48x128xf32, #tpu.memory_space<vmem>>, vector<8x128xf32>
      %get3A_567 = arith.constant 40 : index
      %get3A_568 = arith.constant 0 : index
      %get3A_569 = vector.load %arg9[%get3A_567, %get3A_568] : memref<48x128xf32, #tpu.memory_space<vmem>>, vector<8x128xf32>
      %min3A_570 = vector.broadcast %broadcast_in_dim3A_170 : vector<1x1xf32> to vector<8x128xf32>
      %min3A_571 = arith.minimumf %min3A_570, %get3A_560 : vector<8x128xf32>
      %max3A_572 = vector.broadcast %broadcast_in_dim3A_143 : vector<1x1xf32> to vector<8x128xf32>
      %max3A_573 = arith.maximumf %max3A_572, %get3A_551 : vector<8x128xf32>
      %sub3A_574 = arith.subf %min3A_571, %max3A_573 : vector<8x128xf32>
      %max3A_575 = arith.constant 0.000000e+00 : f32
      %max3A_576 = vector.broadcast %max3A_575 : f32 to vector<8x128xf32>
      %max3A_577 = arith.maximumf %sub3A_574, %max3A_576 : vector<8x128xf32>
      %min3A_578 = vector.broadcast %broadcast_in_dim3A_179 : vector<1x1xf32> to vector<8x128xf32>
      %min3A_579 = arith.minimumf %min3A_578, %get3A_563 : vector<8x128xf32>
      %max3A_580 = vector.broadcast %broadcast_in_dim3A_152 : vector<1x1xf32> to vector<8x128xf32>
      %max3A_581 = arith.maximumf %max3A_580, %get3A_554 : vector<8x128xf32>
      %sub3A_582 = arith.subf %min3A_579, %max3A_581 : vector<8x128xf32>
      %max3A_583 = arith.constant 0.000000e+00 : f32
      %max3A_584 = vector.broadcast %max3A_583 : f32 to vector<8x128xf32>
      %max3A_585 = arith.maximumf %sub3A_582, %max3A_584 : vector<8x128xf32>
      %mul3A_586 = arith.mulf %max3A_577, %max3A_585 : vector<8x128xf32>
      %min3A_587 = vector.broadcast %broadcast_in_dim3A_188 : vector<1x1xf32> to vector<8x128xf32>
      %min3A_588 = arith.minimumf %min3A_587, %get3A_566 : vector<8x128xf32>
      %max3A_589 = vector.broadcast %broadcast_in_dim3A_161 : vector<1x1xf32> to vector<8x128xf32>
      %max3A_590 = arith.maximumf %max3A_589, %get3A_557 : vector<8x128xf32>
      %sub3A_591 = arith.subf %min3A_588, %max3A_590 : vector<8x128xf32>
      %max3A_592 = arith.constant 0.000000e+00 : f32
      %max3A_593 = vector.broadcast %max3A_592 : f32 to vector<8x128xf32>
      %max3A_594 = arith.maximumf %sub3A_591, %max3A_593 : vector<8x128xf32>
      %mul3A_595 = arith.mulf %mul3A_586, %max3A_594 : vector<8x128xf32>
      %add3A_596 = vector.broadcast %mul3A_193 : vector<1x1xf32> to vector<8x128xf32>
      %add3A_597 = arith.addf %add3A_596, %get3A_569 : vector<8x128xf32>
      %sub3A_598 = arith.subf %add3A_597, %mul3A_595 : vector<8x128xf32>
      %add3A_599 = arith.constant 9.99999993E-9 : f32
      %add3A_600 = vector.broadcast %add3A_599 : f32 to vector<8x128xf32>
      %add3A_601 = arith.addf %sub3A_598, %add3A_600 : vector<8x128xf32>
      %div3A_602 = arith.divf %mul3A_595, %add3A_601 : vector<8x128xf32>
      %gt3A_603 = arith.constant 3.000000e-01 : f32
      %gt3A_604 = vector.broadcast %gt3A_603 : f32 to vector<8x128xf32>
      %gt3A_605 = arith.cmpf ogt, %div3A_602, %gt3A_604 : vector<8x128xf32>
      %jit3A_606 = arith.constant 0xFF800000 : f32
      %broadcast_in_dim3A_607 = vector.broadcast %jit3A_606 : f32 to vector<8x128xf32>
      %select_n3A_608 = arith.select %gt3A_605, %broadcast_in_dim3A_607, %get3A_548 : vector<8x128xi1>, vector<8x128xf32>
      %swap3A_609 = arith.constant 40 : index
      %swap3A_610 = arith.constant 0 : index
      %swap3A_611 = vector.load %arg8[%swap3A_609, %swap3A_610] : memref<48x128xf32, #tpu.memory_space<vmem>>, vector<8x128xf32>
      tpu.vector_store %arg8[%swap3A_609, %swap3A_610], %select_n3A_608 {strides = array<i32>} : memref<48x128xf32, #tpu.memory_space<vmem>>, vector<8x128xf32>,
      %add3A_612 = arith.constant 5120 : i32
      %add3A_613 = vector.broadcast %add3A_612 : i32 to vector<8x128xi32>
      %add3A_614 = arith.addi %add3A_39, %add3A_613 : vector<8x128xi32>
      %max3A_615 = arith.maximumf %max3A_471, %select_n3A_608 : vector<8x128xf32>
      %ge3A_616 = arith.cmpf oge, %max3A_471, %select_n3A_608 : vector<8x128xf32>
      %select_n3A_617 = arith.select %ge3A_616, %select_n3A_473, %add3A_614 : vector<8x128xi1>, vector<8x128xi32>
      %broadcast_in_dim3A_618 = arith.constant 0.000000e+00 : f32
      %broadcast_in_dim3A_619 = vector.broadcast %broadcast_in_dim3A_618 : f32 to vector<1x128xf32>
      %eq3A_620 = arith.constant 0 : i32
      %eq3A_621 = vector.broadcast %eq3A_620 : i32 to vector<1x128xi32>
      %eq3A_622 = arith.cmpi eq, %iota3A_40, %eq3A_621 : vector<1x128xi32>
      %broadcast_in_dim3A_623 = vector.shape_cast %broadcast_in_dim3A_143 : vector<1x1xf32> to vector<1x1xf32>
      %broadcast_in_dim3A_624 = vector.broadcast %broadcast_in_dim3A_623 : vector<1x1xf32> to vector<1x128xf32>
      %select_n3A_625 = arith.select %eq3A_622, %broadcast_in_dim3A_624, %broadcast_in_dim3A_619 : vector<1x128xi1>, vector<1x128xf32>
      %eq3A_626 = arith.constant 1 : i32
      %eq3A_627 = vector.broadcast %eq3A_626 : i32 to vector<1x128xi32>
      %eq3A_628 = arith.cmpi eq, %iota3A_40, %eq3A_627 : vector<1x128xi32>
      %broadcast_in_dim3A_629 = vector.shape_cast %broadcast_in_dim3A_152 : vector<1x1xf32> to vector<1x1xf32>
      %broadcast_in_dim3A_630 = vector.broadcast %broadcast_in_dim3A_629 : vector<1x1xf32> to vector<1x128xf32>
      %select_n3A_631 = arith.select %eq3A_628, %broadcast_in_dim3A_630, %select_n3A_625 : vector<1x128xi1>, vector<1x128xf32>
      %eq3A_632 = arith.constant 2 : i32
      %eq3A_633 = vector.broadcast %eq3A_632 : i32 to vector<1x128xi32>
      %eq3A_634 = arith.cmpi eq, %iota3A_40, %eq3A_633 : vector<1x128xi32>
      %broadcast_in_dim3A_635 = vector.shape_cast %broadcast_in_dim3A_161 : vector<1x1xf32> to vector<1x1xf32>
      %broadcast_in_dim3A_636 = vector.broadcast %broadcast_in_dim3A_635 : vector<1x1xf32> to vector<1x128xf32>
      %select_n3A_637 = arith.select %eq3A_634, %broadcast_in_dim3A_636, %select_n3A_631 : vector<1x128xi1>, vector<1x128xf32>
      %eq3A_638 = arith.constant 3 : i32
      %eq3A_639 = vector.broadcast %eq3A_638 : i32 to vector<1x128xi32>
      %eq3A_640 = arith.cmpi eq, %iota3A_40, %eq3A_639 : vector<1x128xi32>
      %broadcast_in_dim3A_641 = vector.shape_cast %broadcast_in_dim3A_170 : vector<1x1xf32> to vector<1x1xf32>
      %broadcast_in_dim3A_642 = vector.broadcast %broadcast_in_dim3A_641 : vector<1x1xf32> to vector<1x128xf32>
      %select_n3A_643 = arith.select %eq3A_640, %broadcast_in_dim3A_642, %select_n3A_637 : vector<1x128xi1>, vector<1x128xf32>
      %eq3A_644 = arith.constant 4 : i32
      %eq3A_645 = vector.broadcast %eq3A_644 : i32 to vector<1x128xi32>
      %eq3A_646 = arith.cmpi eq, %iota3A_40, %eq3A_645 : vector<1x128xi32>
      %broadcast_in_dim3A_647 = vector.shape_cast %broadcast_in_dim3A_179 : vector<1x1xf32> to vector<1x1xf32>
      %broadcast_in_dim3A_648 = vector.broadcast %broadcast_in_dim3A_647 : vector<1x1xf32> to vector<1x128xf32>
      %select_n3A_649 = arith.select %eq3A_646, %broadcast_in_dim3A_648, %select_n3A_643 : vector<1x128xi1>, vector<1x128xf32>
      %eq3A_650 = arith.constant 5 : i32
      %eq3A_651 = vector.broadcast %eq3A_650 : i32 to vector<1x128xi32>
      %eq3A_652 = arith.cmpi eq, %iota3A_40, %eq3A_651 : vector<1x128xi32>
      %broadcast_in_dim3A_653 = vector.shape_cast %broadcast_in_dim3A_188 : vector<1x1xf32> to vector<1x1xf32>
      %broadcast_in_dim3A_654 = vector.broadcast %broadcast_in_dim3A_653 : vector<1x1xf32> to vector<1x128xf32>
      %select_n3A_655 = arith.select %eq3A_652, %broadcast_in_dim3A_654, %select_n3A_649 : vector<1x128xi1>, vector<1x128xf32>
      %eq3A_656 = arith.constant 6 : i32
      %eq3A_657 = vector.broadcast %eq3A_656 : i32 to vector<1x128xi32>
      %eq3A_658 = arith.cmpi eq, %iota3A_40, %eq3A_657 : vector<1x128xi32>
      %broadcast_in_dim3A_659 = vector.broadcast %select_n3A_129 : f32 to vector<1x128xf32>
      %select_n3A_660 = arith.select %eq3A_658, %broadcast_in_dim3A_659, %select_n3A_655 : vector<1x128xi1>, vector<1x128xf32>
      %swap3A_661 = arith.index_cast %scan3A_109 : i32 to index
      %swap3A_662 = arith.constant 0 : index
      %swap3A_663 = vector.load %arg7[%swap3A_661, %swap3A_662] : memref<304x128xf32, #tpu.memory_space<vmem>>, vector<1x128xf32>
      tpu.vector_store %arg7[%swap3A_661, %swap3A_662], %select_n3A_660 {strides = array<i32>} : memref<304x128xf32, #tpu.memory_space<vmem>>, vector<1x128xf32>,
      %gt3A_664 = arith.cmpf ogt, %max3A_543, %max3A_615 : vector<8x128xf32>
      %eq3A_665 = arith.cmpf oeq, %max3A_543, %max3A_615 : vector<8x128xf32>
      %lt3A_666 = arith.cmpi slt, %select_n3A_545, %select_n3A_617 : vector<8x128xi32>
      %and3A_667 = arith.andi %eq3A_665, %lt3A_666 : vector<8x128xi1>
      %or3A_668 = arith.ori %gt3A_664, %and3A_667 : vector<8x128xi1>
      %select_n3A_669 = arith.select %or3A_668, %max3A_543, %max3A_615 : vector<8x128xi1>, vector<8x128xf32>
      %select_n3A_670 = arith.select %or3A_668, %select_n3A_545, %select_n3A_617 : vector<8x128xi1>, vector<8x128xi32>
      scf.yield %select_n3A_669, %select_n3A_670 : vector<8x128xf32>, vector<8x128xi32>
    }
    %scan3A_108 = arith.constant 300 : i32
    return
  }
}

</mosaic_0001>

<sc_bundles>
// kernel: kernel.5.cloned.1.call-start
scs
__scs_entry_jumppad:
0x0: {  	(pc) =	sbr.rel $0x88, $3  }
0x1: {  	(tag) =	ssettag $0x0;
	lr =	simm.s32 $0x1  }
0x2: {  	[smem:$0x3F9F] =	sst lr;
	_ =	strace $0xD0000000  }
0x3: {  	_ = 	snop  }
0x4: {  	_ = 	snop  }
0x5: {  	_ = 	snop  }
0x6: {  	_ = 	snop  }
0x7: {  	_ = 	snop  }
__scs_overlays_trampoline_lowered:
0x8: {  	[smem:$0x3FAE] =	sst s0  }
0x9: {  	[smem:$0x3FAF] =	sst s1  }
0xa: {  	[smem:$0x3FB0] =	sst s2  }
0xb: {  	[smem:$0x3FB1] =	sst s3  }
0xc: {  	[smem:$0x3FB2] =	sst s4  }
0xd: {  	[smem:$0x3FB3] =	sst s5  }
0xe: {  	[smem:$0x3FB4] =	sst s6  }
0xf: {  	[smem:$0x3FB5] =	sst s7  }
0x10: {  	[smem:$0x3FB6] =	sst s8  }
0x11: {  	[smem:$0x3FB7] =	sst s9;
	s0 =	simm.s32 @!p0 $0x0  }
0x12: {  	s1 =	sld [smem:$0x3F9D];
	s0 =	simm.s32 @p0 $0x1  }
0x13: {  	[smem:$0x3FB8] =	sst s0;
	s0 =	simm.s32 @!p1 $0x0  }
0x14: {  	s2 =	sld [smem:$0x3F9C];
	s0 =	simm.s32 @p1 $0x1  }
0x15: {  	[smem:$0x3FB9] =	sst s0;
	s0 =	simm.s32 @!p2 $0x0  }
0x16: {  	s3 =	sld [smem:$0x3FDB];
	s0 =	simm.s32 @p2 $0x1  }
0x17: {  	s4 =	simm.s32 $0x1BF5;
	[smem:$0x3FBB] =	sst s0  }
0x18: {  	s0 =	sld [smem:$0x3F9E];
	_ =	swait.ge [sflag:s4], $0x0  }
0x19: {  	s7 =	sld [smem:$0x3F9F]  }
0x1a: {  	s8 =	sadd.s32 $0xFFFFE003, lr  }
0x1b: {  	s9 =	sadd.s32 $0xFFFFFEF7, lr;
	s5 =	simm.s32 $0xFFFFFFFF;
	p2 =	slt.u32 s8, $0xFFFFF086  }
0x1c: {  	p1 =	slt.u32 s9, $0xF7A;
	s5 =	simm.s32 @!p2 $0x0  }
0x1d: {  	s5 =	simm.s32 @p1 $0x1;
	p0 =	seq.s32 s7, s2  }
0x1e: {  	s7 =	smul.u32 @!p0 $0xF7A, s2;
	p2 =	seq.s32 @!p0 s5, $0x0  }
0x1f: {  	s9 =	smul.u32 $0xF7A, s1;
	s8 =	simm.s32 @!p0 $0x1BF5;
	p2 =	por !p2, p0  }
0x20: {  	[sflag:s8] =	ssyncset.s32 @!p0 $0xFFFFF086;
	s6 =	sadd.s32 @!p0 s3, s7;
	s7 =	simm.s32 @!p0 $0x108  }
0x21: {  	s3 =	sadd.s32 s3, s9;
	s6 =	sadd.s32 @!p0 $0x88, s6;
	s7 =	simm.s32 @p2 $0x1082  }
0x22: {  	[simem:s7], [sflag:s8] =	dma.local @!p0 [hbm:s6], $0xF7A  }
0x23: {  	s9 =	sor.u32 $0xD0000000, s2;
	s6 =	simm.s32 $0x108;
	_ =	swait.ge @!p0 [sflag:s8], $0x0  }
0x24: {  	s3 =	sadd.s32 $0x88, s3;
	s6 =	simm.s32 @!p1 $0x1082;
	[sflag:s4] =	ssyncset.s32 $0xFFFFF086  }
0x25: {  	[simem:s6], [sflag:s4] =	dma.local [hbm:s3], $0xF7A  }
0x26: {  	[smem:$0x3F9F] =	sst s1;
	(tag) =	ssettag s2;
	_ =	strace s9  }
0x27: {  	s1 =	sld [smem:$0x3FAF]  }
0x28: {  	s2 =	sld [smem:$0x3FB0]  }
0x29: {  	s4 =	sld [smem:$0x3FB2]  }
0x2a: {  	p0 =	seq.s32 s5, $0x0;
	s5 =	sld [smem:$0x3FB3]  }
0x2b: {  	s6 =	sld [smem:$0x3FB4]  }
0x2c: {  	s7 =	sld [smem:$0x3FB5]  }
0x2d: {  	s3 =	simm.s32 $0x108;
	s8 =	sld [smem:$0x3FB6]  }
0x2e: {  	s3 =	simm.s32 @!p0 $0x1082;
	s9 =	sld [smem:$0x3FB7]  }
0x2f: {  	lr =	sadd.s32 s0, s3;
	s0 =	sld [smem:$0x3FAE]  }
0x30: {  	s3 =	sld [smem:$0x3FB1]  }
0x31: {  	[smem:$0x3FBA] =	sst s10  }
0x32: {  	s10 =	sld [smem:$0x3FB8];
	_ =	sdelay $0x3  }
0x33: {  	p0 =	seq.s32 s10, $0x1;
	s10 =	sld [smem:$0x3FBA];
	_ =	sdelay $0x3  }
0x34: {  	[smem:$0x3FBA] =	sst s10  }
0x35: {  	s10 =	sld [smem:$0x3FB9];
	_ =	sdelay $0x3  }
0x36: {  	p1 =	seq.s32 s10, $0x1;
	s10 =	sld [smem:$0x3FBA];
	_ =	sdelay $0x3  }
0x37: {  	[smem:$0x3FBA] =	sst s10  }
0x38: {  	s10 =	sld [smem:$0x3FBB]  }
0x39: {  	_ = 	snop;
	(pc) =	sbr.ind lr, $3  }
0x3a: {  	_ = 	snop  }
0x3b: {  	_ = 	snop  }
0x3c: {  	p2 =	seq.s32 s10, $0x1;
	s10 =	sld [smem:$0x3FBA]  }
0x3d: {  	_ =	shalt  }
0x3e: {  	_ =	shalt  }
0x3f: {  	_ =	shalt  }
0x40: {  	_ =	shalt  }
0x41: {  	_ =	shalt  }
0x42: {  	_ =	shalt  }
0x43: {  	_ =	shalt  }
0x44: {  	_ =	shalt  }
0x45: {  	_ =	shalt  }
0x46: {  	_ =	shalt  }
0x47: {  	_ =	shalt  }
0x48: {  	_ =	shalt  }
0x49: {  	_ =	shalt  }
0x4a: {  	_ =	shalt  }
0x4b: {  	_ =	shalt  }
0x4c: {  	_ =	shalt  }
0x4d: {  	_ =	shalt  }
0x4e: {  	_ =	shalt  }
0x4f: {  	_ =	shalt  }
0x50: {  	_ =	shalt  }
0x51: {  	_ =	shalt  }
0x52: {  	_ =	shalt  }
0x53: {  	_ =	shalt  }
0x54: {  	_ =	shalt  }
0x55: {  	_ =	shalt  }
0x56: {  	_ =	shalt  }
0x57: {  	_ =	shalt  }
0x58: {  	_ =	shalt  }
0x59: {  	_ =	shalt  }
0x5a: {  	_ =	shalt  }
0x5b: {  	_ =	shalt  }
0x5c: {  	_ =	shalt  }
0x5d: {  	_ =	shalt  }
0x5e: {  	_ =	shalt  }
0x5f: {  	_ =	shalt  }
0x60: {  	_ =	shalt  }
0x61: {  	_ =	shalt  }
0x62: {  	_ =	shalt  }
0x63: {  	_ =	shalt  }
0x64: {  	_ =	shalt  }
0x65: {  	_ =	shalt  }
0x66: {  	_ =	shalt  }
0x67: {  	_ =	shalt  }
0x68: {  	_ =	shalt  }
0x69: {  	_ =	shalt  }
0x6a: {  	_ =	shalt  }
0x6b: {  	_ =	shalt  }
0x6c: {  	_ =	shalt  }
0x6d: {  	_ =	shalt  }
0x6e: {  	_ =	shalt  }
0x6f: {  	_ =	shalt  }
0x70: {  	_ =	shalt  }
0x71: {  	_ =	shalt  }
0x72: {  	_ =	shalt  }
0x73: {  	_ =	shalt  }
0x74: {  	_ =	shalt  }
0x75: {  	_ =	shalt  }
0x76: {  	_ =	shalt  }
0x77: {  	_ =	shalt  }
0x78: {  	_ =	shalt  }
0x79: {  	_ =	shalt  }
0x7a: {  	_ =	shalt  }
0x7b: {  	_ =	shalt  }
0x7c: {  	_ =	shalt  }
0x7d: {  	_ =	shalt  }
0x7e: {  	_ =	shalt  }
0x7f: {  	_ =	shalt  }
0x80: {  	_ =	shalt  }
0x81: {  	_ =	shalt  }
0x82: {  	_ =	shalt  }
0x83: {  	_ =	shalt  }
0x84: {  	_ =	shalt  }
0x85: {  	_ =	shalt  }
0x86: {  	_ =	shalt  }
0x87: {  	_ =	shalt  }
.Lfunc_end0:
.L_simem_size_0:
called_computation_lowered:
.L_overlay_start_0:
0x88: {  	s2 =	sld [smem:$0x3FD9]  }
0x89: {  	s3 =	sld [smem:$0x3FFE];
	_ =	sdelay $0x1  }
0x8a: {  	s1 =	srdreg.scid  }
0x8b: {  	s0 =	sand.u32 $0x1, s1  }
0x8c: {  	s16 =	sshll.u32 s0, $0xA;
	s2 =	sadd.s32 s3, s2  }
0x8d: {  	s2 =	sadd.s32 s2, s16  }
0x8e: {  	[smem:$0x3FC6] =	sst s2  }
0x8f: {  	_ = 	snop  }
0x90: {  	(tm) =	ssettm $0x1  }
0x91: {  	s17 =	sld [smem:$0x3FFB];
	_ =	sdelay $0x3  }
0x92: {  	_ =	strace s17  }
0x93: {  	s2 =	sld [smem:$0x3FFC];
	_ =	sdelay $0x3  }
0x94: {  	_ =	strace s2  }
0x95: {  	s2 =	sld [smem:$0x3FFD];
	_ =	sdelay $0x3  }
0x96: {  	_ =	strace s2  }
0x97: {  	_ =	strace $0x8FFFFFFF  }
0x98: {  	s18 =	sld [smem:$0x3FDB];
	_ =	sdelay $0x1  }
0x99: {  	s19 =	simm.s32 $_scs_section_size  }
0x9a: {  	s4 =	simm.s32 $_size__tile_overlayer_lowered;
	s5 =	simm.s32 $_tile_overlayer_lowered  }
0x9b: {  	s22 =	simm.s32 $0x1BFF;
	s21 =	sshll.u32 s5, $0x1;
	s2 =	sadd.s32 s19, s18  }
0x9c: {  	s6 =	simm.s32 $0x0;
	s20 =	sshll.u32 s4, $0x1;
	s4 =	sadd.s32 s21, s2  }
0x9d: {  	[timem:s6], [sflag:s22] =	dma.local [hbm:s4], s20  }
0x9e: {  	_ =	swait.ge [sflag:s22], s20  }
0x9f: {  	s3 =	ssub.s32 $0x0, s20;
	[sflag:s22] =	ssyncset.done $0x0  }
0xa0: {  	[sflag:s22] =	ssyncadd.s32 s3;
	_ =	sdelay $0x1  }
0xa1: {  	s23 =	simm.s32 $0x1B8B  }
0xa2: {  	_ =	swait.ge [sflag:s23], $0x1  }
0xa3: {  	[sflag:s23] =	ssyncset.done $0x0  }
0xa4: {  	s25 =	simm.s32 $0x1B8E;
	s24 =	sld [smem:$0x3FFE];
	[sflag:s23] =	ssyncadd.s32 $0xFFFFFFFF  }
0xa5: {  	s26 =	simm.s32 $execute0_lowered;
	[smem:$0x3FD2] =	sst s25  }
0xa6: {  	s4 =	sshll.u32 s26, $0x1;
	_ =	strace $0x80000046;
	[dreg:$0x1] =	wrdreg $0xFFFFFFFF  }
0xa7: {  	s28 =	simm.s32 $_size_execute0_lowered;
	s2 =	sadd.s32 s2, s4;
	[dreg:$0x0] =	wrdreg $0x0  }
0xa8: {  	s4 =	sshll.u32 s28, $0x1;
	[dreg:$0x2] =	wrdreg s2  }
0xa9: {  	[dreg:$0x3] =	wrdreg s4  }
0xaa: {  	[dreg:$0x4] =	wrdreg $0xC0  }
0xab: {  	_ =	task [dreg:s6], $0x5FFFF  }
0xac: {  	[dreg:$0x1] =	wrdreg $0xFFFFFFFF  }
0xad: {  	[dreg:$0x0] =	wrdreg $0x60  }
0xae: {  	[dreg:$0x2] =	wrdreg s24  }
0xaf: {  	[dreg:$0x3] =	wrdreg $0x28000  }
0xb0: {  	[dreg:$0x4] =	wrdreg $0x2E800  }
0xb1: {  	[dreg:$0x5] =	wrdreg $0x35000  }
0xb2: {  	[dreg:$0x6] =	wrdreg $0x3B800  }
0xb3: {  	[dreg:$0x7] =	wrdreg $0x42000  }
0xb4: {  	[dreg:$0x8] =	wrdreg $0x48800  }
0xb5: {  	[dreg:$0x9] =	wrdreg $0x4F000  }
0xb6: {  	[dreg:$0xa] =	wrdreg $0x9  }
0xb7: {  	_ =	task.clear_ibuf [dreg:s6], $0xBFFFF;
	_ =	strace $0x90000046  }
0xb8: {  	s29 =	simm.s32 $0x9;
	_ =	strace $0x80000048  }
0xb9: {  	_ =	swait.ge [sflag:s29], $0x1  }
0xba: {  	[sflag:s29] =	ssyncadd.s32 $0xFFFFFFFF  }
0xbb: {  	_ =	strace $0x90000048  }
0xbc: {  	_ =	sfence  }
0xbd: {  	s30 =	sld [smem:$0x0];
	_ =	sdelay $0x2  }
0xbe: {  	s31 =	sshll.u32 s1, $0xD;
	s1 =	sshrl.u32 s1, $0x2  }
0xbf: {  	s3 =	sand.u32 $0x4000, s31;
	s1 =	sadd.s32 s1, s30  }
0xc0: {  	s0 =	sor.u32 s3, s0;
	s1 =	sshll.u32 s1, $0x11  }
0xc1: {  	s0 =	sor.u32 s1, s0  }
0xc2: {  	s0 =	sadd.s32 $0x8F2B, s0  }
0xc3: {  	[sflag:s0] =	ssyncadd.remote.s32 $0x1  }
0xc4: {  	_ =	sfence.sel $0xFFFF  }
0xc5: {  	[dreg:$0x0] =	wrdreg $0xFFFFFFFF;
	(pc) =	sbr.abs _section_cstart, $3  }
0xc6: {  	[dreg:$0x1] =	wrdreg $0xFFFFFFFF  }
0xc7: {  	_ =	task.clear_ibuf [dreg:s6], $0x2FFFF;
	_ =	strace $0x9FFFFFFF  }
0xc8: {  	(tm) =	ssettm $0x7FFFFFFF  }
0xc9: {  	_ =	shalt  }
tec
execute0_lowered:
.L_overlay_start_1:
0x0: {  	(tag) =	ssettag $0x1  }
0x1: {  	s1 =	rddreg [dreg:$0x0]  }
0x2: {  	s0 =	rddreg [dreg:$0x1]  }
0x3: {  	s2 =	rddreg [dreg:$0x2]  }
0x4: {  	s3 =	rddreg [dreg:$0x3];
	s11 =	stileid.u32  }
0x5: {  	s4 =	rddreg [dreg:$0x4];
	s5 =	smul.u32 $0x500, s11  }
0x6: {  	s6 =	rddreg [dreg:$0x5]  }
0x7: {  	s7 =	rddreg [dreg:$0x6];
	s5 =	sshrl.u32 s5, $0x3  }
0x8: {  	s8 =	rddreg [dreg:$0x7];
	s9 =	simm.s32 $0x0;
	s5 =	sadd.s32 s5, s1  }
0x9: {  	[smem:$0x7FF] =	sst s9;
	s15 =	sadd.s32 $0x6400, s5  }
0xa: {  	_ =	strace $0x80000047;
	s16 =	sadd.s32 $0x6410, s5;
	[dreg:$0x9] =	wrdreg s15  }
0xb: {  	s17 =	sadd.s32 $0x6420, s5;
	[dreg:$0xa] =	wrdreg s16  }
0xc: {  	s18 =	sadd.s32 $0x6430, s5;
	[dreg:$0xb] =	wrdreg s17  }
0xd: {  	s19 =	sadd.s32 $0x6440, s5;
	[dreg:$0xc] =	wrdreg s18  }
0xe: {  	s10 =	srdreg.scid;
	s20 =	sadd.s32 $0x6450, s5;
	[dreg:$0xd] =	wrdreg s19  }
0xf: {  	s28 =	simm.s32 $0x2700;
	s21 =	sadd.s32 $0x6460, s5;
	[dreg:$0xe] =	wrdreg s20  }
0x10: {  	s29 =	simm.s32 $0x2780;
	s22 =	sadd.s32 $0x6470, s5;
	[dreg:$0xf] =	wrdreg s21  }
0x11: {  	s11 =	smul.u32 $0x180, s11;
	s23 =	sadd.s32 $0x6480, s5;
	[dreg:$0x10] =	wrdreg s22  }
0x12: {  	s10 =	sand.u32 $0x1, s10;
	s24 =	sadd.s32 $0x6490, s5;
	[dreg:$0x11] =	wrdreg s23  }
0x13: {  	s12 =	ssub.s32 $0x2, s10;
	s25 =	sadd.s32 $0x5000, s5;
	[dreg:$0x12] =	wrdreg s24  }
0x14: {  	p0 =	sne.s32 s10, $0x0;
	s26 =	sadd.s32 $0x4600, s5;
	[dreg:$0x13] =	wrdreg s25  }
0x15: {  	s13 =	sshrl.u32 s11, $0x3;
	s30 =	sadd.s32 $0x3C00, s5;
	[dreg:$0x14] =	wrdreg s26  }
0x16: {  	s14 =	sshrl.u32 s12, $0x1;
	s31 =	sadd.s32 $0x3200, s5;
	[dreg:$0x15] =	wrdreg s30  }
0x17: {  	s1 =	sadd.s32 s13, s1;
	s13 =	sadd.s32 $0x2800, s5;
	[dreg:$0x16] =	wrdreg s31  }
0x18: {  	s12 =	ssub.s32 s12, s14;
	s14 =	sadd.s32 $0x1E00, s5;
	[dreg:$0x17] =	wrdreg s13  }
0x19: {  	s10 =	simm.s32 $0x1900;
	s5 =	sadd.s32 $0x5A00, s5;
	[dreg:$0x18] =	wrdreg s14  }
0x1a: {  	[dreg:$0x19] =	wrdreg s5;
	s15 =	sadd.s32 $0x6E00, s1;
	s16 =	sadd.s32 $0x7200, s1  }
0x1b: {  	s17 =	sadd.s32 $0x7600, s1;
	s18 =	sadd.s32 $0x7A00, s1;
	[dreg:$0x1a] =	wrdreg s15  }
0x1c: {  	s19 =	sadd.s32 $0x7E00, s1;
	s20 =	sadd.s32 $0x8200, s1;
	[dreg:$0x1b] =	wrdreg s16  }
0x1d: {  	s1 =	sadd.s32 $0x8600, s1;
	s21 =	sadd.s32 s11, s0;
	[dreg:$0x1c] =	wrdreg s17  }
0x1e: {  	s22 =	sadd.s32 s11, s2;
	s23 =	sadd.s32 s11, s3;
	[dreg:$0x1d] =	wrdreg s18  }
0x1f: {  	s24 =	sadd.s32 s11, s4;
	s25 =	sadd.s32 s11, s6;
	[dreg:$0x1e] =	wrdreg s19  }
0x20: {  	s5 =	simm.s32 $0x1400;
	s13 =	simm.s32 $0x1;
	[dreg:$0x1f] =	wrdreg s20  }
0x21: {  	s14 =	simm.s32 $0x80;
	[smem:$0x7F9] =	sst s1;
	s17 =	sadd.s32 s11, s7  }
0x22: {  	s18 =	sadd.s32 s11, s8;
	s11 =	smax.u32 s12, $0x1;
	s1 =	sshrl.u32 s21, $0x3  }
0x23: {  	s26 =	sshrl.u32 s22, $0x3;
	s30 =	sshrl.u32 s23, $0x3;
	s31 =	sshrl.u32 s24, $0x3  }
0x24: {  	s16 =	sshrl.u32 s25, $0x3;
	s19 =	simm.s32 $0x2300;
	s20 =	simm.s32 $0x2380  }
.Ltmp0:
0x25: {  	s21 =	simm.s32 $0x2400;
	[smem:$0x7FA] =	sst s1;
	(pc) =	sbr.rel .LBB2_1-.Ltmp0, $4  }
0x26: {  	s22 =	simm.s32 $0x2480;
	s23 =	simm.s32 $0x2500;
	[smem:$0x7FB] =	sst s26  }
0x27: {  	s24 =	simm.s32 $0x2580;
	s25 =	simm.s32 $0x2600;
	[smem:$0x7FC] =	sst s30  }
0x28: {  	s12 =	simm.s32 $0x1E00;
	[smem:$0x7FD] =	sst s31;
	s17 =	sshrl.u32 s17, $0x3  }
0x29: {  	s18 =	sshrl.u32 s18, $0x3;
	s26 =	simm.s32 $0x2680;
	s1 =	simm.s32 $0xF00  }
.LBB2_3:
0x2a: {  	[bflag:$0x0] =	sbarrier.arrive $0xFFFF  }
.LBB2_4:
0x2b: {  	s11 =	sadd.s32 $0xFFFFFFFF, s11  }
0x2c: {  	p1 =	sne.s32 s11, $0x0  }
.Ltmp1:
0x2d: {  	_ = 	snop;
	(pc) =	sbr.rel @!p1 .LBB2_5-.Ltmp1, $1  }
0x2e: {  	_ =	sdelay $0x3  }
.LBB2_1:
.Ltmp2:
0x2f: {  	(pc) =	sbr.rel @p0 .LBB2_3-.Ltmp2, $1  }
0x30: {  	_ =	sdelay $0x3  }
0x31: {  	s30 =	rddreg [dreg:$0x9]  }
0x32: {  	[tilespmem:s19], [sflag:$0x1] =	stream.linear.gather [hbm4b:s30+s9], $0x80, $0x38;
	[tilespmem:$0x5580] =	vst v63  }
0x33: {  	s31 =	rddreg [dreg:$0xa]  }
0x34: {  	[tilespmem:s20], [sflag:$0x1] =	stream.linear.gather [hbm4b:s31+s9], $0x80, $0x38;
	[tilespmem:$0x5580] =	vst v63  }
0x35: {  	s15 =	rddreg [dreg:$0xb]  }
0x36: {  	[tilespmem:s21], [sflag:$0x1] =	stream.linear.gather [hbm4b:s15+s9], $0x80, $0x38;
	[tilespmem:$0x5580] =	vst v63  }
0x37: {  	s31 =	rddreg [dreg:$0xc]  }
0x38: {  	[tilespmem:s22], [sflag:$0x1] =	stream.linear.gather [hbm4b:s31+s9], $0x80, $0x38;
	[tilespmem:$0x5580] =	vst v63  }
0x39: {  	s15 =	rddreg [dreg:$0xd]  }
0x3a: {  	[tilespmem:s23], [sflag:$0x1] =	stream.linear.gather [hbm4b:s15+s9], $0x80, $0x38;
	[tilespmem:$0x5580] =	vst v63  }
0x3b: {  	s31 =	rddreg [dreg:$0xe]  }
0x3c: {  	[tilespmem:s24], [sflag:$0x1] =	stream.linear.gather [hbm4b:s31+s9], $0x80, $0x38;
	[tilespmem:$0x5580] =	vst v63  }
0x3d: {  	s15 =	rddreg [dreg:$0xf]  }
0x3e: {  	[tilespmem:s25], [sflag:$0x1] =	stream.linear.gather [hbm4b:s15+s9], $0x80, $0x38;
	[tilespmem:$0x5580] =	vst v63  }
0x3f: {  	s31 =	rddreg [dreg:$0x10]  }
0x40: {  	[tilespmem:s26], [sflag:$0x1] =	stream.linear.gather [hbm4b:s31+s9], $0x80, $0x38;
	[tilespmem:$0x5580] =	vst v63  }
0x41: {  	s15 =	rddreg [dreg:$0x11]  }
0x42: {  	[tilespmem:s28], [sflag:$0x1] =	stream.linear.gather [hbm4b:s15+s9], $0x80, $0x38;
	[tilespmem:$0x5580] =	vst v63  }
0x43: {  	s31 =	rddreg [dreg:$0x12]  }
0x44: {  	[tilespmem:s29], [sflag:$0x1] =	stream.linear.gather [hbm4b:s31+s9], $0x80, $0x38;
	[tilespmem:$0x5580] =	vst v63  }
0x45: {  	s15 =	rddreg [dreg:$0x13]  }
0x46: {  	[tilespmem:s9], [sflag:$0x1] =	stream.linear.gather [hbm4b:s15+s9], $0x500, $0x38;
	[tilespmem:$0x5580] =	vst v63  }
0x47: {  	s31 =	rddreg [dreg:$0x14];
	s15 =	simm.s32 $0x500  }
0x48: {  	[tilespmem:s15], [sflag:$0x1] =	stream.linear.gather [hbm4b:s31+s9], $0x500, $0x38;
	[tilespmem:$0x5580] =	vst v63  }
0x49: {  	s30 =	rddreg [dreg:$0x15];
	s31 =	simm.s32 $0xA00  }
0x4a: {  	[tilespmem:s31], [sflag:$0x1] =	stream.linear.gather [hbm4b:s30+s9], $0x500, $0x38;
	[tilespmem:$0x5580] =	vst v63  }
0x4b: {  	s30 =	rddreg [dreg:$0x16]  }
0x4c: {  	[tilespmem:s1], [sflag:$0x1] =	stream.linear.gather [hbm4b:s30+s9], $0x500, $0x38;
	[tilespmem:$0x5580] =	vst v63  }
0x4d: {  	s30 =	rddreg [dreg:$0x17]  }
0x4e: {  	[tilespmem:s5], [sflag:$0x1] =	stream.linear.gather [hbm4b:s30+s9], $0x500, $0x38;
	[tilespmem:$0x5580] =	vst v63  }
0x4f: {  	s30 =	rddreg [dreg:$0x18]  }
0x50: {  	[tilespmem:s10], [sflag:$0x1] =	stream.linear.gather [hbm4b:s30+s9], $0x500, $0x38;
	[tilespmem:$0x5580] =	vst v63  }
0x51: {  	s30 =	rddreg [dreg:$0x19]  }
0x52: {  	[tilespmem:s12], [sflag:$0x1] =	stream.linear.gather [hbm4b:s30+s9], $0x500, $0x38;
	[tilespmem:$0x5580] =	vst v63  }
0x53: {  	_ =	swait.ge [sflag:s13], $0x80  }
0x54: {  	[sflag:s13] =	ssyncset.done $0x0  }
0x55: {  	[sflag:s13] =	ssyncadd.s32 $0xFFFFFF80  }
0x56: {  	_ =	swait.ge [sflag:s13], $0x80  }
0x57: {  	[sflag:s13] =	ssyncset.done $0x0  }
0x58: {  	[sflag:s13] =	ssyncadd.s32 $0xFFFFFF80  }
0x59: {  	_ =	swait.ge [sflag:s13], $0x80  }
0x5a: {  	[sflag:s13] =	ssyncset.done $0x0  }
0x5b: {  	[sflag:s13] =	ssyncadd.s32 $0xFFFFFF80  }
0x5c: {  	_ =	swait.ge [sflag:s13], $0x80  }
0x5d: {  	[sflag:s13] =	ssyncset.done $0x0  }
0x5e: {  	[sflag:s13] =	ssyncadd.s32 $0xFFFFFF80  }
0x5f: {  	_ =	swait.ge [sflag:s13], $0x80  }
0x60: {  	[sflag:s13] =	ssyncset.done $0x0  }
0x61: {  	[sflag:s13] =	ssyncadd.s32 $0xFFFFFF80  }
0x62: {  	_ =	swait.ge [sflag:s13], $0x80  }
0x63: {  	[sflag:s13] =	ssyncset.done $0x0  }
0x64: {  	[sflag:s13] =	ssyncadd.s32 $0xFFFFFF80  }
0x65: {  	_ =	swait.ge [sflag:s13], $0x80  }
0x66: {  	[sflag:s13] =	ssyncset.done $0x0  }
0x67: {  	[sflag:s13] =	ssyncadd.s32 $0xFFFFFF80  }
0x68: {  	_ =	swait.ge [sflag:s13], $0x80  }
0x69: {  	[sflag:s13] =	ssyncset.done $0x0  }
0x6a: {  	[sflag:s13] =	ssyncadd.s32 $0xFFFFFF80  }
0x6b: {  	_ =	swait.ge [sflag:s13], $0x80  }
0x6c: {  	[sflag:s13] =	ssyncset.done $0x0  }
0x6d: {  	[sflag:s13] =	ssyncadd.s32 $0xFFFFFF80  }
0x6e: {  	_ =	swait.ge [sflag:s13], $0x80  }
0x6f: {  	[sflag:s13] =	ssyncset.done $0x0  }
0x70: {  	[sflag:s13] =	ssyncadd.s32 $0xFFFFFF80  }
0x71: {  	_ =	swait.ge [sflag:s13], $0x500  }
0x72: {  	[sflag:s13] =	ssyncset.done $0x0  }
0x73: {  	[sflag:s13] =	ssyncadd.s32 $0xFFFFFB00  }
0x74: {  	_ =	swait.ge [sflag:s13], $0x500  }
0x75: {  	[sflag:s13] =	ssyncset.done $0x0  }
0x76: {  	[sflag:s13] =	ssyncadd.s32 $0xFFFFFB00  }
0x77: {  	_ =	swait.ge [sflag:s13], $0x500  }
0x78: {  	[sflag:s13] =	ssyncset.done $0x0  }
0x79: {  	[sflag:s13] =	ssyncadd.s32 $0xFFFFFB00  }
0x7a: {  	_ =	swait.ge [sflag:s13], $0x500  }
0x7b: {  	[sflag:s13] =	ssyncset.done $0x0  }
0x7c: {  	[sflag:s13] =	ssyncadd.s32 $0xFFFFFB00  }
0x7d: {  	_ =	swait.ge [sflag:s13], $0x500  }
0x7e: {  	[sflag:s13] =	ssyncset.done $0x0  }
0x7f: {  	[sflag:s13] =	ssyncadd.s32 $0xFFFFFB00  }
0x80: {  	_ =	swait.ge [sflag:s13], $0x500  }
0x81: {  	[sflag:s13] =	ssyncset.done $0x0  }
0x82: {  	[sflag:s13] =	ssyncadd.s32 $0xFFFFFB00  }
0x83: {  	_ =	swait.ge [sflag:s13], $0x500  }
0x84: {  	[sflag:s13] =	ssyncset.done $0x0  }
0x85: {  	[sflag:s13] =	ssyncadd.s32 $0xFFFFFB00  }
0x86: {  	[spmem:s0] =	stream.indirect.scatter [tilespmem:s9], [sflag:$0x1], $0x1, s19, s14, $0xb8;
	[tilespmem:$0x5580] =	vst v63  }
0x87: {  	_ = 	snop  }
0x88: {  	[spmem:s0] =	stream.indirect.scatter [tilespmem:s14], [sflag:$0x1], $0x1, s20, s14, $0xb8;
	[tilespmem:$0x5580] =	vst v63  }
0x89: {  	s30 =	simm.s32 $0x100  }
0x8a: {  	[spmem:s0] =	stream.indirect.scatter [tilespmem:s30], [sflag:$0x1], $0x1, s21, s14, $0xb8;
	[tilespmem:$0x5580] =	vst v63  }
0x8b: {  	s30 =	simm.s32 $0x180  }
0x8c: {  	[spmem:s0] =	stream.indirect.scatter [tilespmem:s30], [sflag:$0x1], $0x1, s22, s14, $0xb8;
	[tilespmem:$0x5580] =	vst v63  }
0x8d: {  	s30 =	simm.s32 $0x200  }
0x8e: {  	[spmem:s0] =	stream.indirect.scatter [tilespmem:s30], [sflag:$0x1], $0x1, s23, s14, $0xb8;
	[tilespmem:$0x5580] =	vst v63  }
0x8f: {  	s30 =	simm.s32 $0x280  }
0x90: {  	[spmem:s0] =	stream.indirect.scatter [tilespmem:s30], [sflag:$0x1], $0x1, s24, s14, $0xb8;
	[tilespmem:$0x5580] =	vst v63  }
0x91: {  	s30 =	simm.s32 $0x300  }
0x92: {  	[spmem:s0] =	stream.indirect.scatter [tilespmem:s30], [sflag:$0x1], $0x1, s25, s14, $0xb8;
	[tilespmem:$0x5580] =	vst v63  }
0x93: {  	s30 =	simm.s32 $0x380  }
0x94: {  	[spmem:s0] =	stream.indirect.scatter [tilespmem:s30], [sflag:$0x1], $0x1, s26, s14, $0xb8;
	[tilespmem:$0x5580] =	vst v63  }
0x95: {  	s30 =	simm.s32 $0x400  }
0x96: {  	[spmem:s0] =	stream.indirect.scatter [tilespmem:s30], [sflag:$0x1], $0x1, s28, s14, $0xb8;
	[tilespmem:$0x5580] =	vst v63  }
0x97: {  	s30 =	simm.s32 $0x480  }
0x98: {  	[spmem:s0] =	stream.indirect.scatter [tilespmem:s30], [sflag:$0x1], $0x1, s29, s14, $0xb8;
	[tilespmem:$0x5580] =	vst v63  }
0x99: {  	_ = 	snop  }
0x9a: {  	[spmem:s2] =	stream.indirect.scatter [tilespmem:s15], [sflag:$0x1], $0x1, s19, s14, $0xb8;
	[tilespmem:$0x5580] =	vst v63  }
0x9b: {  	s30 =	simm.s32 $0x580  }
0x9c: {  	[spmem:s2] =	stream.indirect.scatter [tilespmem:s30], [sflag:$0x1], $0x1, s20, s14, $0xb8;
	[tilespmem:$0x5580] =	vst v63  }
0x9d: {  	s30 =	simm.s32 $0x600  }
0x9e: {  	[spmem:s2] =	stream.indirect.scatter [tilespmem:s30], [sflag:$0x1], $0x1, s21, s14, $0xb8;
	[tilespmem:$0x5580] =	vst v63  }
0x9f: {  	s30 =	simm.s32 $0x680  }
0xa0: {  	[spmem:s2] =	stream.indirect.scatter [tilespmem:s30], [sflag:$0x1], $0x1, s22, s14, $0xb8;
	[tilespmem:$0x5580] =	vst v63  }
0xa1: {  	s30 =	simm.s32 $0x700  }
0xa2: {  	[spmem:s2] =	stream.indirect.scatter [tilespmem:s30], [sflag:$0x1], $0x1, s23, s14, $0xb8;
	[tilespmem:$0x5580] =	vst v63  }
0xa3: {  	s30 =	simm.s32 $0x780  }
0xa4: {  	[spmem:s2] =	stream.indirect.scatter [tilespmem:s30], [sflag:$0x1], $0x1, s24, s14, $0xb8;
	[tilespmem:$0x5580] =	vst v63  }
0xa5: {  	s30 =	simm.s32 $0x800  }
0xa6: {  	[spmem:s2] =	stream.indirect.scatter [tilespmem:s30], [sflag:$0x1], $0x1, s25, s14, $0xb8;
	[tilespmem:$0x5580] =	vst v63  }
0xa7: {  	s30 =	simm.s32 $0x880  }
0xa8: {  	[spmem:s2] =	stream.indirect.scatter [tilespmem:s30], [sflag:$0x1], $0x1, s26, s14, $0xb8;
	[tilespmem:$0x5580] =	vst v63  }
0xa9: {  	s30 =	simm.s32 $0x900  }
0xaa: {  	[spmem:s2] =	stream.indirect.scatter [tilespmem:s30], [sflag:$0x1], $0x1, s28, s14, $0xb8;
	[tilespmem:$0x5580] =	vst v63  }
0xab: {  	s30 =	simm.s32 $0x980  }
0xac: {  	[spmem:s2] =	stream.indirect.scatter [tilespmem:s30], [sflag:$0x1], $0x1, s29, s14, $0xb8;
	[tilespmem:$0x5580] =	vst v63  }
0xad: {  	_ = 	snop  }
0xae: {  	[spmem:s3] =	stream.indirect.scatter [tilespmem:s31], [sflag:$0x1], $0x1, s19, s14, $0xb8;
	[tilespmem:$0x5580] =	vst v63  }
0xaf: {  	s30 =	simm.s32 $0xA80  }
0xb0: {  	[spmem:s3] =	stream.indirect.scatter [tilespmem:s30], [sflag:$0x1], $0x1, s20, s14, $0xb8;
	[tilespmem:$0x5580] =	vst v63  }
0xb1: {  	s31 =	simm.s32 $0xB00  }
0xb2: {  	[spmem:s3] =	stream.indirect.scatter [tilespmem:s31], [sflag:$0x1], $0x1, s21, s14, $0xb8;
	[tilespmem:$0x5580] =	vst v63  }
0xb3: {  	s30 =	simm.s32 $0xB80  }
0xb4: {  	[spmem:s3] =	stream.indirect.scatter [tilespmem:s30], [sflag:$0x1], $0x1, s22, s14, $0xb8;
	[tilespmem:$0x5580] =	vst v63  }
0xb5: {  	s31 =	simm.s32 $0xC00  }
0xb6: {  	[spmem:s3] =	stream.indirect.scatter [tilespmem:s31], [sflag:$0x1], $0x1, s23, s14, $0xb8;
	[tilespmem:$0x5580] =	vst v63  }
0xb7: {  	s30 =	simm.s32 $0xC80  }
0xb8: {  	[spmem:s3] =	stream.indirect.scatter [tilespmem:s30], [sflag:$0x1], $0x1, s24, s14, $0xb8;
	[tilespmem:$0x5580] =	vst v63  }
0xb9: {  	s31 =	simm.s32 $0xD00  }
0xba: {  	[spmem:s3] =	stream.indirect.scatter [tilespmem:s31], [sflag:$0x1], $0x1, s25, s14, $0xb8;
	[tilespmem:$0x5580] =	vst v63  }
0xbb: {  	s30 =	simm.s32 $0xD80  }
0xbc: {  	[spmem:s3] =	stream.indirect.scatter [tilespmem:s30], [sflag:$0x1], $0x1, s26, s14, $0xb8;
	[tilespmem:$0x5580] =	vst v63  }
0xbd: {  	s31 =	simm.s32 $0xE00  }
0xbe: {  	[spmem:s3] =	stream.indirect.scatter [tilespmem:s31], [sflag:$0x1], $0x1, s28, s14, $0xb8;
	[tilespmem:$0x5580] =	vst v63  }
0xbf: {  	s30 =	simm.s32 $0xE80  }
0xc0: {  	[spmem:s3] =	stream.indirect.scatter [tilespmem:s30], [sflag:$0x1], $0x1, s29, s14, $0xb8;
	[tilespmem:$0x5580] =	vst v63  }
0xc1: {  	_ = 	snop  }
0xc2: {  	[spmem:s4] =	stream.indirect.scatter [tilespmem:s1], [sflag:$0x1], $0x1, s19, s14, $0xb8;
	[tilespmem:$0x5580] =	vst v63  }
0xc3: {  	s31 =	simm.s32 $0xF80  }
0xc4: {  	[spmem:s4] =	stream.indirect.scatter [tilespmem:s31], [sflag:$0x1], $0x1, s20, s14, $0xb8;
	[tilespmem:$0x5580] =	vst v63  }
0xc5: {  	s30 =	simm.s32 $0x1000  }
0xc6: {  	[spmem:s4] =	stream.indirect.scatter [tilespmem:s30], [sflag:$0x1], $0x1, s21, s14, $0xb8;
	[tilespmem:$0x5580] =	vst v63  }
0xc7: {  	s31 =	simm.s32 $0x1080  }
0xc8: {  	[spmem:s4] =	stream.indirect.scatter [tilespmem:s31], [sflag:$0x1], $0x1, s22, s14, $0xb8;
	[tilespmem:$0x5580] =	vst v63  }
0xc9: {  	s30 =	simm.s32 $0x1100  }
0xca: {  	[spmem:s4] =	stream.indirect.scatter [tilespmem:s30], [sflag:$0x1], $0x1, s23, s14, $0xb8;
	[tilespmem:$0x5580] =	vst v63  }
0xcb: {  	s31 =	simm.s32 $0x1180  }
0xcc: {  	[spmem:s4] =	stream.indirect.scatter [tilespmem:s31], [sflag:$0x1], $0x1, s24, s14, $0xb8;
	[tilespmem:$0x5580] =	vst v63  }
0xcd: {  	s30 =	simm.s32 $0x1200  }
0xce: {  	[spmem:s4] =	stream.indirect.scatter [tilespmem:s30], [sflag:$0x1], $0x1, s25, s14, $0xb8;
	[tilespmem:$0x5580] =	vst v63  }
0xcf: {  	s31 =	simm.s32 $0x1280  }
0xd0: {  	[spmem:s4] =	stream.indirect.scatter [tilespmem:s31], [sflag:$0x1], $0x1, s26, s14, $0xb8;
	[tilespmem:$0x5580] =	vst v63  }
0xd1: {  	s30 =	simm.s32 $0x1300  }
0xd2: {  	[spmem:s4] =	stream.indirect.scatter [tilespmem:s30], [sflag:$0x1], $0x1, s28, s14, $0xb8;
	[tilespmem:$0x5580] =	vst v63  }
0xd3: {  	s31 =	simm.s32 $0x1380  }
0xd4: {  	[spmem:s4] =	stream.indirect.scatter [tilespmem:s31], [sflag:$0x1], $0x1, s29, s14, $0xb8;
	[tilespmem:$0x5580] =	vst v63  }
0xd5: {  	_ = 	snop  }
0xd6: {  	[spmem:s6] =	stream.indirect.scatter [tilespmem:s5], [sflag:$0x1], $0x1, s19, s14, $0xb8;
	[tilespmem:$0x5580] =	vst v63  }
0xd7: {  	s30 =	simm.s32 $0x1480  }
0xd8: {  	[spmem:s6] =	stream.indirect.scatter [tilespmem:s30], [sflag:$0x1], $0x1, s20, s14, $0xb8;
	[tilespmem:$0x5580] =	vst v63  }
0xd9: {  	s31 =	simm.s32 $0x1500  }
0xda: {  	[spmem:s6] =	stream.indirect.scatter [tilespmem:s31], [sflag:$0x1], $0x1, s21, s14, $0xb8;
	[tilespmem:$0x5580] =	vst v63  }
0xdb: {  	s30 =	simm.s32 $0x1580  }
0xdc: {  	[spmem:s6] =	stream.indirect.scatter [tilespmem:s30], [sflag:$0x1], $0x1, s22, s14, $0xb8;
	[tilespmem:$0x5580] =	vst v63  }
0xdd: {  	s31 =	simm.s32 $0x1600  }
0xde: {  	[spmem:s6] =	stream.indirect.scatter [tilespmem:s31], [sflag:$0x1], $0x1, s23, s14, $0xb8;
	[tilespmem:$0x5580] =	vst v63  }
0xdf: {  	s30 =	simm.s32 $0x1680  }
0xe0: {  	[spmem:s6] =	stream.indirect.scatter [tilespmem:s30], [sflag:$0x1], $0x1, s24, s14, $0xb8;
	[tilespmem:$0x5580] =	vst v63  }
0xe1: {  	s31 =	simm.s32 $0x1700  }
0xe2: {  	[spmem:s6] =	stream.indirect.scatter [tilespmem:s31], [sflag:$0x1], $0x1, s25, s14, $0xb8;
	[tilespmem:$0x5580] =	vst v63  }
0xe3: {  	s30 =	simm.s32 $0x1780  }
0xe4: {  	[spmem:s6] =	stream.indirect.scatter [tilespmem:s30], [sflag:$0x1], $0x1, s26, s14, $0xb8;
	[tilespmem:$0x5580] =	vst v63  }
0xe5: {  	s31 =	simm.s32 $0x1800  }
0xe6: {  	[spmem:s6] =	stream.indirect.scatter [tilespmem:s31], [sflag:$0x1], $0x1, s28, s14, $0xb8;
	[tilespmem:$0x5580] =	vst v63  }
0xe7: {  	s30 =	simm.s32 $0x1880  }
0xe8: {  	[spmem:s6] =	stream.indirect.scatter [tilespmem:s30], [sflag:$0x1], $0x1, s29, s14, $0xb8;
	[tilespmem:$0x5580] =	vst v63  }
0xe9: {  	_ = 	snop  }
0xea: {  	[spmem:s7] =	stream.indirect.scatter [tilespmem:s10], [sflag:$0x1], $0x1, s19, s14, $0xb8;
	[tilespmem:$0x5580] =	vst v63  }
0xeb: {  	s31 =	simm.s32 $0x1980  }
0xec: {  	[spmem:s7] =	stream.indirect.scatter [tilespmem:s31], [sflag:$0x1], $0x1, s20, s14, $0xb8;
	[tilespmem:$0x5580] =	vst v63  }
0xed: {  	s30 =	simm.s32 $0x1A00  }
0xee: {  	[spmem:s7] =	stream.indirect.scatter [tilespmem:s30], [sflag:$0x1], $0x1, s21, s14, $0xb8;
	[tilespmem:$0x5580] =	vst v63  }
0xef: {  	s31 =	simm.s32 $0x1A80  }
0xf0: {  	[spmem:s7] =	stream.indirect.scatter [tilespmem:s31], [sflag:$0x1], $0x1, s22, s14, $0xb8;
	[tilespmem:$0x5580] =	vst v63  }
0xf1: {  	s30 =	simm.s32 $0x1B00  }
0xf2: {  	[spmem:s7] =	stream.indirect.scatter [tilespmem:s30], [sflag:$0x1], $0x1, s23, s14, $0xb8;
	[tilespmem:$0x5580] =	vst v63  }
0xf3: {  	s31 =	simm.s32 $0x1B80  }
0xf4: {  	[spmem:s7] =	stream.indirect.scatter [tilespmem:s31], [sflag:$0x1], $0x1, s24, s14, $0xb8;
	[tilespmem:$0x5580] =	vst v63  }
0xf5: {  	s30 =	simm.s32 $0x1C00  }
0xf6: {  	[spmem:s7] =	stream.indirect.scatter [tilespmem:s30], [sflag:$0x1], $0x1, s25, s14, $0xb8;
	[tilespmem:$0x5580] =	vst v63  }
0xf7: {  	s31 =	simm.s32 $0x1C80  }
0xf8: {  	[spmem:s7] =	stream.indirect.scatter [tilespmem:s31], [sflag:$0x1], $0x1, s26, s14, $0xb8;
	[tilespmem:$0x5580] =	vst v63  }
0xf9: {  	s30 =	simm.s32 $0x1D00  }
0xfa: {  	[spmem:s7] =	stream.indirect.scatter [tilespmem:s30], [sflag:$0x1], $0x1, s28, s14, $0xb8;
	[tilespmem:$0x5580] =	vst v63  }
0xfb: {  	s31 =	simm.s32 $0x1D80  }
0xfc: {  	[spmem:s7] =	stream.indirect.scatter [tilespmem:s31], [sflag:$0x1], $0x1, s29, s14, $0xb8;
	[tilespmem:$0x5580] =	vst v63  }
0xfd: {  	_ = 	snop  }
0xfe: {  	[spmem:s8] =	stream.indirect.scatter [tilespmem:s12], [sflag:$0x1], $0x1, s19, s14, $0xb8;
	[tilespmem:$0x5580] =	vst v63  }
0xff: {  	s30 =	simm.s32 $0x1E80  }
0x100: {  	[spmem:s8] =	stream.indirect.scatter [tilespmem:s30], [sflag:$0x1], $0x1, s20, s14, $0xb8;
	[tilespmem:$0x5580] =	vst v63  }
0x101: {  	s31 =	simm.s32 $0x1F00  }
0x102: {  	[spmem:s8] =	stream.indirect.scatter [tilespmem:s31], [sflag:$0x1], $0x1, s21, s14, $0xb8;
	[tilespmem:$0x5580] =	vst v63  }
0x103: {  	s30 =	simm.s32 $0x1F80  }
0x104: {  	[spmem:s8] =	stream.indirect.scatter [tilespmem:s30], [sflag:$0x1], $0x1, s22, s14, $0xb8;
	[tilespmem:$0x5580] =	vst v63  }
0x105: {  	s31 =	simm.s32 $0x2000  }
0x106: {  	[spmem:s8] =	stream.indirect.scatter [tilespmem:s31], [sflag:$0x1], $0x1, s23, s14, $0xb8;
	[tilespmem:$0x5580] =	vst v63  }
0x107: {  	s30 =	simm.s32 $0x2080  }
0x108: {  	[spmem:s8] =	stream.indirect.scatter [tilespmem:s30], [sflag:$0x1], $0x1, s24, s14, $0xb8;
	[tilespmem:$0x5580] =	vst v63  }
0x109: {  	s31 =	simm.s32 $0x2100  }
0x10a: {  	[spmem:s8] =	stream.indirect.scatter [tilespmem:s31], [sflag:$0x1], $0x1, s25, s14, $0xb8;
	[tilespmem:$0x5580] =	vst v63  }
0x10b: {  	s30 =	simm.s32 $0x2180  }
0x10c: {  	[spmem:s8] =	stream.indirect.scatter [tilespmem:s30], [sflag:$0x1], $0x1, s26, s14, $0xb8;
	[tilespmem:$0x5580] =	vst v63  }
0x10d: {  	s31 =	simm.s32 $0x2200  }
0x10e: {  	[spmem:s8] =	stream.indirect.scatter [tilespmem:s31], [sflag:$0x1], $0x1, s28, s14, $0xb8;
	[tilespmem:$0x5580] =	vst v63  }
0x10f: {  	s30 =	simm.s32 $0x2280  }
0x110: {  	[spmem:s8] =	stream.indirect.scatter [tilespmem:s30], [sflag:$0x1], $0x1, s29, s14, $0xb8;
	[tilespmem:$0x5580] =	vst v63  }
0x111: {  	_ =	swait.ge [sflag:s13], $0x80  }
0x112: {  	[sflag:s13] =	ssyncset.done $0x0  }
0x113: {  	[sflag:s13] =	ssyncadd.s32 $0xFFFFFF80  }
0x114: {  	_ =	swait.ge [sflag:s13], $0x80  }
0x115: {  	[sflag:s13] =	ssyncset.done $0x0  }
0x116: {  	[sflag:s13] =	ssyncadd.s32 $0xFFFFFF80  }
0x117: {  	_ =	swait.ge [sflag:s13], $0x80  }
0x118: {  	[sflag:s13] =	ssyncset.done $0x0  }
0x119: {  	[sflag:s13] =	ssyncadd.s32 $0xFFFFFF80  }
0x11a: {  	_ =	swait.ge [sflag:s13], $0x80  }
0x11b: {  	[sflag:s13] =	ssyncset.done $0x0  }
0x11c: {  	[sflag:s13] =	ssyncadd.s32 $0xFFFFFF80  }
0x11d: {  	_ =	swait.ge [sflag:s13], $0x80  }
0x11e: {  	[sflag:s13] =	ssyncset.done $0x0  }
0x11f: {  	[sflag:s13] =	ssyncadd.s32 $0xFFFFFF80  }
0x120: {  	_ =	swait.ge [sflag:s13], $0x80  }
0x121: {  	[sflag:s13] =	ssyncset.done $0x0  }
0x122: {  	[sflag:s13] =	ssyncadd.s32 $0xFFFFFF80  }
0x123: {  	_ =	swait.ge [sflag:s13], $0x80  }
0x124: {  	[sflag:s13] =	ssyncset.done $0x0  }
0x125: {  	[sflag:s13] =	ssyncadd.s32 $0xFFFFFF80  }
0x126: {  	_ =	swait.ge [sflag:s13], $0x80  }
0x127: {  	[sflag:s13] =	ssyncset.done $0x0  }
0x128: {  	[sflag:s13] =	ssyncadd.s32 $0xFFFFFF80  }
0x129: {  	_ =	swait.ge [sflag:s13], $0x80  }
0x12a: {  	[sflag:s13] =	ssyncset.done $0x0  }
0x12b: {  	[sflag:s13] =	ssyncadd.s32 $0xFFFFFF80  }
0x12c: {  	_ =	swait.ge [sflag:s13], $0x80  }
0x12d: {  	[sflag:s13] =	ssyncset.done $0x0  }
0x12e: {  	[sflag:s13] =	ssyncadd.s32 $0xFFFFFF80  }
0x12f: {  	_ =	swait.ge [sflag:s13], $0x80  }
0x130: {  	[sflag:s13] =	ssyncset.done $0x0  }
0x131: {  	[sflag:s13] =	ssyncadd.s32 $0xFFFFFF80  }
0x132: {  	_ =	swait.ge [sflag:s13], $0x80  }
0x133: {  	[sflag:s13] =	ssyncset.done $0x0  }
0x134: {  	[sflag:s13] =	ssyncadd.s32 $0xFFFFFF80  }
0x135: {  	_ =	swait.ge [sflag:s13], $0x80  }
0x136: {  	[sflag:s13] =	ssyncset.done $0x0  }
0x137: {  	[sflag:s13] =	ssyncadd.s32 $0xFFFFFF80  }
0x138: {  	_ =	swait.ge [sflag:s13], $0x80  }
0x139: {  	[sflag:s13] =	ssyncset.done $0x0  }
0x13a: {  	[sflag:s13] =	ssyncadd.s32 $0xFFFFFF80  }
0x13b: {  	_ =	swait.ge [sflag:s13], $0x80  }
0x13c: {  	[sflag:s13] =	ssyncset.done $0x0  }
0x13d: {  	[sflag:s13] =	ssyncadd.s32 $0xFFFFFF80  }
0x13e: {  	_ =	swait.ge [sflag:s13], $0x80  }
0x13f: {  	[sflag:s13] =	ssyncset.done $0x0  }
0x140: {  	[sflag:s13] =	ssyncadd.s32 $0xFFFFFF80  }
0x141: {  	_ =	swait.ge [sflag:s13], $0x80  }
0x142: {  	[sflag:s13] =	ssyncset.done $0x0  }
0x143: {  	[sflag:s13] =	ssyncadd.s32 $0xFFFFFF80  }
0x144: {  	_ =	swait.ge [sflag:s13], $0x80  }
0x145: {  	[sflag:s13] =	ssyncset.done $0x0  }
0x146: {  	[sflag:s13] =	ssyncadd.s32 $0xFFFFFF80  }
0x147: {  	_ =	swait.ge [sflag:s13], $0x80  }
0x148: {  	[sflag:s13] =	ssyncset.done $0x0  }
0x149: {  	[sflag:s13] =	ssyncadd.s32 $0xFFFFFF80  }
0x14a: {  	_ =	swait.ge [sflag:s13], $0x80  }
0x14b: {  	[sflag:s13] =	ssyncset.done $0x0  }
0x14c: {  	[sflag:s13] =	ssyncadd.s32 $0xFFFFFF80  }
0x14d: {  	_ =	swait.ge [sflag:s13], $0x80  }
0x14e: {  	[sflag:s13] =	ssyncset.done $0x0  }
0x14f: {  	[sflag:s13] =	ssyncadd.s32 $0xFFFFFF80  }
0x150: {  	_ =	swait.ge [sflag:s13], $0x80  }
0x151: {  	[sflag:s13] =	ssyncset.done $0x0  }
0x152: {  	[sflag:s13] =	ssyncadd.s32 $0xFFFFFF80  }
0x153: {  	_ =	swait.ge [sflag:s13], $0x80  }
0x154: {  	[sflag:s13] =	ssyncset.done $0x0  }
0x155: {  	[sflag:s13] =	ssyncadd.s32 $0xFFFFFF80  }
0x156: {  	_ =	swait.ge [sflag:s13], $0x80  }
0x157: {  	[sflag:s13] =	ssyncset.done $0x0  }
0x158: {  	[sflag:s13] =	ssyncadd.s32 $0xFFFFFF80  }
0x159: {  	_ =	swait.ge [sflag:s13], $0x80  }
0x15a: {  	[sflag:s13] =	ssyncset.done $0x0  }
0x15b: {  	[sflag:s13] =	ssyncadd.s32 $0xFFFFFF80  }
0x15c: {  	_ =	swait.ge [sflag:s13], $0x80  }
0x15d: {  	[sflag:s13] =	ssyncset.done $0x0  }
0x15e: {  	[sflag:s13] =	ssyncadd.s32 $0xFFFFFF80  }
0x15f: {  	_ =	swait.ge [sflag:s13], $0x80  }
0x160: {  	[sflag:s13] =	ssyncset.done $0x0  }
0x161: {  	[sflag:s13] =	ssyncadd.s32 $0xFFFFFF80  }
0x162: {  	_ =	swait.ge [sflag:s13], $0x80  }
0x163: {  	[sflag:s13] =	ssyncset.done $0x0  }
0x164: {  	[sflag:s13] =	ssyncadd.s32 $0xFFFFFF80  }
0x165: {  	_ =	swait.ge [sflag:s13], $0x80  }
0x166: {  	[sflag:s13] =	ssyncset.done $0x0  }
0x167: {  	[sflag:s13] =	ssyncadd.s32 $0xFFFFFF80  }
0x168: {  	_ =	swait.ge [sflag:s13], $0x80  }
0x169: {  	[sflag:s13] =	ssyncset.done $0x0  }
0x16a: {  	[sflag:s13] =	ssyncadd.s32 $0xFFFFFF80  }
0x16b: {  	_ =	swait.ge [sflag:s13], $0x80  }
0x16c: {  	[sflag:s13] =	ssyncset.done $0x0  }
0x16d: {  	[sflag:s13] =	ssyncadd.s32 $0xFFFFFF80  }
0x16e: {  	_ =	swait.ge [sflag:s13], $0x80  }
0x16f: {  	[sflag:s13] =	ssyncset.done $0x0  }
0x170: {  	[sflag:s13] =	ssyncadd.s32 $0xFFFFFF80  }
0x171: {  	_ =	swait.ge [sflag:s13], $0x80  }
0x172: {  	[sflag:s13] =	ssyncset.done $0x0  }
0x173: {  	[sflag:s13] =	ssyncadd.s32 $0xFFFFFF80  }
0x174: {  	_ =	swait.ge [sflag:s13], $0x80  }
0x175: {  	[sflag:s13] =	ssyncset.done $0x0  }
0x176: {  	[sflag:s13] =	ssyncadd.s32 $0xFFFFFF80  }
0x177: {  	_ =	swait.ge [sflag:s13], $0x80  }
0x178: {  	[sflag:s13] =	ssyncset.done $0x0  }
0x179: {  	[sflag:s13] =	ssyncadd.s32 $0xFFFFFF80  }
0x17a: {  	_ =	swait.ge [sflag:s13], $0x80  }
0x17b: {  	[sflag:s13] =	ssyncset.done $0x0  }
0x17c: {  	[sflag:s13] =	ssyncadd.s32 $0xFFFFFF80  }
0x17d: {  	_ =	swait.ge [sflag:s13], $0x80  }
0x17e: {  	[sflag:s13] =	ssyncset.done $0x0  }
0x17f: {  	[sflag:s13] =	ssyncadd.s32 $0xFFFFFF80  }
0x180: {  	_ =	swait.ge [sflag:s13], $0x80  }
0x181: {  	[sflag:s13] =	ssyncset.done $0x0  }
0x182: {  	[sflag:s13] =	ssyncadd.s32 $0xFFFFFF80  }
0x183: {  	_ =	swait.ge [sflag:s13], $0x80  }
0x184: {  	[sflag:s13] =	ssyncset.done $0x0  }
0x185: {  	[sflag:s13] =	ssyncadd.s32 $0xFFFFFF80  }
0x186: {  	_ =	swait.ge [sflag:s13], $0x80  }
0x187: {  	[sflag:s13] =	ssyncset.done $0x0  }
0x188: {  	[sflag:s13] =	ssyncadd.s32 $0xFFFFFF80  }
0x189: {  	_ =	swait.ge [sflag:s13], $0x80  }
0x18a: {  	[sflag:s13] =	ssyncset.done $0x0  }
0x18b: {  	[sflag:s13] =	ssyncadd.s32 $0xFFFFFF80  }
0x18c: {  	_ =	swait.ge [sflag:s13], $0x80  }
0x18d: {  	[sflag:s13] =	ssyncset.done $0x0  }
0x18e: {  	[sflag:s13] =	ssyncadd.s32 $0xFFFFFF80  }
0x18f: {  	_ =	swait.ge [sflag:s13], $0x80  }
0x190: {  	[sflag:s13] =	ssyncset.done $0x0  }
0x191: {  	[sflag:s13] =	ssyncadd.s32 $0xFFFFFF80  }
0x192: {  	_ =	swait.ge [sflag:s13], $0x80  }
0x193: {  	[sflag:s13] =	ssyncset.done $0x0  }
0x194: {  	[sflag:s13] =	ssyncadd.s32 $0xFFFFFF80  }
0x195: {  	_ =	swait.ge [sflag:s13], $0x80  }
0x196: {  	[sflag:s13] =	ssyncset.done $0x0  }
0x197: {  	[sflag:s13] =	ssyncadd.s32 $0xFFFFFF80  }
0x198: {  	_ =	swait.ge [sflag:s13], $0x80  }
0x199: {  	[sflag:s13] =	ssyncset.done $0x0  }
0x19a: {  	[sflag:s13] =	ssyncadd.s32 $0xFFFFFF80  }
0x19b: {  	_ =	swait.ge [sflag:s13], $0x80  }
0x19c: {  	[sflag:s13] =	ssyncset.done $0x0  }
0x19d: {  	[sflag:s13] =	ssyncadd.s32 $0xFFFFFF80  }
0x19e: {  	_ =	swait.ge [sflag:s13], $0x80  }
0x19f: {  	[sflag:s13] =	ssyncset.done $0x0  }
0x1a0: {  	[sflag:s13] =	ssyncadd.s32 $0xFFFFFF80  }
0x1a1: {  	_ =	swait.ge [sflag:s13], $0x80  }
0x1a2: {  	[sflag:s13] =	ssyncset.done $0x0  }
0x1a3: {  	[sflag:s13] =	ssyncadd.s32 $0xFFFFFF80  }
0x1a4: {  	_ =	swait.ge [sflag:s13], $0x80  }
0x1a5: {  	[sflag:s13] =	ssyncset.done $0x0  }
0x1a6: {  	[sflag:s13] =	ssyncadd.s32 $0xFFFFFF80  }
0x1a7: {  	_ =	swait.ge [sflag:s13], $0x80  }
0x1a8: {  	[sflag:s13] =	ssyncset.done $0x0  }
0x1a9: {  	[sflag:s13] =	ssyncadd.s32 $0xFFFFFF80  }
0x1aa: {  	_ =	swait.ge [sflag:s13], $0x80  }
0x1ab: {  	[sflag:s13] =	ssyncset.done $0x0  }
0x1ac: {  	[sflag:s13] =	ssyncadd.s32 $0xFFFFFF80  }
0x1ad: {  	_ =	swait.ge [sflag:s13], $0x80  }
0x1ae: {  	[sflag:s13] =	ssyncset.done $0x0  }
0x1af: {  	[sflag:s13] =	ssyncadd.s32 $0xFFFFFF80  }
0x1b0: {  	_ =	swait.ge [sflag:s13], $0x80  }
0x1b1: {  	[sflag:s13] =	ssyncset.done $0x0  }
0x1b2: {  	[sflag:s13] =	ssyncadd.s32 $0xFFFFFF80  }
0x1b3: {  	_ =	swait.ge [sflag:s13], $0x80  }
0x1b4: {  	[sflag:s13] =	ssyncset.done $0x0  }
0x1b5: {  	[sflag:s13] =	ssyncadd.s32 $0xFFFFFF80  }
0x1b6: {  	_ =	swait.ge [sflag:s13], $0x80  }
0x1b7: {  	[sflag:s13] =	ssyncset.done $0x0  }
0x1b8: {  	[sflag:s13] =	ssyncadd.s32 $0xFFFFFF80  }
0x1b9: {  	_ =	swait.ge [sflag:s13], $0x80  }
0x1ba: {  	[sflag:s13] =	ssyncset.done $0x0  }
0x1bb: {  	[sflag:s13] =	ssyncadd.s32 $0xFFFFFF80  }
0x1bc: {  	_ =	swait.ge [sflag:s13], $0x80  }
0x1bd: {  	[sflag:s13] =	ssyncset.done $0x0  }
0x1be: {  	[sflag:s13] =	ssyncadd.s32 $0xFFFFFF80  }
0x1bf: {  	_ =	swait.ge [sflag:s13], $0x80  }
0x1c0: {  	[sflag:s13] =	ssyncset.done $0x0  }
0x1c1: {  	[sflag:s13] =	ssyncadd.s32 $0xFFFFFF80  }
0x1c2: {  	_ =	swait.ge [sflag:s13], $0x80  }
0x1c3: {  	[sflag:s13] =	ssyncset.done $0x0  }
0x1c4: {  	[sflag:s13] =	ssyncadd.s32 $0xFFFFFF80  }
0x1c5: {  	_ =	swait.ge [sflag:s13], $0x80  }
0x1c6: {  	[sflag:s13] =	ssyncset.done $0x0  }
0x1c7: {  	[sflag:s13] =	ssyncadd.s32 $0xFFFFFF80  }
0x1c8: {  	_ =	swait.ge [sflag:s13], $0x80  }
0x1c9: {  	[sflag:s13] =	ssyncset.done $0x0  }
0x1ca: {  	[sflag:s13] =	ssyncadd.s32 $0xFFFFFF80  }
0x1cb: {  	_ =	swait.ge [sflag:s13], $0x80  }
0x1cc: {  	[sflag:s13] =	ssyncset.done $0x0  }
0x1cd: {  	[sflag:s13] =	ssyncadd.s32 $0xFFFFFF80  }
0x1ce: {  	_ =	swait.ge [sflag:s13], $0x80  }
0x1cf: {  	[sflag:s13] =	ssyncset.done $0x0  }
0x1d0: {  	[sflag:s13] =	ssyncadd.s32 $0xFFFFFF80  }
0x1d1: {  	_ =	swait.ge [sflag:s13], $0x80  }
0x1d2: {  	[sflag:s13] =	ssyncset.done $0x0  }
0x1d3: {  	[sflag:s13] =	ssyncadd.s32 $0xFFFFFF80  }
0x1d4: {  	_ =	swait.ge [sflag:s13], $0x80  }
0x1d5: {  	[sflag:s13] =	ssyncset.done $0x0  }
0x1d6: {  	[sflag:s13] =	ssyncadd.s32 $0xFFFFFF80  }
0x1d7: {  	_ =	swait.ge [sflag:s13], $0x80  }
0x1d8: {  	[sflag:s13] =	ssyncset.done $0x0  }
0x1d9: {  	[sflag:s13] =	ssyncadd.s32 $0xFFFFFF80  }
0x1da: {  	_ =	swait.ge [sflag:s13], $0x80  }
0x1db: {  	[sflag:s13] =	ssyncset.done $0x0  }
0x1dc: {  	[sflag:s13] =	ssyncadd.s32 $0xFFFFFF80  }
0x1dd: {  	_ =	swait.ge [sflag:s13], $0x80  }
0x1de: {  	[sflag:s13] =	ssyncset.done $0x0  }
0x1df: {  	[sflag:s13] =	ssyncadd.s32 $0xFFFFFF80  }
0x1e0: {  	_ =	swait.ge [sflag:s13], $0x80  }
0x1e1: {  	[sflag:s13] =	ssyncset.done $0x0  }
0x1e2: {  	[sflag:s13] =	ssyncadd.s32 $0xFFFFFF80  }
0x1e3: {  	s31 =	stileid.u32;
	[bflag:$0x0] =	sbarrier.arrive $0xFFFF  }
0x1e4: {  	s30 =	sshll.u32 s31, $0x6;
	s31 =	sld [smem:$0x7FA];
	_ =	sdelay $0x1  }
0x1e5: {  	s30 =	sor.u32 $0x1C01, s30;
	s15 =	rddreg [dreg:$0x1a]  }
0x1e6: {  	[hbm:s15], [sflag:s30] =	dma.local [spmem:s31], $0x30  }
0x1e7: {  	s31 =	sld [smem:$0x7FB];
	_ =	sdelay $0x1  }
0x1e8: {  	s15 =	rddreg [dreg:$0x1b]  }
0x1e9: {  	[hbm:s15], [sflag:s30] =	dma.local [spmem:s31], $0x30  }
0x1ea: {  	s31 =	sld [smem:$0x7FC];
	_ =	sdelay $0x1  }
0x1eb: {  	s15 =	rddreg [dreg:$0x1c]  }
0x1ec: {  	[hbm:s15], [sflag:s30] =	dma.local [spmem:s31], $0x30  }
0x1ed: {  	s31 =	sld [smem:$0x7FD];
	_ =	sdelay $0x1  }
0x1ee: {  	s15 =	rddreg [dreg:$0x1d]  }
0x1ef: {  	[hbm:s15], [sflag:s30] =	dma.local [spmem:s31], $0x30  }
0x1f0: {  	s15 =	rddreg [dreg:$0x1e]  }
0x1f1: {  	[hbm:s15], [sflag:s30] =	dma.local [spmem:s16], $0x30  }
0x1f2: {  	s15 =	rddreg [dreg:$0x1f]  }
0x1f3: {  	[hbm:s15], [sflag:s30] =	dma.local [spmem:s17], $0x30  }
0x1f4: {  	s15 =	sld [smem:$0x7F9];
	_ =	sdelay $0x2  }
0x1f5: {  	[hbm:s15], [sflag:s30] =	dma.local [spmem:s18], $0x30  }
0x1f6: {  	_ =	swait.ge [sflag:s13], $0x30  }
0x1f7: {  	[sflag:s13] =	ssyncset.done $0x0  }
0x1f8: {  	[sflag:s13] =	ssyncadd.s32 $0xFFFFFFD0  }
0x1f9: {  	_ =	swait.ge [sflag:s13], $0x30  }
0x1fa: {  	[sflag:s13] =	ssyncset.done $0x0  }
0x1fb: {  	[sflag:s13] =	ssyncadd.s32 $0xFFFFFFD0  }
0x1fc: {  	_ =	swait.ge [sflag:s13], $0x30  }
0x1fd: {  	[sflag:s13] =	ssyncset.done $0x0  }
0x1fe: {  	[sflag:s13] =	ssyncadd.s32 $0xFFFFFFD0  }
0x1ff: {  	_ =	swait.ge [sflag:s13], $0x30  }
0x200: {  	[sflag:s13] =	ssyncset.done $0x0  }
0x201: {  	[sflag:s13] =	ssyncadd.s32 $0xFFFFFFD0  }
0x202: {  	_ =	swait.ge [sflag:s13], $0x30  }
0x203: {  	[sflag:s13] =	ssyncset.done $0x0  }
0x204: {  	[sflag:s13] =	ssyncadd.s32 $0xFFFFFFD0  }
0x205: {  	_ =	swait.ge [sflag:s13], $0x30  }
.Ltmp3:
0x206: {  	[sflag:s13] =	ssyncset.done $0x0;
	(pc) =	sbr.rel .LBB2_4-.Ltmp3, $4  }
0x207: {  	[sflag:s13] =	ssyncadd.s32 $0xFFFFFFD0  }
0x208: {  	_ =	swait.ge [sflag:s13], $0x30  }
0x209: {  	[sflag:s13] =	ssyncset.done $0x0  }
0x20a: {  	[sflag:s13] =	ssyncadd.s32 $0xFFFFFFD0  }
.LBB2_5:
0x20b: {  	_ =	sfence.sel $0x180000  }
0x20c: {  	[bflag:$0x0] =	sbarrier.arrive $0xFFFF  }
0x20d: {  	_ =	strace $0x90000047  }
0x20e: {  	s0 =	stileid.u32;
	[bflag:$0x2] =	sbarrier.arrive $0xFFFF  }
0x20f: {  	p0 =	sne.s32 s0, $0x0;
	s0 =	rddreg [dreg:$0x8]  }
0x210: {  	s0 =	sadd.s32 @!p0 $0x100000, s0  }
0x211: {  	[sflag:s0] =	ssyncadd.tile.s32 @!p0 $0x1;
	_ =	shalt  }
.Lfunc_end2:
_tile_overlayer_lowered:
.L_overlay_start_2:
0x212: {  	(tag) =	ssettag $0x2  }
0x213: {  	s0 =	rddreg [dreg:$0x0];
	s2 =	stileid.u32  }
0x214: {  	s1 =	rddreg [dreg:$0x1];
	p0 =	sne.s32 s2, $0x0  }
0x215: {  	s3 =	rddreg [dreg:$0x2];
	[bflag:$0x3] =	sbarrier.arrive $0xFFFF;
	s2 =	simm.s32 @!p0 $0x1C02  }
0x216: {  	[timem:s3], [sflag:s2] =	dma.local @!p0 [hbm:s0], s1  }
0x217: {  	s0 =	simm.s32 @!p0 $0x2  }
0x218: {  	_ =	swait.ge @!p0 [sflag:s0], s1  }
0x219: {  	s1 =	ssub.s32 @!p0 $0x0, s1;
	[sflag:s0] =	ssyncset.done @!p0 $0x0  }
0x21a: {  	[sflag:s0] =	ssyncadd.s32 @!p0 s1  }
0x21b: {  	[bflag:$0x3] =	sbarrier.arrive $0xFFFF  }
0x21c: {  	_ =	shalt  }

</sc_bundles>
